<compile_context>
chip_gen: v7x
topology: tpu7x:2x2x1
jax: 0.10.2.dev20260603
libtpu: 0.0.44.dev20260713+nightly
codegen_flags: <defaults>
</compile_context>

<pallas_src>
import functools

import jax
import jax.numpy as jnp
from jax import lax
from jax.experimental import pallas as pl
from jax.experimental.pallas import tpu as pltpu
from jax.experimental.pallas import tpu_sc as plsc

_D = 64
_PAD = 0
_NC = 2
_NS = 16
_NW = _NC * _NS
_CHUNK = 200
_NBUF = 4
_LOOK = 2
_GOFF = tuple(range(0, _CHUNK - 15, 16)) + ((_CHUNK - 16,)
                                            if _CHUNK % 16 else ())


def _embed_lookup(idx3, table, n_chunks, bsz, seq):
  mesh = plsc.VectorSubcoreMesh(core_axis_name="c", subcore_axis_name="s")

  @functools.partial(
      pl.kernel,
      out_type=jax.ShapeDtypeStruct((bsz, seq, _D), jnp.float32),
      mesh=mesh,
      compiler_params=pltpu.CompilerParams(
          needs_layout_passes=False, use_tc_tiling_on_sc=False),
      scratch_types=[
          pltpu.VMEM((n_chunks, _CHUNK), jnp.int32),
          [pltpu.VMEM((_CHUNK, _D), jnp.float32) for _ in range(_NBUF)],
          pltpu.VMEM((16,), jnp.int32),
          [pltpu.SemaphoreType.DMA for _ in range(_NBUF)],
          [pltpu.SemaphoreType.DMA for _ in range(_NBUF)],
      ],
  )
  def run(idx_hbm, table_hbm, out_hbm, idx_v, rows, flag_v, gsems, osems):
    wid = lax.axis_index("s") * _NC + lax.axis_index("c")
    pltpu.sync_copy(idx_hbm.at[wid], idx_v)

    def fire(j, s):
      pltpu.make_async_copy(table_hbm.at[idx_v.at[j]], rows[s], gsems[s]).start()

    def out_start(j, s):
      pltpu.make_async_copy(rows[s], out_hbm.at[wid * n_chunks + j],
                            osems[s]).start()

    def out_wait(j, s):
      pltpu.make_async_copy(rows[s], out_hbm.at[wid * n_chunks + j],
                            osems[s]).wait()

    def handle(j, s):
      pltpu.make_async_copy(table_hbm.at[idx_v.at[j]], rows[s], gsems[s]).wait()
      idx_row = idx_v.at[j]
      msk_acc = idx_row[pl.ds(_GOFF[0], 16)] == _PAD
      for off in _GOFF[1:]:
        msk_acc = msk_acc | (idx_row[pl.ds(off, 16)] == _PAD)
      flag_v[...] = jnp.zeros((16,), jnp.int32)
      plsc.store_scatter(flag_v.at[...], [jnp.zeros((16,), jnp.int32)],
                         jnp.ones((16,), jnp.int32), mask=msk_acc)
      nz = flag_v[...][0]

      @pl.when(nz != 0)
      def _fixup():
        zero16 = jnp.zeros((16,), jnp.float32)
        for off in _GOFF:
          v = idx_row[pl.ds(off, 16)]
          msk = v == _PAD
          rowv = off + lax.iota(jnp.int32, 16)

          def cbody(c, carry, _rowv=rowv, _msk=msk):
            colv = jnp.zeros((16,), jnp.int32) + c
            plsc.store_scatter(rows[s].at[...], [_rowv, colv], zero16,
                               mask=_msk)
            return carry

          lax.fori_loop(0, _D, cbody, 0)

      out_start(j, s)

    for j in range(_LOOK):
      fire(j, j % _NBUF)

    def body4(t, carry):
      for b in range(_NBUF):
        j = _NBUF * t + b
        handle(j, b)
        g = j + _LOOK
        s2 = (b + _LOOK) % _NBUF

        @pl.when(g < n_chunks)
        def _next(_g=g, _s2=s2):
          @pl.when(_g >= _NBUF)
          def _drain():
            out_wait(_g - _NBUF, _s2)

          fire(_g, _s2)

      return carry

    lax.fori_loop(0, n_chunks // _NBUF, body4, 0)

    for b in range(_NBUF):
      out_wait(n_chunks - _NBUF + b, b)

  return run(idx3, table)


def kernel(text, text_lengths, embedding_weight):
  del text_lengths
  b, s = text.shape
  assert s == _CHUNK and b % (_NW * _NBUF) == 0
  n_chunks = b // _NW
  idx3 = text.reshape(_NW, n_chunks, _CHUNK).astype(jnp.int32)
  return _embed_lookup(idx3, embedding_weight, n_chunks, b, s)

# --- scband reference (transcript-rebuilt; emitter-appended) ---
"""Pipeline reference for scband-base-model-15702400434798 (READ-ONLY COPY).

The authoritative reference and input builder live on the scoring server;
editing this copy changes nothing except your own understanding.
"""

import jax, jax.numpy as jnp
import numpy as np

VOCAB = 1000000
EMBED_DIM = 64
BATCH = 4096
SEQ = 200
PADDING_IDX = 0


def setup_inputs(seed: int = 0) -> dict:
    key = jax.random.key(seed)
    k1, k2, k3 = jax.random.split(key, 3)
    text = jax.random.randint(k1, (BATCH, SEQ), 0, VOCAB, dtype=jnp.int64 if jax.config.read('jax_enable_x64') else jnp.int32)
    text_lengths = jax.random.randint(k2, (BATCH,), 1, SEQ, dtype=jnp.int64 if jax.config.read('jax_enable_x64') else jnp.int32)
    embedding_weight = jax.random.normal(k3, (VOCAB, EMBED_DIM), dtype=jnp.float32)
    return {"text": text, "text_lengths": text_lengths, "embedding_weight": embedding_weight}


def reference(text, text_lengths, embedding_weight):
    # nn.Embedding with padding_idx: row at padding_idx is held at zero.
    table = embedding_weight.at[PADDING_IDX].set(0.0)
    embedded = jnp.take(table, text, axis=0)  # [B, S, D]
    # Original BaseModel.forward raises NotImplementedError after embedding;
    # the embedding lookup is the computable core and is what we return.
    return embedded

if __name__ == "__main__":
    import jax
    _d = setup_inputs()
    print(jax.jit(kernel)(*tuple(_d.values())))

</pallas_src>

<mosaic_0001>
#map = affine_map<(d0, d1) -> (0, 0, 0)>
#map1 = affine_map<(d0, d1) -> (0, 0)>
module attributes {stable_mosaic.version = 14 : i64} {
  func.func @run(%arg0: i32, %arg1: i32, %arg2: memref<32x128x200xi32, #tpu.memory_space<hbm>>, %arg3: memref<1000000x64xf32, #tpu.memory_space<hbm>>, %arg4: memref<4096x200x64xf32, #tpu.memory_space<hbm>>, %arg5: memref<128x200xi32, #tpu.memory_space<vmem>>, %arg6: memref<200x64xf32, #tpu.memory_space<vmem>>, %arg7: memref<200x64xf32, #tpu.memory_space<vmem>>, %arg8: memref<200x64xf32, #tpu.memory_space<vmem>>, %arg9: memref<200x64xf32, #tpu.memory_space<vmem>>, %arg10: memref<16xi32, #tpu.memory_space<vmem>>, %arg11: memref<!tpu.dma_semaphore, #tpu.memory_space<semaphore_mem>>, %arg12: memref<!tpu.dma_semaphore, #tpu.memory_space<semaphore_mem>>, %arg13: memref<!tpu.dma_semaphore, #tpu.memory_space<semaphore_mem>>, %arg14: memref<!tpu.dma_semaphore, #tpu.memory_space<semaphore_mem>>, %arg15: memref<!tpu.dma_semaphore, #tpu.memory_space<semaphore_mem>>, %arg16: memref<!tpu.dma_semaphore, #tpu.memory_space<semaphore_mem>>, %arg17: memref<!tpu.dma_semaphore, #tpu.memory_space<semaphore_mem>>, %arg18: memref<!tpu.dma_semaphore, #tpu.memory_space<semaphore_mem>>) attributes {dimension_semantics = [#tpu.dimension_semantics<core_parallel>, #tpu.dimension_semantics<subcore_parallel>], iteration_bounds = array<i64: 2, 16>, scalar_prefetch = 0 : i64, scratch_operands = 14 : i64, tpu.core_type = #tpu.core_type<sc_vector_subcore>, window_params = [{transform_indices = #map}, {transform_indices = #map1}, {transform_indices = #map}]} {
    %mul3A = arith.constant 2 : i32
    %mul3A_0 = arith.muli %arg1, %mul3A : i32
    %add3A = arith.addi %mul3A_0, %arg0 : i32
    "tpu.region"() ({
      %run_scoped3A = tpu.sem_alloc : memref<!tpu.dma_semaphore, #tpu.memory_space<semaphore_mem>>
      %dma_start3A_66 = arith.constant 0 : i32
      %dma_start3A_67 = arith.constant 0 : i32
      %dma_start3A_68 = tpu.memref_slice %arg2[%add3A, %dma_start3A_66, %dma_start3A_67] : memref<32x128x200xi32, #tpu.memory_space<hbm>> -> memref<1x128x200xi32, #tpu.memory_space<hbm>>
      %dma_start3A_69 = tpu.memref_squeeze %dma_start3A_68 : memref<1x128x200xi32, #tpu.memory_space<hbm>> -> memref<128x200xi32, #tpu.memory_space<hbm>>
      %dma_start3A_70 = arith.constant 0 : i32
      %dma_start3A_71 = arith.constant 0 : i32
      %dma_start3A_72 = tpu.memref_slice %arg2[%add3A, %dma_start3A_70, %dma_start3A_71] : memref<32x128x200xi32, #tpu.memory_space<hbm>> -> memref<1x128x200xi32, #tpu.memory_space<hbm>>
      %dma_start3A_73 = tpu.memref_squeeze %dma_start3A_72 : memref<1x128x200xi32, #tpu.memory_space<hbm>> -> memref<128x200xi32, #tpu.memory_space<hbm>>
      tpu.enqueue_dma source(%dma_start3A_73 : memref<128x200xi32, #tpu.memory_space<hbm>>) target(%arg5 : memref<128x200xi32, #tpu.memory_space<vmem>>) target_semaphore(%run_scoped3A : memref<!tpu.dma_semaphore, #tpu.memory_space<semaphore_mem>>)
      %dma_wait3A_74 = arith.constant 0 : i32
      %dma_wait3A_75 = arith.constant 0 : i32
      %dma_wait3A_76 = tpu.memref_slice %arg2[%add3A, %dma_wait3A_74, %dma_wait3A_75] : memref<32x128x200xi32, #tpu.memory_space<hbm>> -> memref<1x128x200xi32, #tpu.memory_space<hbm>>
      %dma_wait3A_77 = tpu.memref_squeeze %dma_wait3A_76 : memref<1x128x200xi32, #tpu.memory_space<hbm>> -> memref<128x200xi32, #tpu.memory_space<hbm>>
      %dma_wait3A_78 = arith.constant 0 : i32
      %dma_wait3A_79 = arith.constant 0 : i32
      %dma_wait3A_80 = tpu.memref_slice %arg2[%add3A, %dma_wait3A_78, %dma_wait3A_79] : memref<32x128x200xi32, #tpu.memory_space<hbm>> -> memref<1x128x200xi32, #tpu.memory_space<hbm>>
      %dma_wait3A_81 = tpu.memref_squeeze %dma_wait3A_80 : memref<1x128x200xi32, #tpu.memory_space<hbm>> -> memref<128x200xi32, #tpu.memory_space<hbm>>
      tpu.wait_dma2 semaphore(%run_scoped3A : memref<!tpu.dma_semaphore, #tpu.memory_space<semaphore_mem>>) src(%dma_wait3A_81 : memref<128x200xi32, #tpu.memory_space<hbm>>) dst(%arg5 : memref<128x200xi32, #tpu.memory_space<vmem>>)
      tpu.yield
    }) : () -> ()
    %dma_start3A = arith.constant 0 : i32
    %dma_start3A_1 = arith.constant 0 : i32
    %dma_start3A_2 = tpu.memref_slice %arg5[%dma_start3A, %dma_start3A_1] : memref<128x200xi32, #tpu.memory_space<vmem>> -> memref<1x200xi32, #tpu.memory_space<vmem>>
    %dma_start3A_3 = tpu.memref_squeeze %dma_start3A_2 : memref<1x200xi32, #tpu.memory_space<vmem>> -> memref<200xi32, #tpu.memory_space<vmem>>
    %dma_start3A_4 = arith.constant 0 : i32
    %dma_start3A_5 = arith.constant 0 : i32
    %dma_start3A_6 = tpu.memref_slice %arg3[%dma_start3A_4, %dma_start3A_5] : memref<1000000x64xf32, #tpu.memory_space<hbm>> -> memref<1000000x64xf32, #tpu.memory_space<hbm>>
    tpu.enqueue_indirect_dma source(%dma_start3A_6 : memref<1000000x64xf32, #tpu.memory_space<hbm>>) target(%arg6 : memref<200x64xf32, #tpu.memory_space<vmem>>) offsets(%dma_start3A_3 : memref<200xi32, #tpu.memory_space<vmem>>) semaphore(%arg11 : memref<!tpu.dma_semaphore, #tpu.memory_space<semaphore_mem>>)
    %dma_start3A_7 = arith.constant 1 : i32
    %dma_start3A_8 = arith.constant 0 : i32
    %dma_start3A_9 = tpu.memref_slice %arg5[%dma_start3A_7, %dma_start3A_8] : memref<128x200xi32, #tpu.memory_space<vmem>> -> memref<1x200xi32, #tpu.memory_space<vmem>>
    %dma_start3A_10 = tpu.memref_squeeze %dma_start3A_9 : memref<1x200xi32, #tpu.memory_space<vmem>> -> memref<200xi32, #tpu.memory_space<vmem>>
    %dma_start3A_11 = arith.constant 0 : i32
    %dma_start3A_12 = arith.constant 0 : i32
    %dma_start3A_13 = tpu.memref_slice %arg3[%dma_start3A_11, %dma_start3A_12] : memref<1000000x64xf32, #tpu.memory_space<hbm>> -> memref<1000000x64xf32, #tpu.memory_space<hbm>>
    tpu.enqueue_indirect_dma source(%dma_start3A_13 : memref<1000000x64xf32, #tpu.memory_space<hbm>>) target(%arg7 : memref<200x64xf32, #tpu.memory_space<vmem>>) offsets(%dma_start3A_10 : memref<200xi32, #tpu.memory_space<vmem>>) semaphore(%arg12 : memref<!tpu.dma_semaphore, #tpu.memory_space<semaphore_mem>>)
    %scan3A = arith.constant 0 : i32
    %scan3A_14 = arith.constant 0 : i32
    %scan3A_15 = arith.constant 32 : i32
    %scan3A_16 = arith.addi %scan3A_14, %scan3A_15 : i32
    %scan3A_17 = arith.constant 1 : i32
    scf.for %scan3A_66 = %scan3A_14 to %scan3A_16 step %scan3A_17  : i32 {
      %mul3A_67 = arith.constant 4 : i32
      %mul3A_68 = arith.muli %mul3A_67, %scan3A_66 : i32
      %add3A_69 = arith.constant 0 : i32
      %add3A_70 = arith.addi %mul3A_68, %add3A_69 : i32
      %dma_wait3A_71 = arith.constant 0 : i32
      %dma_wait3A_72 = tpu.memref_slice %arg5[%add3A_70, %dma_wait3A_71] : memref<128x200xi32, #tpu.memory_space<vmem>> -> memref<1x200xi32, #tpu.memory_space<vmem>>
      %dma_wait3A_73 = tpu.memref_squeeze %dma_wait3A_72 : memref<1x200xi32, #tpu.memory_space<vmem>> -> memref<200xi32, #tpu.memory_space<vmem>>
      %dma_wait3A_74 = arith.constant 0 : i32
      %dma_wait3A_75 = arith.constant 0 : i32
      %dma_wait3A_76 = tpu.memref_slice %arg3[%dma_wait3A_74, %dma_wait3A_75] : memref<1000000x64xf32, #tpu.memory_space<hbm>> -> memref<1000000x64xf32, #tpu.memory_space<hbm>>
      tpu.wait_indirect_dma semaphore(%arg11 : memref<!tpu.dma_semaphore, #tpu.memory_space<semaphore_mem>>) src(%dma_wait3A_76 : memref<1000000x64xf32, #tpu.memory_space<hbm>>) dst(%arg6 : memref<200x64xf32, #tpu.memory_space<vmem>>)
      %get3A = arith.constant 0 : i32
      %get3A_77 = tpu.memref_slice %arg5[%add3A_70, %get3A] : memref<128x200xi32, #tpu.memory_space<vmem>> -> memref<1x200xi32, #tpu.memory_space<vmem>>
      %get3A_78 = tpu.memref_squeeze %get3A_77 : memref<1x200xi32, #tpu.memory_space<vmem>> -> memref<200xi32, #tpu.memory_space<vmem>>
      %get3A_79 = arith.constant 0 : index
      %get3A_80 = tpu.vector_load %get3A_78[%get3A_79] {strides = array<i32>} : memref<200xi32, #tpu.memory_space<vmem>>, vector<16xi32>,
      %eq3A = arith.constant 0 : i32
      %eq3A_81 = vector.broadcast %eq3A : i32 to vector<16xi32>
      %eq3A_82 = arith.cmpi eq, %get3A_80, %eq3A_81 : vector<16xi32>
      %get3A_83 = arith.constant 0 : i32
      %get3A_84 = tpu.memref_slice %arg5[%add3A_70, %get3A_83] : memref<128x200xi32, #tpu.memory_space<vmem>> -> memref<1x200xi32, #tpu.memory_space<vmem>>
      %get3A_85 = tpu.memref_squeeze %get3A_84 : memref<1x200xi32, #tpu.memory_space<vmem>> -> memref<200xi32, #tpu.memory_space<vmem>>
      %get3A_86 = arith.constant 16 : index
      %get3A_87 = tpu.vector_load %get3A_85[%get3A_86] {strides = array<i32>} : memref<200xi32, #tpu.memory_space<vmem>>, vector<16xi32>,
      %eq3A_88 = arith.constant 0 : i32
      %eq3A_89 = vector.broadcast %eq3A_88 : i32 to vector<16xi32>
      %eq3A_90 = arith.cmpi eq, %get3A_87, %eq3A_89 : vector<16xi32>
      %or3A = arith.ori %eq3A_82, %eq3A_90 : vector<16xi1>
      %get3A_91 = arith.constant 0 : i32
      %get3A_92 = tpu.memref_slice %arg5[%add3A_70, %get3A_91] : memref<128x200xi32, #tpu.memory_space<vmem>> -> memref<1x200xi32, #tpu.memory_space<vmem>>
      %get3A_93 = tpu.memref_squeeze %get3A_92 : memref<1x200xi32, #tpu.memory_space<vmem>> -> memref<200xi32, #tpu.memory_space<vmem>>
      %get3A_94 = arith.constant 32 : index
      %get3A_95 = tpu.vector_load %get3A_93[%get3A_94] {strides = array<i32>} : memref<200xi32, #tpu.memory_space<vmem>>, vector<16xi32>,
      %eq3A_96 = arith.constant 0 : i32
      %eq3A_97 = vector.broadcast %eq3A_96 : i32 to vector<16xi32>
      %eq3A_98 = arith.cmpi eq, %get3A_95, %eq3A_97 : vector<16xi32>
      %or3A_99 = arith.ori %or3A, %eq3A_98 : vector<16xi1>
      %get3A_100 = arith.constant 0 : i32
      %get3A_101 = tpu.memref_slice %arg5[%add3A_70, %get3A_100] : memref<128x200xi32, #tpu.memory_space<vmem>> -> memref<1x200xi32, #tpu.memory_space<vmem>>
      %get3A_102 = tpu.memref_squeeze %get3A_101 : memref<1x200xi32, #tpu.memory_space<vmem>> -> memref<200xi32, #tpu.memory_space<vmem>>
      %get3A_103 = arith.constant 48 : index
      %get3A_104 = tpu.vector_load %get3A_102[%get3A_103] {strides = array<i32>} : memref<200xi32, #tpu.memory_space<vmem>>, vector<16xi32>,
      %eq3A_105 = arith.constant 0 : i32
      %eq3A_106 = vector.broadcast %eq3A_105 : i32 to vector<16xi32>
      %eq3A_107 = arith.cmpi eq, %get3A_104, %eq3A_106 : vector<16xi32>
      %or3A_108 = arith.ori %or3A_99, %eq3A_107 : vector<16xi1>
      %get3A_109 = arith.constant 0 : i32
      %get3A_110 = tpu.memref_slice %arg5[%add3A_70, %get3A_109] : memref<128x200xi32, #tpu.memory_space<vmem>> -> memref<1x200xi32, #tpu.memory_space<vmem>>
      %get3A_111 = tpu.memref_squeeze %get3A_110 : memref<1x200xi32, #tpu.memory_space<vmem>> -> memref<200xi32, #tpu.memory_space<vmem>>
      %get3A_112 = arith.constant 64 : index
      %get3A_113 = tpu.vector_load %get3A_111[%get3A_112] {strides = array<i32>} : memref<200xi32, #tpu.memory_space<vmem>>, vector<16xi32>,
      %eq3A_114 = arith.constant 0 : i32
      %eq3A_115 = vector.broadcast %eq3A_114 : i32 to vector<16xi32>
      %eq3A_116 = arith.cmpi eq, %get3A_113, %eq3A_115 : vector<16xi32>
      %or3A_117 = arith.ori %or3A_108, %eq3A_116 : vector<16xi1>
      %get3A_118 = arith.constant 0 : i32
      %get3A_119 = tpu.memref_slice %arg5[%add3A_70, %get3A_118] : memref<128x200xi32, #tpu.memory_space<vmem>> -> memref<1x200xi32, #tpu.memory_space<vmem>>
      %get3A_120 = tpu.memref_squeeze %get3A_119 : memref<1x200xi32, #tpu.memory_space<vmem>> -> memref<200xi32, #tpu.memory_space<vmem>>
      %get3A_121 = arith.constant 80 : index
      %get3A_122 = tpu.vector_load %get3A_120[%get3A_121] {strides = array<i32>} : memref<200xi32, #tpu.memory_space<vmem>>, vector<16xi32>,
      %eq3A_123 = arith.constant 0 : i32
      %eq3A_124 = vector.broadcast %eq3A_123 : i32 to vector<16xi32>
      %eq3A_125 = arith.cmpi eq, %get3A_122, %eq3A_124 : vector<16xi32>
      %or3A_126 = arith.ori %or3A_117, %eq3A_125 : vector<16xi1>
      %get3A_127 = arith.constant 0 : i32
      %get3A_128 = tpu.memref_slice %arg5[%add3A_70, %get3A_127] : memref<128x200xi32, #tpu.memory_space<vmem>> -> memref<1x200xi32, #tpu.memory_space<vmem>>
      %get3A_129 = tpu.memref_squeeze %get3A_128 : memref<1x200xi32, #tpu.memory_space<vmem>> -> memref<200xi32, #tpu.memory_space<vmem>>
      %get3A_130 = arith.constant 96 : index
      %get3A_131 = tpu.vector_load %get3A_129[%get3A_130] {strides = array<i32>} : memref<200xi32, #tpu.memory_space<vmem>>, vector<16xi32>,
      %eq3A_132 = arith.constant 0 : i32
      %eq3A_133 = vector.broadcast %eq3A_132 : i32 to vector<16xi32>
      %eq3A_134 = arith.cmpi eq, %get3A_131, %eq3A_133 : vector<16xi32>
      %or3A_135 = arith.ori %or3A_126, %eq3A_134 : vector<16xi1>
      %get3A_136 = arith.constant 0 : i32
      %get3A_137 = tpu.memref_slice %arg5[%add3A_70, %get3A_136] : memref<128x200xi32, #tpu.memory_space<vmem>> -> memref<1x200xi32, #tpu.memory_space<vmem>>
      %get3A_138 = tpu.memref_squeeze %get3A_137 : memref<1x200xi32, #tpu.memory_space<vmem>> -> memref<200xi32, #tpu.memory_space<vmem>>
      %get3A_139 = arith.constant 112 : index
      %get3A_140 = tpu.vector_load %get3A_138[%get3A_139] {strides = array<i32>} : memref<200xi32, #tpu.memory_space<vmem>>, vector<16xi32>,
      %eq3A_141 = arith.constant 0 : i32
      %eq3A_142 = vector.broadcast %eq3A_141 : i32 to vector<16xi32>
      %eq3A_143 = arith.cmpi eq, %get3A_140, %eq3A_142 : vector<16xi32>
      %or3A_144 = arith.ori %or3A_135, %eq3A_143 : vector<16xi1>
      %get3A_145 = arith.constant 0 : i32
      %get3A_146 = tpu.memref_slice %arg5[%add3A_70, %get3A_145] : memref<128x200xi32, #tpu.memory_space<vmem>> -> memref<1x200xi32, #tpu.memory_space<vmem>>
      %get3A_147 = tpu.memref_squeeze %get3A_146 : memref<1x200xi32, #tpu.memory_space<vmem>> -> memref<200xi32, #tpu.memory_space<vmem>>
      %get3A_148 = arith.constant 128 : index
      %get3A_149 = tpu.vector_load %get3A_147[%get3A_148] {strides = array<i32>} : memref<200xi32, #tpu.memory_space<vmem>>, vector<16xi32>,
      %eq3A_150 = arith.constant 0 : i32
      %eq3A_151 = vector.broadcast %eq3A_150 : i32 to vector<16xi32>
      %eq3A_152 = arith.cmpi eq, %get3A_149, %eq3A_151 : vector<16xi32>
      %or3A_153 = arith.ori %or3A_144, %eq3A_152 : vector<16xi1>
      %get3A_154 = arith.constant 0 : i32
      %get3A_155 = tpu.memref_slice %arg5[%add3A_70, %get3A_154] : memref<128x200xi32, #tpu.memory_space<vmem>> -> memref<1x200xi32, #tpu.memory_space<vmem>>
      %get3A_156 = tpu.memref_squeeze %get3A_155 : memref<1x200xi32, #tpu.memory_space<vmem>> -> memref<200xi32, #tpu.memory_space<vmem>>
      %get3A_157 = arith.constant 144 : index
      %get3A_158 = tpu.vector_load %get3A_156[%get3A_157] {strides = array<i32>} : memref<200xi32, #tpu.memory_space<vmem>>, vector<16xi32>,
      %eq3A_159 = arith.constant 0 : i32
      %eq3A_160 = vector.broadcast %eq3A_159 : i32 to vector<16xi32>
      %eq3A_161 = arith.cmpi eq, %get3A_158, %eq3A_160 : vector<16xi32>
      %or3A_162 = arith.ori %or3A_153, %eq3A_161 : vector<16xi1>
      %get3A_163 = arith.constant 0 : i32
      %get3A_164 = tpu.memref_slice %arg5[%add3A_70, %get3A_163] : memref<128x200xi32, #tpu.memory_space<vmem>> -> memref<1x200xi32, #tpu.memory_space<vmem>>
      %get3A_165 = tpu.memref_squeeze %get3A_164 : memref<1x200xi32, #tpu.memory_space<vmem>> -> memref<200xi32, #tpu.memory_space<vmem>>
      %get3A_166 = arith.constant 160 : index
      %get3A_167 = tpu.vector_load %get3A_165[%get3A_166] {strides = array<i32>} : memref<200xi32, #tpu.memory_space<vmem>>, vector<16xi32>,
      %eq3A_168 = arith.constant 0 : i32
      %eq3A_169 = vector.broadcast %eq3A_168 : i32 to vector<16xi32>
      %eq3A_170 = arith.cmpi eq, %get3A_167, %eq3A_169 : vector<16xi32>
      %or3A_171 = arith.ori %or3A_162, %eq3A_170 : vector<16xi1>
      %get3A_172 = arith.constant 0 : i32
      %get3A_173 = tpu.memref_slice %arg5[%add3A_70, %get3A_172] : memref<128x200xi32, #tpu.memory_space<vmem>> -> memref<1x200xi32, #tpu.memory_space<vmem>>
      %get3A_174 = tpu.memref_squeeze %get3A_173 : memref<1x200xi32, #tpu.memory_space<vmem>> -> memref<200xi32, #tpu.memory_space<vmem>>
      %get3A_175 = arith.constant 176 : index
      %get3A_176 = tpu.vector_load %get3A_174[%get3A_175] {strides = array<i32>} : memref<200xi32, #tpu.memory_space<vmem>>, vector<16xi32>,
      %eq3A_177 = arith.constant 0 : i32
      %eq3A_178 = vector.broadcast %eq3A_177 : i32 to vector<16xi32>
      %eq3A_179 = arith.cmpi eq, %get3A_176, %eq3A_178 : vector<16xi32>
      %or3A_180 = arith.ori %or3A_171, %eq3A_179 : vector<16xi1>
      %get3A_181 = arith.constant 0 : i32
      %get3A_182 = tpu.memref_slice %arg5[%add3A_70, %get3A_181] : memref<128x200xi32, #tpu.memory_space<vmem>> -> memref<1x200xi32, #tpu.memory_space<vmem>>
      %get3A_183 = tpu.memref_squeeze %get3A_182 : memref<1x200xi32, #tpu.memory_space<vmem>> -> memref<200xi32, #tpu.memory_space<vmem>>
      %get3A_184 = arith.constant 184 : index
      %get3A_185 = tpu.vector_load %get3A_183[%get3A_184] {strides = array<i32>} : memref<200xi32, #tpu.memory_space<vmem>>, vector<16xi32>,
      %eq3A_186 = arith.constant 0 : i32
      %eq3A_187 = vector.broadcast %eq3A_186 : i32 to vector<16xi32>
      %eq3A_188 = arith.cmpi eq, %get3A_185, %eq3A_187 : vector<16xi32>
      %or3A_189 = arith.ori %or3A_180, %eq3A_188 : vector<16xi1>
      %broadcast_in_dim3A = arith.constant 0 : i32
      %broadcast_in_dim3A_190 = vector.broadcast %broadcast_in_dim3A : i32 to vector<16xi32>
      %swap3A = arith.constant 0 : index
      %swap3A_191 = tpu.vector_load %arg10[%swap3A] {strides = array<i32>} : memref<16xi32, #tpu.memory_space<vmem>>, vector<16xi32>,
      tpu.vector_store %arg10[%swap3A], %broadcast_in_dim3A_190 {strides = array<i32>} : memref<16xi32, #tpu.memory_space<vmem>>, vector<16xi32>,
      %broadcast_in_dim3A_192 = arith.constant 0 : i32
      %broadcast_in_dim3A_193 = vector.broadcast %broadcast_in_dim3A_192 : i32 to vector<16xi32>
      %broadcast_in_dim3A_194 = arith.constant 1 : i32
      %broadcast_in_dim3A_195 = vector.broadcast %broadcast_in_dim3A_194 : i32 to vector<16xi32>
      %scatter3A = arith.constant 0 : i32
      %scatter3A_196 = tpu.memref_slice %arg10[%scatter3A] : memref<16xi32, #tpu.memory_space<vmem>> -> memref<16xi32, #tpu.memory_space<vmem>>
      tpu.vector_store_idx %scatter3A_196[%broadcast_in_dim3A_193], %broadcast_in_dim3A_195 masked %or3A_189 : memref<16xi32, #tpu.memory_space<vmem>>[vector<16xi32>], vector<16xi32>, vector<16xi1>
      %get3A_197 = arith.constant 0 : index
      %get3A_198 = tpu.vector_load %arg10[%get3A_197] {strides = array<i32>} : memref<16xi32, #tpu.memory_space<vmem>>, vector<16xi32>,
      %slice3A = vector.extract_strided_slice %get3A_198 {offsets = [0], sizes = [1], strides = [1]} : vector<16xi32> to vector<1xi32>
      %squeeze3A = vector.extract %slice3A[0] : i32 from vector<1xi32>
      %ne3A = arith.constant 0 : i32
      %ne3A_199 = arith.cmpi ne, %squeeze3A, %ne3A : i32
      %convert_element_type3A = arith.extui %ne3A_199 : i1 to i32
      %cond3A = arith.constant 0 : i32
      %cond3A_200 = arith.cmpi ne, %convert_element_type3A, %cond3A : i32
      scf.if %cond3A_200 {
        %broadcast_in_dim3A_707 = arith.constant 0.000000e+00 : f32
        %broadcast_in_dim3A_708 = vector.broadcast %broadcast_in_dim3A_707 : f32 to vector<16xf32>
        %get3A_709 = arith.constant 0 : i32
        %get3A_710 = tpu.memref_slice %arg5[%add3A_70, %get3A_709] : memref<128x200xi32, #tpu.memory_space<vmem>> -> memref<1x200xi32, #tpu.memory_space<vmem>>
        %get3A_711 = tpu.memref_squeeze %get3A_710 : memref<1x200xi32, #tpu.memory_space<vmem>> -> memref<200xi32, #tpu.memory_space<vmem>>
        %get3A_712 = arith.constant 0 : index
        %get3A_713 = tpu.vector_load %get3A_711[%get3A_712] {strides = array<i32>} : memref<200xi32, #tpu.memory_space<vmem>>, vector<16xi32>,
        %eq3A_714 = arith.constant 0 : i32
        %eq3A_715 = vector.broadcast %eq3A_714 : i32 to vector<16xi32>
        %eq3A_716 = arith.cmpi eq, %get3A_713, %eq3A_715 : vector<16xi32>
        %iota3A = tpu.iota {dimensions = array<i32: 0>} : vector<16xi32>
        %add3A_717 = arith.constant 0 : i32
        %add3A_718 = vector.broadcast %add3A_717 : i32 to vector<16xi32>
        %add3A_719 = arith.addi %add3A_718, %iota3A : vector<16xi32>
        %scan3A_720 = arith.constant 0 : i32
        %scan3A_721 = arith.constant 0 : i32
        %scan3A_722 = arith.constant 64 : i32
        %scan3A_723 = arith.addi %scan3A_721, %scan3A_722 : i32
        %scan3A_724 = arith.constant 1 : i32
        scf.for %scan3A_942 = %scan3A_721 to %scan3A_723 step %scan3A_724  : i32 {
          %broadcast_in_dim3A_943 = arith.constant 0 : i32
          %broadcast_in_dim3A_944 = vector.broadcast %broadcast_in_dim3A_943 : i32 to vector<16xi32>
          %add3A_945 = vector.broadcast %scan3A_942 : i32 to vector<16xi32>
          %add3A_946 = arith.addi %broadcast_in_dim3A_944, %add3A_945 : vector<16xi32>
          %scatter3A_947 = arith.constant 0 : i32
          %scatter3A_948 = arith.constant 0 : i32
          %scatter3A_949 = tpu.memref_slice %arg6[%scatter3A_947, %scatter3A_948] : memref<200x64xf32, #tpu.memory_space<vmem>> -> memref<200x64xf32, #tpu.memory_space<vmem>>
          tpu.vector_store_idx %scatter3A_949[%add3A_719, %add3A_946], %broadcast_in_dim3A_708 masked %eq3A_716 : memref<200x64xf32, #tpu.memory_space<vmem>>[vector<16xi32>, vector<16xi32>], vector<16xf32>, vector<16xi1>
        }
        %scan3A_725 = arith.constant 64 : i32
        %get3A_726 = arith.constant 0 : i32
        %get3A_727 = tpu.memref_slice %arg5[%add3A_70, %get3A_726] : memref<128x200xi32, #tpu.memory_space<vmem>> -> memref<1x200xi32, #tpu.memory_space<vmem>>
        %get3A_728 = tpu.memref_squeeze %get3A_727 : memref<1x200xi32, #tpu.memory_space<vmem>> -> memref<200xi32, #tpu.memory_space<vmem>>
        %get3A_729 = arith.constant 16 : index
        %get3A_730 = tpu.vector_load %get3A_728[%get3A_729] {strides = array<i32>} : memref<200xi32, #tpu.memory_space<vmem>>, vector<16xi32>,
        %eq3A_731 = arith.constant 0 : i32
        %eq3A_732 = vector.broadcast %eq3A_731 : i32 to vector<16xi32>
        %eq3A_733 = arith.cmpi eq, %get3A_730, %eq3A_732 : vector<16xi32>
        %iota3A_734 = tpu.iota {dimensions = array<i32: 0>} : vector<16xi32>
        %add3A_735 = arith.constant 16 : i32
        %add3A_736 = vector.broadcast %add3A_735 : i32 to vector<16xi32>
        %add3A_737 = arith.addi %add3A_736, %iota3A_734 : vector<16xi32>
        %scan3A_738 = arith.constant 0 : i32
        %scan3A_739 = arith.constant 0 : i32
        %scan3A_740 = arith.constant 64 : i32
        %scan3A_741 = arith.addi %scan3A_739, %scan3A_740 : i32
        %scan3A_742 = arith.constant 1 : i32
        scf.for %scan3A_942 = %scan3A_739 to %scan3A_741 step %scan3A_742  : i32 {
          %broadcast_in_dim3A_943 = arith.constant 0 : i32
          %broadcast_in_dim3A_944 = vector.broadcast %broadcast_in_dim3A_943 : i32 to vector<16xi32>
          %add3A_945 = vector.broadcast %scan3A_942 : i32 to vector<16xi32>
          %add3A_946 = arith.addi %broadcast_in_dim3A_944, %add3A_945 : vector<16xi32>
          %scatter3A_947 = arith.constant 0 : i32
          %scatter3A_948 = arith.constant 0 : i32
          %scatter3A_949 = tpu.memref_slice %arg6[%scatter3A_947, %scatter3A_948] : memref<200x64xf32, #tpu.memory_space<vmem>> -> memref<200x64xf32, #tpu.memory_space<vmem>>
          tpu.vector_store_idx %scatter3A_949[%add3A_737, %add3A_946], %broadcast_in_dim3A_708 masked %eq3A_733 : memref<200x64xf32, #tpu.memory_space<vmem>>[vector<16xi32>, vector<16xi32>], vector<16xf32>, vector<16xi1>
        }
        %scan3A_743 = arith.constant 64 : i32
        %get3A_744 = arith.constant 0 : i32
        %get3A_745 = tpu.memref_slice %arg5[%add3A_70, %get3A_744] : memref<128x200xi32, #tpu.memory_space<vmem>> -> memref<1x200xi32, #tpu.memory_space<vmem>>
        %get3A_746 = tpu.memref_squeeze %get3A_745 : memref<1x200xi32, #tpu.memory_space<vmem>> -> memref<200xi32, #tpu.memory_space<vmem>>
        %get3A_747 = arith.constant 32 : index
        %get3A_748 = tpu.vector_load %get3A_746[%get3A_747] {strides = array<i32>} : memref<200xi32, #tpu.memory_space<vmem>>, vector<16xi32>,
        %eq3A_749 = arith.constant 0 : i32
        %eq3A_750 = vector.broadcast %eq3A_749 : i32 to vector<16xi32>
        %eq3A_751 = arith.cmpi eq, %get3A_748, %eq3A_750 : vector<16xi32>
        %iota3A_752 = tpu.iota {dimensions = array<i32: 0>} : vector<16xi32>
        %add3A_753 = arith.constant 32 : i32
        %add3A_754 = vector.broadcast %add3A_753 : i32 to vector<16xi32>
        %add3A_755 = arith.addi %add3A_754, %iota3A_752 : vector<16xi32>
        %scan3A_756 = arith.constant 0 : i32
        %scan3A_757 = arith.constant 0 : i32
        %scan3A_758 = arith.constant 64 : i32
        %scan3A_759 = arith.addi %scan3A_757, %scan3A_758 : i32
        %scan3A_760 = arith.constant 1 : i32
        scf.for %scan3A_942 = %scan3A_757 to %scan3A_759 step %scan3A_760  : i32 {
          %broadcast_in_dim3A_943 = arith.constant 0 : i32
          %broadcast_in_dim3A_944 = vector.broadcast %broadcast_in_dim3A_943 : i32 to vector<16xi32>
          %add3A_945 = vector.broadcast %scan3A_942 : i32 to vector<16xi32>
          %add3A_946 = arith.addi %broadcast_in_dim3A_944, %add3A_945 : vector<16xi32>
          %scatter3A_947 = arith.constant 0 : i32
          %scatter3A_948 = arith.constant 0 : i32
          %scatter3A_949 = tpu.memref_slice %arg6[%scatter3A_947, %scatter3A_948] : memref<200x64xf32, #tpu.memory_space<vmem>> -> memref<200x64xf32, #tpu.memory_space<vmem>>
          tpu.vector_store_idx %scatter3A_949[%add3A_755, %add3A_946], %broadcast_in_dim3A_708 masked %eq3A_751 : memref<200x64xf32, #tpu.memory_space<vmem>>[vector<16xi32>, vector<16xi32>], vector<16xf32>, vector<16xi1>
        }
        %scan3A_761 = arith.constant 64 : i32
        %get3A_762 = arith.constant 0 : i32
        %get3A_763 = tpu.memref_slice %arg5[%add3A_70, %get3A_762] : memref<128x200xi32, #tpu.memory_space<vmem>> -> memref<1x200xi32, #tpu.memory_space<vmem>>
        %get3A_764 = tpu.memref_squeeze %get3A_763 : memref<1x200xi32, #tpu.memory_space<vmem>> -> memref<200xi32, #tpu.memory_space<vmem>>
        %get3A_765 = arith.constant 48 : index
        %get3A_766 = tpu.vector_load %get3A_764[%get3A_765] {strides = array<i32>} : memref<200xi32, #tpu.memory_space<vmem>>, vector<16xi32>,
        %eq3A_767 = arith.constant 0 : i32
        %eq3A_768 = vector.broadcast %eq3A_767 : i32 to vector<16xi32>
        %eq3A_769 = arith.cmpi eq, %get3A_766, %eq3A_768 : vector<16xi32>
        %iota3A_770 = tpu.iota {dimensions = array<i32: 0>} : vector<16xi32>
        %add3A_771 = arith.constant 48 : i32
        %add3A_772 = vector.broadcast %add3A_771 : i32 to vector<16xi32>
        %add3A_773 = arith.addi %add3A_772, %iota3A_770 : vector<16xi32>
        %scan3A_774 = arith.constant 0 : i32
        %scan3A_775 = arith.constant 0 : i32
        %scan3A_776 = arith.constant 64 : i32
        %scan3A_777 = arith.addi %scan3A_775, %scan3A_776 : i32
        %scan3A_778 = arith.constant 1 : i32
        scf.for %scan3A_942 = %scan3A_775 to %scan3A_777 step %scan3A_778  : i32 {
          %broadcast_in_dim3A_943 = arith.constant 0 : i32
          %broadcast_in_dim3A_944 = vector.broadcast %broadcast_in_dim3A_943 : i32 to vector<16xi32>
          %add3A_945 = vector.broadcast %scan3A_942 : i32 to vector<16xi32>
          %add3A_946 = arith.addi %broadcast_in_dim3A_944, %add3A_945 : vector<16xi32>
          %scatter3A_947 = arith.constant 0 : i32
          %scatter3A_948 = arith.constant 0 : i32
          %scatter3A_949 = tpu.memref_slice %arg6[%scatter3A_947, %scatter3A_948] : memref<200x64xf32, #tpu.memory_space<vmem>> -> memref<200x64xf32, #tpu.memory_space<vmem>>
          tpu.vector_store_idx %scatter3A_949[%add3A_773, %add3A_946], %broadcast_in_dim3A_708 masked %eq3A_769 : memref<200x64xf32, #tpu.memory_space<vmem>>[vector<16xi32>, vector<16xi32>], vector<16xf32>, vector<16xi1>
        }
        %scan3A_779 = arith.constant 64 : i32
        %get3A_780 = arith.constant 0 : i32
        %get3A_781 = tpu.memref_slice %arg5[%add3A_70, %get3A_780] : memref<128x200xi32, #tpu.memory_space<vmem>> -> memref<1x200xi32, #tpu.memory_space<vmem>>
        %get3A_782 = tpu.memref_squeeze %get3A_781 : memref<1x200xi32, #tpu.memory_space<vmem>> -> memref<200xi32, #tpu.memory_space<vmem>>
        %get3A_783 = arith.constant 64 : index
        %get3A_784 = tpu.vector_load %get3A_782[%get3A_783] {strides = array<i32>} : memref<200xi32, #tpu.memory_space<vmem>>, vector<16xi32>,
        %eq3A_785 = arith.constant 0 : i32
        %eq3A_786 = vector.broadcast %eq3A_785 : i32 to vector<16xi32>
        %eq3A_787 = arith.cmpi eq, %get3A_784, %eq3A_786 : vector<16xi32>
        %iota3A_788 = tpu.iota {dimensions = array<i32: 0>} : vector<16xi32>
        %add3A_789 = arith.constant 64 : i32
        %add3A_790 = vector.broadcast %add3A_789 : i32 to vector<16xi32>
        %add3A_791 = arith.addi %add3A_790, %iota3A_788 : vector<16xi32>
        %scan3A_792 = arith.constant 0 : i32
        %scan3A_793 = arith.constant 0 : i32
        %scan3A_794 = arith.constant 64 : i32
        %scan3A_795 = arith.addi %scan3A_793, %scan3A_794 : i32
        %scan3A_796 = arith.constant 1 : i32
        scf.for %scan3A_942 = %scan3A_793 to %scan3A_795 step %scan3A_796  : i32 {
          %broadcast_in_dim3A_943 = arith.constant 0 : i32
          %broadcast_in_dim3A_944 = vector.broadcast %broadcast_in_dim3A_943 : i32 to vector<16xi32>
          %add3A_945 = vector.broadcast %scan3A_942 : i32 to vector<16xi32>
          %add3A_946 = arith.addi %broadcast_in_dim3A_944, %add3A_945 : vector<16xi32>
          %scatter3A_947 = arith.constant 0 : i32
          %scatter3A_948 = arith.constant 0 : i32
          %scatter3A_949 = tpu.memref_slice %arg6[%scatter3A_947, %scatter3A_948] : memref<200x64xf32, #tpu.memory_space<vmem>> -> memref<200x64xf32, #tpu.memory_space<vmem>>
          tpu.vector_store_idx %scatter3A_949[%add3A_791, %add3A_946], %broadcast_in_dim3A_708 masked %eq3A_787 : memref<200x64xf32, #tpu.memory_space<vmem>>[vector<16xi32>, vector<16xi32>], vector<16xf32>, vector<16xi1>
        }
        %scan3A_797 = arith.constant 64 : i32
        %get3A_798 = arith.constant 0 : i32
        %get3A_799 = tpu.memref_slice %arg5[%add3A_70, %get3A_798] : memref<128x200xi32, #tpu.memory_space<vmem>> -> memref<1x200xi32, #tpu.memory_space<vmem>>
        %get3A_800 = tpu.memref_squeeze %get3A_799 : memref<1x200xi32, #tpu.memory_space<vmem>> -> memref<200xi32, #tpu.memory_space<vmem>>
        %get3A_801 = arith.constant 80 : index
        %get3A_802 = tpu.vector_load %get3A_800[%get3A_801] {strides = array<i32>} : memref<200xi32, #tpu.memory_space<vmem>>, vector<16xi32>,
        %eq3A_803 = arith.constant 0 : i32
        %eq3A_804 = vector.broadcast %eq3A_803 : i32 to vector<16xi32>
        %eq3A_805 = arith.cmpi eq, %get3A_802, %eq3A_804 : vector<16xi32>
        %iota3A_806 = tpu.iota {dimensions = array<i32: 0>} : vector<16xi32>
        %add3A_807 = arith.constant 80 : i32
        %add3A_808 = vector.broadcast %add3A_807 : i32 to vector<16xi32>
        %add3A_809 = arith.addi %add3A_808, %iota3A_806 : vector<16xi32>
        %scan3A_810 = arith.constant 0 : i32
        %scan3A_811 = arith.constant 0 : i32
        %scan3A_812 = arith.constant 64 : i32
        %scan3A_813 = arith.addi %scan3A_811, %scan3A_812 : i32
        %scan3A_814 = arith.constant 1 : i32
        scf.for %scan3A_942 = %scan3A_811 to %scan3A_813 step %scan3A_814  : i32 {
          %broadcast_in_dim3A_943 = arith.constant 0 : i32
          %broadcast_in_dim3A_944 = vector.broadcast %broadcast_in_dim3A_943 : i32 to vector<16xi32>
          %add3A_945 = vector.broadcast %scan3A_942 : i32 to vector<16xi32>
          %add3A_946 = arith.addi %broadcast_in_dim3A_944, %add3A_945 : vector<16xi32>
          %scatter3A_947 = arith.constant 0 : i32
          %scatter3A_948 = arith.constant 0 : i32
          %scatter3A_949 = tpu.memref_slice %arg6[%scatter3A_947, %scatter3A_948] : memref<200x64xf32, #tpu.memory_space<vmem>> -> memref<200x64xf32, #tpu.memory_space<vmem>>
          tpu.vector_store_idx %scatter3A_949[%add3A_809, %add3A_946], %broadcast_in_dim3A_708 masked %eq3A_805 : memref<200x64xf32, #tpu.memory_space<vmem>>[vector<16xi32>, vector<16xi32>], vector<16xf32>, vector<16xi1>
        }
        %scan3A_815 = arith.constant 64 : i32
        %get3A_816 = arith.constant 0 : i32
        %get3A_817 = tpu.memref_slice %arg5[%add3A_70, %get3A_816] : memref<128x200xi32, #tpu.memory_space<vmem>> -> memref<1x200xi32, #tpu.memory_space<vmem>>
        %get3A_818 = tpu.memref_squeeze %get3A_817 : memref<1x200xi32, #tpu.memory_space<vmem>> -> memref<200xi32, #tpu.memory_space<vmem>>
        %get3A_819 = arith.constant 96 : index
        %get3A_820 = tpu.vector_load %get3A_818[%get3A_819] {strides = array<i32>} : memref<200xi32, #tpu.memory_space<vmem>>, vector<16xi32>,
        %eq3A_821 = arith.constant 0 : i32
        %eq3A_822 = vector.broadcast %eq3A_821 : i32 to vector<16xi32>
        %eq3A_823 = arith.cmpi eq, %get3A_820, %eq3A_822 : vector<16xi32>
        %iota3A_824 = tpu.iota {dimensions = array<i32: 0>} : vector<16xi32>
        %add3A_825 = arith.constant 96 : i32
        %add3A_826 = vector.broadcast %add3A_825 : i32 to vector<16xi32>
        %add3A_827 = arith.addi %add3A_826, %iota3A_824 : vector<16xi32>
        %scan3A_828 = arith.constant 0 : i32
        %scan3A_829 = arith.constant 0 : i32
        %scan3A_830 = arith.constant 64 : i32
        %scan3A_831 = arith.addi %scan3A_829, %scan3A_830 : i32
        %scan3A_832 = arith.constant 1 : i32
        scf.for %scan3A_942 = %scan3A_829 to %scan3A_831 step %scan3A_832  : i32 {
          %broadcast_in_dim3A_943 = arith.constant 0 : i32
          %broadcast_in_dim3A_944 = vector.broadcast %broadcast_in_dim3A_943 : i32 to vector<16xi32>
          %add3A_945 = vector.broadcast %scan3A_942 : i32 to vector<16xi32>
          %add3A_946 = arith.addi %broadcast_in_dim3A_944, %add3A_945 : vector<16xi32>
          %scatter3A_947 = arith.constant 0 : i32
          %scatter3A_948 = arith.constant 0 : i32
          %scatter3A_949 = tpu.memref_slice %arg6[%scatter3A_947, %scatter3A_948] : memref<200x64xf32, #tpu.memory_space<vmem>> -> memref<200x64xf32, #tpu.memory_space<vmem>>
          tpu.vector_store_idx %scatter3A_949[%add3A_827, %add3A_946], %broadcast_in_dim3A_708 masked %eq3A_823 : memref<200x64xf32, #tpu.memory_space<vmem>>[vector<16xi32>, vector<16xi32>], vector<16xf32>, vector<16xi1>
        }
        %scan3A_833 = arith.constant 64 : i32
        %get3A_834 = arith.constant 0 : i32
        %get3A_835 = tpu.memref_slice %arg5[%add3A_70, %get3A_834] : memref<128x200xi32, #tpu.memory_space<vmem>> -> memref<1x200xi32, #tpu.memory_space<vmem>>
        %get3A_836 = tpu.memref_squeeze %get3A_835 : memref<1x200xi32, #tpu.memory_space<vmem>> -> memref<200xi32, #tpu.memory_space<vmem>>
        %get3A_837 = arith.constant 112 : index
        %get3A_838 = tpu.vector_load %get3A_836[%get3A_837] {strides = array<i32>} : memref<200xi32, #tpu.memory_space<vmem>>, vector<16xi32>,
        %eq3A_839 = arith.constant 0 : i32
        %eq3A_840 = vector.broadcast %eq3A_839 : i32 to vector<16xi32>
        %eq3A_841 = arith.cmpi eq, %get3A_838, %eq3A_840 : vector<16xi32>
        %iota3A_842 = tpu.iota {dimensions = array<i32: 0>} : vector<16xi32>
        %add3A_843 = arith.constant 112 : i32
        %add3A_844 = vector.broadcast %add3A_843 : i32 to vector<16xi32>
        %add3A_845 = arith.addi %add3A_844, %iota3A_842 : vector<16xi32>
        %scan3A_846 = arith.constant 0 : i32
        %scan3A_847 = arith.constant 0 : i32
        %scan3A_848 = arith.constant 64 : i32
        %scan3A_849 = arith.addi %scan3A_847, %scan3A_848 : i32
        %scan3A_850 = arith.constant 1 : i32
        scf.for %scan3A_942 = %scan3A_847 to %scan3A_849 step %scan3A_850  : i32 {
          %broadcast_in_dim3A_943 = arith.constant 0 : i32
          %broadcast_in_dim3A_944 = vector.broadcast %broadcast_in_dim3A_943 : i32 to vector<16xi32>
          %add3A_945 = vector.broadcast %scan3A_942 : i32 to vector<16xi32>
          %add3A_946 = arith.addi %broadcast_in_dim3A_944, %add3A_945 : vector<16xi32>
          %scatter3A_947 = arith.constant 0 : i32
          %scatter3A_948 = arith.constant 0 : i32
          %scatter3A_949 = tpu.memref_slice %arg6[%scatter3A_947, %scatter3A_948] : memref<200x64xf32, #tpu.memory_space<vmem>> -> memref<200x64xf32, #tpu.memory_space<vmem>>
          tpu.vector_store_idx %scatter3A_949[%add3A_845, %add3A_946], %broadcast_in_dim3A_708 masked %eq3A_841 : memref<200x64xf32, #tpu.memory_space<vmem>>[vector<16xi32>, vector<16xi32>], vector<16xf32>, vector<16xi1>
        }
        %scan3A_851 = arith.constant 64 : i32
        %get3A_852 = arith.constant 0 : i32
        %get3A_853 = tpu.memref_slice %arg5[%add3A_70, %get3A_852] : memref<128x200xi32, #tpu.memory_space<vmem>> -> memref<1x200xi32, #tpu.memory_space<vmem>>
        %get3A_854 = tpu.memref_squeeze %get3A_853 : memref<1x200xi32, #tpu.memory_space<vmem>> -> memref<200xi32, #tpu.memory_space<vmem>>
        %get3A_855 = arith.constant 128 : index
        %get3A_856 = tpu.vector_load %get3A_854[%get3A_855] {strides = array<i32>} : memref<200xi32, #tpu.memory_space<vmem>>, vector<16xi32>,
        %eq3A_857 = arith.constant 0 : i32
        %eq3A_858 = vector.broadcast %eq3A_857 : i32 to vector<16xi32>
        %eq3A_859 = arith.cmpi eq, %get3A_856, %eq3A_858 : vector<16xi32>
        %iota3A_860 = tpu.iota {dimensions = array<i32: 0>} : vector<16xi32>
        %add3A_861 = arith.constant 128 : i32
        %add3A_862 = vector.broadcast %add3A_861 : i32 to vector<16xi32>
        %add3A_863 = arith.addi %add3A_862, %iota3A_860 : vector<16xi32>
        %scan3A_864 = arith.constant 0 : i32
        %scan3A_865 = arith.constant 0 : i32
        %scan3A_866 = arith.constant 64 : i32
        %scan3A_867 = arith.addi %scan3A_865, %scan3A_866 : i32
        %scan3A_868 = arith.constant 1 : i32
        scf.for %scan3A_942 = %scan3A_865 to %scan3A_867 step %scan3A_868  : i32 {
          %broadcast_in_dim3A_943 = arith.constant 0 : i32
          %broadcast_in_dim3A_944 = vector.broadcast %broadcast_in_dim3A_943 : i32 to vector<16xi32>
          %add3A_945 = vector.broadcast %scan3A_942 : i32 to vector<16xi32>
          %add3A_946 = arith.addi %broadcast_in_dim3A_944, %add3A_945 : vector<16xi32>
          %scatter3A_947 = arith.constant 0 : i32
          %scatter3A_948 = arith.constant 0 : i32
          %scatter3A_949 = tpu.memref_slice %arg6[%scatter3A_947, %scatter3A_948] : memref<200x64xf32, #tpu.memory_space<vmem>> -> memref<200x64xf32, #tpu.memory_space<vmem>>
          tpu.vector_store_idx %scatter3A_949[%add3A_863, %add3A_946], %broadcast_in_dim3A_708 masked %eq3A_859 : memref<200x64xf32, #tpu.memory_space<vmem>>[vector<16xi32>, vector<16xi32>], vector<16xf32>, vector<16xi1>
        }
        %scan3A_869 = arith.constant 64 : i32
        %get3A_870 = arith.constant 0 : i32
        %get3A_871 = tpu.memref_slice %arg5[%add3A_70, %get3A_870] : memref<128x200xi32, #tpu.memory_space<vmem>> -> memref<1x200xi32, #tpu.memory_space<vmem>>
        %get3A_872 = tpu.memref_squeeze %get3A_871 : memref<1x200xi32, #tpu.memory_space<vmem>> -> memref<200xi32, #tpu.memory_space<vmem>>
        %get3A_873 = arith.constant 144 : index
        %get3A_874 = tpu.vector_load %get3A_872[%get3A_873] {strides = array<i32>} : memref<200xi32, #tpu.memory_space<vmem>>, vector<16xi32>,
        %eq3A_875 = arith.constant 0 : i32
        %eq3A_876 = vector.broadcast %eq3A_875 : i32 to vector<16xi32>
        %eq3A_877 = arith.cmpi eq, %get3A_874, %eq3A_876 : vector<16xi32>
        %iota3A_878 = tpu.iota {dimensions = array<i32: 0>} : vector<16xi32>
        %add3A_879 = arith.constant 144 : i32
        %add3A_880 = vector.broadcast %add3A_879 : i32 to vector<16xi32>
        %add3A_881 = arith.addi %add3A_880, %iota3A_878 : vector<16xi32>
        %scan3A_882 = arith.constant 0 : i32
        %scan3A_883 = arith.constant 0 : i32
        %scan3A_884 = arith.constant 64 : i32
        %scan3A_885 = arith.addi %scan3A_883, %scan3A_884 : i32
        %scan3A_886 = arith.constant 1 : i32
        scf.for %scan3A_942 = %scan3A_883 to %scan3A_885 step %scan3A_886  : i32 {
          %broadcast_in_dim3A_943 = arith.constant 0 : i32
          %broadcast_in_dim3A_944 = vector.broadcast %broadcast_in_dim3A_943 : i32 to vector<16xi32>
          %add3A_945 = vector.broadcast %scan3A_942 : i32 to vector<16xi32>
          %add3A_946 = arith.addi %broadcast_in_dim3A_944, %add3A_945 : vector<16xi32>
          %scatter3A_947 = arith.constant 0 : i32
          %scatter3A_948 = arith.constant 0 : i32
          %scatter3A_949 = tpu.memref_slice %arg6[%scatter3A_947, %scatter3A_948] : memref<200x64xf32, #tpu.memory_space<vmem>> -> memref<200x64xf32, #tpu.memory_space<vmem>>
          tpu.vector_store_idx %scatter3A_949[%add3A_881, %add3A_946], %broadcast_in_dim3A_708 masked %eq3A_877 : memref<200x64xf32, #tpu.memory_space<vmem>>[vector<16xi32>, vector<16xi32>], vector<16xf32>, vector<16xi1>
        }
        %scan3A_887 = arith.constant 64 : i32
        %get3A_888 = arith.constant 0 : i32
        %get3A_889 = tpu.memref_slice %arg5[%add3A_70, %get3A_888] : memref<128x200xi32, #tpu.memory_space<vmem>> -> memref<1x200xi32, #tpu.memory_space<vmem>>
        %get3A_890 = tpu.memref_squeeze %get3A_889 : memref<1x200xi32, #tpu.memory_space<vmem>> -> memref<200xi32, #tpu.memory_space<vmem>>
        %get3A_891 = arith.constant 160 : index
        %get3A_892 = tpu.vector_load %get3A_890[%get3A_891] {strides = array<i32>} : memref<200xi32, #tpu.memory_space<vmem>>, vector<16xi32>,
        %eq3A_893 = arith.constant 0 : i32
        %eq3A_894 = vector.broadcast %eq3A_893 : i32 to vector<16xi32>
        %eq3A_895 = arith.cmpi eq, %get3A_892, %eq3A_894 : vector<16xi32>
        %iota3A_896 = tpu.iota {dimensions = array<i32: 0>} : vector<16xi32>
        %add3A_897 = arith.constant 160 : i32
        %add3A_898 = vector.broadcast %add3A_897 : i32 to vector<16xi32>
        %add3A_899 = arith.addi %add3A_898, %iota3A_896 : vector<16xi32>
        %scan3A_900 = arith.constant 0 : i32
        %scan3A_901 = arith.constant 0 : i32
        %scan3A_902 = arith.constant 64 : i32
        %scan3A_903 = arith.addi %scan3A_901, %scan3A_902 : i32
        %scan3A_904 = arith.constant 1 : i32
        scf.for %scan3A_942 = %scan3A_901 to %scan3A_903 step %scan3A_904  : i32 {
          %broadcast_in_dim3A_943 = arith.constant 0 : i32
          %broadcast_in_dim3A_944 = vector.broadcast %broadcast_in_dim3A_943 : i32 to vector<16xi32>
          %add3A_945 = vector.broadcast %scan3A_942 : i32 to vector<16xi32>
          %add3A_946 = arith.addi %broadcast_in_dim3A_944, %add3A_945 : vector<16xi32>
          %scatter3A_947 = arith.constant 0 : i32
          %scatter3A_948 = arith.constant 0 : i32
          %scatter3A_949 = tpu.memref_slice %arg6[%scatter3A_947, %scatter3A_948] : memref<200x64xf32, #tpu.memory_space<vmem>> -> memref<200x64xf32, #tpu.memory_space<vmem>>
          tpu.vector_store_idx %scatter3A_949[%add3A_899, %add3A_946], %broadcast_in_dim3A_708 masked %eq3A_895 : memref<200x64xf32, #tpu.memory_space<vmem>>[vector<16xi32>, vector<16xi32>], vector<16xf32>, vector<16xi1>
        }
        %scan3A_905 = arith.constant 64 : i32
        %get3A_906 = arith.constant 0 : i32
        %get3A_907 = tpu.memref_slice %arg5[%add3A_70, %get3A_906] : memref<128x200xi32, #tpu.memory_space<vmem>> -> memref<1x200xi32, #tpu.memory_space<vmem>>
        %get3A_908 = tpu.memref_squeeze %get3A_907 : memref<1x200xi32, #tpu.memory_space<vmem>> -> memref<200xi32, #tpu.memory_space<vmem>>
        %get3A_909 = arith.constant 176 : index
        %get3A_910 = tpu.vector_load %get3A_908[%get3A_909] {strides = array<i32>} : memref<200xi32, #tpu.memory_space<vmem>>, vector<16xi32>,
        %eq3A_911 = arith.constant 0 : i32
        %eq3A_912 = vector.broadcast %eq3A_911 : i32 to vector<16xi32>
        %eq3A_913 = arith.cmpi eq, %get3A_910, %eq3A_912 : vector<16xi32>
        %iota3A_914 = tpu.iota {dimensions = array<i32: 0>} : vector<16xi32>
        %add3A_915 = arith.constant 176 : i32
        %add3A_916 = vector.broadcast %add3A_915 : i32 to vector<16xi32>
        %add3A_917 = arith.addi %add3A_916, %iota3A_914 : vector<16xi32>
        %scan3A_918 = arith.constant 0 : i32
        %scan3A_919 = arith.constant 0 : i32
        %scan3A_920 = arith.constant 64 : i32
        %scan3A_921 = arith.addi %scan3A_919, %scan3A_920 : i32
        %scan3A_922 = arith.constant 1 : i32
        scf.for %scan3A_942 = %scan3A_919 to %scan3A_921 step %scan3A_922  : i32 {
          %broadcast_in_dim3A_943 = arith.constant 0 : i32
          %broadcast_in_dim3A_944 = vector.broadcast %broadcast_in_dim3A_943 : i32 to vector<16xi32>
          %add3A_945 = vector.broadcast %scan3A_942 : i32 to vector<16xi32>
          %add3A_946 = arith.addi %broadcast_in_dim3A_944, %add3A_945 : vector<16xi32>
          %scatter3A_947 = arith.constant 0 : i32
          %scatter3A_948 = arith.constant 0 : i32
          %scatter3A_949 = tpu.memref_slice %arg6[%scatter3A_947, %scatter3A_948] : memref<200x64xf32, #tpu.memory_space<vmem>> -> memref<200x64xf32, #tpu.memory_space<vmem>>
          tpu.vector_store_idx %scatter3A_949[%add3A_917, %add3A_946], %broadcast_in_dim3A_708 masked %eq3A_913 : memref<200x64xf32, #tpu.memory_space<vmem>>[vector<16xi32>, vector<16xi32>], vector<16xf32>, vector<16xi1>
        }
        %scan3A_923 = arith.constant 64 : i32
        %get3A_924 = arith.constant 0 : i32
        %get3A_925 = tpu.memref_slice %arg5[%add3A_70, %get3A_924] : memref<128x200xi32, #tpu.memory_space<vmem>> -> memref<1x200xi32, #tpu.memory_space<vmem>>
        %get3A_926 = tpu.memref_squeeze %get3A_925 : memref<1x200xi32, #tpu.memory_space<vmem>> -> memref<200xi32, #tpu.memory_space<vmem>>
        %get3A_927 = arith.constant 184 : index
        %get3A_928 = tpu.vector_load %get3A_926[%get3A_927] {strides = array<i32>} : memref<200xi32, #tpu.memory_space<vmem>>, vector<16xi32>,
        %eq3A_929 = arith.constant 0 : i32
        %eq3A_930 = vector.broadcast %eq3A_929 : i32 to vector<16xi32>
        %eq3A_931 = arith.cmpi eq, %get3A_928, %eq3A_930 : vector<16xi32>
        %iota3A_932 = tpu.iota {dimensions = array<i32: 0>} : vector<16xi32>
        %add3A_933 = arith.constant 184 : i32
        %add3A_934 = vector.broadcast %add3A_933 : i32 to vector<16xi32>
        %add3A_935 = arith.addi %add3A_934, %iota3A_932 : vector<16xi32>
        %scan3A_936 = arith.constant 0 : i32
        %scan3A_937 = arith.constant 0 : i32
        %scan3A_938 = arith.constant 64 : i32
        %scan3A_939 = arith.addi %scan3A_937, %scan3A_938 : i32
        %scan3A_940 = arith.constant 1 : i32
        scf.for %scan3A_942 = %scan3A_937 to %scan3A_939 step %scan3A_940  : i32 {
          %broadcast_in_dim3A_943 = arith.constant 0 : i32
          %broadcast_in_dim3A_944 = vector.broadcast %broadcast_in_dim3A_943 : i32 to vector<16xi32>
          %add3A_945 = vector.broadcast %scan3A_942 : i32 to vector<16xi32>
          %add3A_946 = arith.addi %broadcast_in_dim3A_944, %add3A_945 : vector<16xi32>
          %scatter3A_947 = arith.constant 0 : i32
          %scatter3A_948 = arith.constant 0 : i32
          %scatter3A_949 = tpu.memref_slice %arg6[%scatter3A_947, %scatter3A_948] : memref<200x64xf32, #tpu.memory_space<vmem>> -> memref<200x64xf32, #tpu.memory_space<vmem>>
          tpu.vector_store_idx %scatter3A_949[%add3A_935, %add3A_946], %broadcast_in_dim3A_708 masked %eq3A_931 : memref<200x64xf32, #tpu.memory_space<vmem>>[vector<16xi32>, vector<16xi32>], vector<16xf32>, vector<16xi1>
        }
        %scan3A_941 = arith.constant 64 : i32
      } else {
      }
      %mul3A_201 = arith.constant 128 : i32
      %mul3A_202 = arith.muli %add3A, %mul3A_201 : i32
      %add3A_203 = arith.addi %mul3A_202, %add3A_70 : i32
      %dma_start3A_204 = arith.constant 0 : i32
      %dma_start3A_205 = arith.constant 0 : i32
      %dma_start3A_206 = tpu.memref_slice %arg4[%add3A_203, %dma_start3A_204, %dma_start3A_205] : memref<4096x200x64xf32, #tpu.memory_space<hbm>> -> memref<1x200x64xf32, #tpu.memory_space<hbm>>
      %dma_start3A_207 = tpu.memref_squeeze %dma_start3A_206 : memref<1x200x64xf32, #tpu.memory_space<hbm>> -> memref<200x64xf32, #tpu.memory_space<hbm>>
      %dma_start3A_208 = arith.constant 0 : i32
      %dma_start3A_209 = arith.constant 0 : i32
      %dma_start3A_210 = tpu.memref_slice %arg4[%add3A_203, %dma_start3A_208, %dma_start3A_209] : memref<4096x200x64xf32, #tpu.memory_space<hbm>> -> memref<1x200x64xf32, #tpu.memory_space<hbm>>
      %dma_start3A_211 = tpu.memref_squeeze %dma_start3A_210 : memref<1x200x64xf32, #tpu.memory_space<hbm>> -> memref<200x64xf32, #tpu.memory_space<hbm>>
      tpu.enqueue_dma source(%arg6 : memref<200x64xf32, #tpu.memory_space<vmem>>) target(%dma_start3A_211 : memref<200x64xf32, #tpu.memory_space<hbm>>) target_semaphore(%arg15 : memref<!tpu.dma_semaphore, #tpu.memory_space<semaphore_mem>>)
      %add3A_212 = arith.constant 2 : i32
      %add3A_213 = arith.addi %add3A_70, %add3A_212 : i32
      %lt3A = arith.constant 128 : i32
      %lt3A_214 = arith.cmpi slt, %add3A_213, %lt3A : i32
      %convert_element_type3A_215 = arith.extui %lt3A_214 : i1 to i32
      %cond3A_216 = arith.constant 0 : i32
      %cond3A_217 = arith.cmpi ne, %convert_element_type3A_215, %cond3A_216 : i32
      scf.if %cond3A_217 {
        %ge3A = arith.constant 4 : i32
        %ge3A_707 = arith.cmpi sge, %add3A_213, %ge3A : i32
        %convert_element_type3A_708 = arith.extui %ge3A_707 : i1 to i32
        %cond3A_709 = arith.constant 0 : i32
        %cond3A_710 = arith.cmpi ne, %convert_element_type3A_708, %cond3A_709 : i32
        scf.if %cond3A_710 {
          %sub3A = arith.constant 4 : i32
          %sub3A_717 = arith.subi %add3A_213, %sub3A : i32
          %mul3A_718 = arith.constant 128 : i32
          %mul3A_719 = arith.muli %add3A, %mul3A_718 : i32
          %add3A_720 = arith.addi %mul3A_719, %sub3A_717 : i32
          %dma_wait3A_721 = arith.constant 0 : i32
          %dma_wait3A_722 = arith.constant 0 : i32
          %dma_wait3A_723 = tpu.memref_slice %arg4[%add3A_720, %dma_wait3A_721, %dma_wait3A_722] : memref<4096x200x64xf32, #tpu.memory_space<hbm>> -> memref<1x200x64xf32, #tpu.memory_space<hbm>>
          %dma_wait3A_724 = tpu.memref_squeeze %dma_wait3A_723 : memref<1x200x64xf32, #tpu.memory_space<hbm>> -> memref<200x64xf32, #tpu.memory_space<hbm>>
          %dma_wait3A_725 = arith.constant 0 : i32
          %dma_wait3A_726 = arith.constant 0 : i32
          %dma_wait3A_727 = tpu.memref_slice %arg4[%add3A_720, %dma_wait3A_725, %dma_wait3A_726] : memref<4096x200x64xf32, #tpu.memory_space<hbm>> -> memref<1x200x64xf32, #tpu.memory_space<hbm>>
          %dma_wait3A_728 = tpu.memref_squeeze %dma_wait3A_727 : memref<1x200x64xf32, #tpu.memory_space<hbm>> -> memref<200x64xf32, #tpu.memory_space<hbm>>
          tpu.wait_dma2 semaphore(%arg17 : memref<!tpu.dma_semaphore, #tpu.memory_space<semaphore_mem>>) src(%arg8 : memref<200x64xf32, #tpu.memory_space<vmem>>) dst(%dma_wait3A_728 : memref<200x64xf32, #tpu.memory_space<hbm>>)
        } else {
        }
        %dma_start3A_711 = arith.constant 0 : i32
        %dma_start3A_712 = tpu.memref_slice %arg5[%add3A_213, %dma_start3A_711] : memref<128x200xi32, #tpu.memory_space<vmem>> -> memref<1x200xi32, #tpu.memory_space<vmem>>
        %dma_start3A_713 = tpu.memref_squeeze %dma_start3A_712 : memref<1x200xi32, #tpu.memory_space<vmem>> -> memref<200xi32, #tpu.memory_space<vmem>>
        %dma_start3A_714 = arith.constant 0 : i32
        %dma_start3A_715 = arith.constant 0 : i32
        %dma_start3A_716 = tpu.memref_slice %arg3[%dma_start3A_714, %dma_start3A_715] : memref<1000000x64xf32, #tpu.memory_space<hbm>> -> memref<1000000x64xf32, #tpu.memory_space<hbm>>
        tpu.enqueue_indirect_dma source(%dma_start3A_716 : memref<1000000x64xf32, #tpu.memory_space<hbm>>) target(%arg8 : memref<200x64xf32, #tpu.memory_space<vmem>>) offsets(%dma_start3A_713 : memref<200xi32, #tpu.memory_space<vmem>>) semaphore(%arg13 : memref<!tpu.dma_semaphore, #tpu.memory_space<semaphore_mem>>)
      } else {
      }
      %mul3A_218 = arith.constant 4 : i32
      %mul3A_219 = arith.muli %mul3A_218, %scan3A_66 : i32
      %add3A_220 = arith.constant 1 : i32
      %add3A_221 = arith.addi %mul3A_219, %add3A_220 : i32
      %dma_wait3A_222 = arith.constant 0 : i32
      %dma_wait3A_223 = tpu.memref_slice %arg5[%add3A_221, %dma_wait3A_222] : memref<128x200xi32, #tpu.memory_space<vmem>> -> memref<1x200xi32, #tpu.memory_space<vmem>>
      %dma_wait3A_224 = tpu.memref_squeeze %dma_wait3A_223 : memref<1x200xi32, #tpu.memory_space<vmem>> -> memref<200xi32, #tpu.memory_space<vmem>>
      %dma_wait3A_225 = arith.constant 0 : i32
      %dma_wait3A_226 = arith.constant 0 : i32
      %dma_wait3A_227 = tpu.memref_slice %arg3[%dma_wait3A_225, %dma_wait3A_226] : memref<1000000x64xf32, #tpu.memory_space<hbm>> -> memref<1000000x64xf32, #tpu.memory_space<hbm>>
      tpu.wait_indirect_dma semaphore(%arg12 : memref<!tpu.dma_semaphore, #tpu.memory_space<semaphore_mem>>) src(%dma_wait3A_227 : memref<1000000x64xf32, #tpu.memory_space<hbm>>) dst(%arg7 : memref<200x64xf32, #tpu.memory_space<vmem>>)
      %get3A_228 = arith.constant 0 : i32
      %get3A_229 = tpu.memref_slice %arg5[%add3A_221, %get3A_228] : memref<128x200xi32, #tpu.memory_space<vmem>> -> memref<1x200xi32, #tpu.memory_space<vmem>>
      %get3A_230 = tpu.memref_squeeze %get3A_229 : memref<1x200xi32, #tpu.memory_space<vmem>> -> memref<200xi32, #tpu.memory_space<vmem>>
      %get3A_231 = arith.constant 0 : index
      %get3A_232 = tpu.vector_load %get3A_230[%get3A_231] {strides = array<i32>} : memref<200xi32, #tpu.memory_space<vmem>>, vector<16xi32>,
      %eq3A_233 = arith.constant 0 : i32
      %eq3A_234 = vector.broadcast %eq3A_233 : i32 to vector<16xi32>
      %eq3A_235 = arith.cmpi eq, %get3A_232, %eq3A_234 : vector<16xi32>
      %get3A_236 = arith.constant 0 : i32
      %get3A_237 = tpu.memref_slice %arg5[%add3A_221, %get3A_236] : memref<128x200xi32, #tpu.memory_space<vmem>> -> memref<1x200xi32, #tpu.memory_space<vmem>>
      %get3A_238 = tpu.memref_squeeze %get3A_237 : memref<1x200xi32, #tpu.memory_space<vmem>> -> memref<200xi32, #tpu.memory_space<vmem>>
      %get3A_239 = arith.constant 16 : index
      %get3A_240 = tpu.vector_load %get3A_238[%get3A_239] {strides = array<i32>} : memref<200xi32, #tpu.memory_space<vmem>>, vector<16xi32>,
      %eq3A_241 = arith.constant 0 : i32
      %eq3A_242 = vector.broadcast %eq3A_241 : i32 to vector<16xi32>
      %eq3A_243 = arith.cmpi eq, %get3A_240, %eq3A_242 : vector<16xi32>
      %or3A_244 = arith.ori %eq3A_235, %eq3A_243 : vector<16xi1>
      %get3A_245 = arith.constant 0 : i32
      %get3A_246 = tpu.memref_slice %arg5[%add3A_221, %get3A_245] : memref<128x200xi32, #tpu.memory_space<vmem>> -> memref<1x200xi32, #tpu.memory_space<vmem>>
      %get3A_247 = tpu.memref_squeeze %get3A_246 : memref<1x200xi32, #tpu.memory_space<vmem>> -> memref<200xi32, #tpu.memory_space<vmem>>
      %get3A_248 = arith.constant 32 : index
      %get3A_249 = tpu.vector_load %get3A_247[%get3A_248] {strides = array<i32>} : memref<200xi32, #tpu.memory_space<vmem>>, vector<16xi32>,
      %eq3A_250 = arith.constant 0 : i32
      %eq3A_251 = vector.broadcast %eq3A_250 : i32 to vector<16xi32>
      %eq3A_252 = arith.cmpi eq, %get3A_249, %eq3A_251 : vector<16xi32>
      %or3A_253 = arith.ori %or3A_244, %eq3A_252 : vector<16xi1>
      %get3A_254 = arith.constant 0 : i32
      %get3A_255 = tpu.memref_slice %arg5[%add3A_221, %get3A_254] : memref<128x200xi32, #tpu.memory_space<vmem>> -> memref<1x200xi32, #tpu.memory_space<vmem>>
      %get3A_256 = tpu.memref_squeeze %get3A_255 : memref<1x200xi32, #tpu.memory_space<vmem>> -> memref<200xi32, #tpu.memory_space<vmem>>
      %get3A_257 = arith.constant 48 : index
      %get3A_258 = tpu.vector_load %get3A_256[%get3A_257] {strides = array<i32>} : memref<200xi32, #tpu.memory_space<vmem>>, vector<16xi32>,
      %eq3A_259 = arith.constant 0 : i32
      %eq3A_260 = vector.broadcast %eq3A_259 : i32 to vector<16xi32>
      %eq3A_261 = arith.cmpi eq, %get3A_258, %eq3A_260 : vector<16xi32>
      %or3A_262 = arith.ori %or3A_253, %eq3A_261 : vector<16xi1>
      %get3A_263 = arith.constant 0 : i32
      %get3A_264 = tpu.memref_slice %arg5[%add3A_221, %get3A_263] : memref<128x200xi32, #tpu.memory_space<vmem>> -> memref<1x200xi32, #tpu.memory_space<vmem>>
      %get3A_265 = tpu.memref_squeeze %get3A_264 : memref<1x200xi32, #tpu.memory_space<vmem>> -> memref<200xi32, #tpu.memory_space<vmem>>
      %get3A_266 = arith.constant 64 : index
      %get3A_267 = tpu.vector_load %get3A_265[%get3A_266] {strides = array<i32>} : memref<200xi32, #tpu.memory_space<vmem>>, vector<16xi32>,
      %eq3A_268 = arith.constant 0 : i32
      %eq3A_269 = vector.broadcast %eq3A_268 : i32 to vector<16xi32>
      %eq3A_270 = arith.cmpi eq, %get3A_267, %eq3A_269 : vector<16xi32>
      %or3A_271 = arith.ori %or3A_262, %eq3A_270 : vector<16xi1>
      %get3A_272 = arith.constant 0 : i32
      %get3A_273 = tpu.memref_slice %arg5[%add3A_221, %get3A_272] : memref<128x200xi32, #tpu.memory_space<vmem>> -> memref<1x200xi32, #tpu.memory_space<vmem>>
      %get3A_274 = tpu.memref_squeeze %get3A_273 : memref<1x200xi32, #tpu.memory_space<vmem>> -> memref<200xi32, #tpu.memory_space<vmem>>
      %get3A_275 = arith.constant 80 : index
      %get3A_276 = tpu.vector_load %get3A_274[%get3A_275] {strides = array<i32>} : memref<200xi32, #tpu.memory_space<vmem>>, vector<16xi32>,
      %eq3A_277 = arith.constant 0 : i32
      %eq3A_278 = vector.broadcast %eq3A_277 : i32 to vector<16xi32>
      %eq3A_279 = arith.cmpi eq, %get3A_276, %eq3A_278 : vector<16xi32>
      %or3A_280 = arith.ori %or3A_271, %eq3A_279 : vector<16xi1>
      %get3A_281 = arith.constant 0 : i32
      %get3A_282 = tpu.memref_slice %arg5[%add3A_221, %get3A_281] : memref<128x200xi32, #tpu.memory_space<vmem>> -> memref<1x200xi32, #tpu.memory_space<vmem>>
      %get3A_283 = tpu.memref_squeeze %get3A_282 : memref<1x200xi32, #tpu.memory_space<vmem>> -> memref<200xi32, #tpu.memory_space<vmem>>
      %get3A_284 = arith.constant 96 : index
      %get3A_285 = tpu.vector_load %get3A_283[%get3A_284] {strides = array<i32>} : memref<200xi32, #tpu.memory_space<vmem>>, vector<16xi32>,
      %eq3A_286 = arith.constant 0 : i32
      %eq3A_287 = vector.broadcast %eq3A_286 : i32 to vector<16xi32>
      %eq3A_288 = arith.cmpi eq, %get3A_285, %eq3A_287 : vector<16xi32>
      %or3A_289 = arith.ori %or3A_280, %eq3A_288 : vector<16xi1>
      %get3A_290 = arith.constant 0 : i32
      %get3A_291 = tpu.memref_slice %arg5[%add3A_221, %get3A_290] : memref<128x200xi32, #tpu.memory_space<vmem>> -> memref<1x200xi32, #tpu.memory_space<vmem>>
      %get3A_292 = tpu.memref_squeeze %get3A_291 : memref<1x200xi32, #tpu.memory_space<vmem>> -> memref<200xi32, #tpu.memory_space<vmem>>
      %get3A_293 = arith.constant 112 : index
      %get3A_294 = tpu.vector_load %get3A_292[%get3A_293] {strides = array<i32>} : memref<200xi32, #tpu.memory_space<vmem>>, vector<16xi32>,
      %eq3A_295 = arith.constant 0 : i32
      %eq3A_296 = vector.broadcast %eq3A_295 : i32 to vector<16xi32>
      %eq3A_297 = arith.cmpi eq, %get3A_294, %eq3A_296 : vector<16xi32>
      %or3A_298 = arith.ori %or3A_289, %eq3A_297 : vector<16xi1>
      %get3A_299 = arith.constant 0 : i32
      %get3A_300 = tpu.memref_slice %arg5[%add3A_221, %get3A_299] : memref<128x200xi32, #tpu.memory_space<vmem>> -> memref<1x200xi32, #tpu.memory_space<vmem>>
      %get3A_301 = tpu.memref_squeeze %get3A_300 : memref<1x200xi32, #tpu.memory_space<vmem>> -> memref<200xi32, #tpu.memory_space<vmem>>
      %get3A_302 = arith.constant 128 : index
      %get3A_303 = tpu.vector_load %get3A_301[%get3A_302] {strides = array<i32>} : memref<200xi32, #tpu.memory_space<vmem>>, vector<16xi32>,
      %eq3A_304 = arith.constant 0 : i32
      %eq3A_305 = vector.broadcast %eq3A_304 : i32 to vector<16xi32>
      %eq3A_306 = arith.cmpi eq, %get3A_303, %eq3A_305 : vector<16xi32>
      %or3A_307 = arith.ori %or3A_298, %eq3A_306 : vector<16xi1>
      %get3A_308 = arith.constant 0 : i32
      %get3A_309 = tpu.memref_slice %arg5[%add3A_221, %get3A_308] : memref<128x200xi32, #tpu.memory_space<vmem>> -> memref<1x200xi32, #tpu.memory_space<vmem>>
      %get3A_310 = tpu.memref_squeeze %get3A_309 : memref<1x200xi32, #tpu.memory_space<vmem>> -> memref<200xi32, #tpu.memory_space<vmem>>
      %get3A_311 = arith.constant 144 : index
      %get3A_312 = tpu.vector_load %get3A_310[%get3A_311] {strides = array<i32>} : memref<200xi32, #tpu.memory_space<vmem>>, vector<16xi32>,
      %eq3A_313 = arith.constant 0 : i32
      %eq3A_314 = vector.broadcast %eq3A_313 : i32 to vector<16xi32>
      %eq3A_315 = arith.cmpi eq, %get3A_312, %eq3A_314 : vector<16xi32>
      %or3A_316 = arith.ori %or3A_307, %eq3A_315 : vector<16xi1>
      %get3A_317 = arith.constant 0 : i32
      %get3A_318 = tpu.memref_slice %arg5[%add3A_221, %get3A_317] : memref<128x200xi32, #tpu.memory_space<vmem>> -> memref<1x200xi32, #tpu.memory_space<vmem>>
      %get3A_319 = tpu.memref_squeeze %get3A_318 : memref<1x200xi32, #tpu.memory_space<vmem>> -> memref<200xi32, #tpu.memory_space<vmem>>
      %get3A_320 = arith.constant 160 : index
      %get3A_321 = tpu.vector_load %get3A_319[%get3A_320] {strides = array<i32>} : memref<200xi32, #tpu.memory_space<vmem>>, vector<16xi32>,
      %eq3A_322 = arith.constant 0 : i32
      %eq3A_323 = vector.broadcast %eq3A_322 : i32 to vector<16xi32>
      %eq3A_324 = arith.cmpi eq, %get3A_321, %eq3A_323 : vector<16xi32>
      %or3A_325 = arith.ori %or3A_316, %eq3A_324 : vector<16xi1>
      %get3A_326 = arith.constant 0 : i32
      %get3A_327 = tpu.memref_slice %arg5[%add3A_221, %get3A_326] : memref<128x200xi32, #tpu.memory_space<vmem>> -> memref<1x200xi32, #tpu.memory_space<vmem>>
      %get3A_328 = tpu.memref_squeeze %get3A_327 : memref<1x200xi32, #tpu.memory_space<vmem>> -> memref<200xi32, #tpu.memory_space<vmem>>
      %get3A_329 = arith.constant 176 : index
      %get3A_330 = tpu.vector_load %get3A_328[%get3A_329] {strides = array<i32>} : memref<200xi32, #tpu.memory_space<vmem>>, vector<16xi32>,
      %eq3A_331 = arith.constant 0 : i32
      %eq3A_332 = vector.broadcast %eq3A_331 : i32 to vector<16xi32>
      %eq3A_333 = arith.cmpi eq, %get3A_330, %eq3A_332 : vector<16xi32>
      %or3A_334 = arith.ori %or3A_325, %eq3A_333 : vector<16xi1>
      %get3A_335 = arith.constant 0 : i32
      %get3A_336 = tpu.memref_slice %arg5[%add3A_221, %get3A_335] : memref<128x200xi32, #tpu.memory_space<vmem>> -> memref<1x200xi32, #tpu.memory_space<vmem>>
      %get3A_337 = tpu.memref_squeeze %get3A_336 : memref<1x200xi32, #tpu.memory_space<vmem>> -> memref<200xi32, #tpu.memory_space<vmem>>
      %get3A_338 = arith.constant 184 : index
      %get3A_339 = tpu.vector_load %get3A_337[%get3A_338] {strides = array<i32>} : memref<200xi32, #tpu.memory_space<vmem>>, vector<16xi32>,
      %eq3A_340 = arith.constant 0 : i32
      %eq3A_341 = vector.broadcast %eq3A_340 : i32 to vector<16xi32>
      %eq3A_342 = arith.cmpi eq, %get3A_339, %eq3A_341 : vector<16xi32>
      %or3A_343 = arith.ori %or3A_334, %eq3A_342 : vector<16xi1>
      %broadcast_in_dim3A_344 = arith.constant 0 : i32
      %broadcast_in_dim3A_345 = vector.broadcast %broadcast_in_dim3A_344 : i32 to vector<16xi32>
      %swap3A_346 = arith.constant 0 : index
      %swap3A_347 = tpu.vector_load %arg10[%swap3A_346] {strides = array<i32>} : memref<16xi32, #tpu.memory_space<vmem>>, vector<16xi32>,
      tpu.vector_store %arg10[%swap3A_346], %broadcast_in_dim3A_345 {strides = array<i32>} : memref<16xi32, #tpu.memory_space<vmem>>, vector<16xi32>,
      %broadcast_in_dim3A_348 = arith.constant 0 : i32
      %broadcast_in_dim3A_349 = vector.broadcast %broadcast_in_dim3A_348 : i32 to vector<16xi32>
      %broadcast_in_dim3A_350 = arith.constant 1 : i32
      %broadcast_in_dim3A_351 = vector.broadcast %broadcast_in_dim3A_350 : i32 to vector<16xi32>
      %scatter3A_352 = arith.constant 0 : i32
      %scatter3A_353 = tpu.memref_slice %arg10[%scatter3A_352] : memref<16xi32, #tpu.memory_space<vmem>> -> memref<16xi32, #tpu.memory_space<vmem>>
      tpu.vector_store_idx %scatter3A_353[%broadcast_in_dim3A_349], %broadcast_in_dim3A_351 masked %or3A_343 : memref<16xi32, #tpu.memory_space<vmem>>[vector<16xi32>], vector<16xi32>, vector<16xi1>
      %get3A_354 = arith.constant 0 : index
      %get3A_355 = tpu.vector_load %arg10[%get3A_354] {strides = array<i32>} : memref<16xi32, #tpu.memory_space<vmem>>, vector<16xi32>,
      %slice3A_356 = vector.extract_strided_slice %get3A_355 {offsets = [0], sizes = [1], strides = [1]} : vector<16xi32> to vector<1xi32>
      %squeeze3A_357 = vector.extract %slice3A_356[0] : i32 from vector<1xi32>
      %ne3A_358 = arith.constant 0 : i32
      %ne3A_359 = arith.cmpi ne, %squeeze3A_357, %ne3A_358 : i32
      %convert_element_type3A_360 = arith.extui %ne3A_359 : i1 to i32
      %cond3A_361 = arith.constant 0 : i32
      %cond3A_362 = arith.cmpi ne, %convert_element_type3A_360, %cond3A_361 : i32
      scf.if %cond3A_362 {
        %broadcast_in_dim3A_707 = arith.constant 0.000000e+00 : f32
        %broadcast_in_dim3A_708 = vector.broadcast %broadcast_in_dim3A_707 : f32 to vector<16xf32>
        %get3A_709 = arith.constant 0 : i32
        %get3A_710 = tpu.memref_slice %arg5[%add3A_221, %get3A_709] : memref<128x200xi32, #tpu.memory_space<vmem>> -> memref<1x200xi32, #tpu.memory_space<vmem>>
        %get3A_711 = tpu.memref_squeeze %get3A_710 : memref<1x200xi32, #tpu.memory_space<vmem>> -> memref<200xi32, #tpu.memory_space<vmem>>
        %get3A_712 = arith.constant 0 : index
        %get3A_713 = tpu.vector_load %get3A_711[%get3A_712] {strides = array<i32>} : memref<200xi32, #tpu.memory_space<vmem>>, vector<16xi32>,
        %eq3A_714 = arith.constant 0 : i32
        %eq3A_715 = vector.broadcast %eq3A_714 : i32 to vector<16xi32>
        %eq3A_716 = arith.cmpi eq, %get3A_713, %eq3A_715 : vector<16xi32>
        %iota3A = tpu.iota {dimensions = array<i32: 0>} : vector<16xi32>
        %add3A_717 = arith.constant 0 : i32
        %add3A_718 = vector.broadcast %add3A_717 : i32 to vector<16xi32>
        %add3A_719 = arith.addi %add3A_718, %iota3A : vector<16xi32>
        %scan3A_720 = arith.constant 0 : i32
        %scan3A_721 = arith.constant 0 : i32
        %scan3A_722 = arith.constant 64 : i32
        %scan3A_723 = arith.addi %scan3A_721, %scan3A_722 : i32
        %scan3A_724 = arith.constant 1 : i32
        scf.for %scan3A_942 = %scan3A_721 to %scan3A_723 step %scan3A_724  : i32 {
          %broadcast_in_dim3A_943 = arith.constant 0 : i32
          %broadcast_in_dim3A_944 = vector.broadcast %broadcast_in_dim3A_943 : i32 to vector<16xi32>
          %add3A_945 = vector.broadcast %scan3A_942 : i32 to vector<16xi32>
          %add3A_946 = arith.addi %broadcast_in_dim3A_944, %add3A_945 : vector<16xi32>
          %scatter3A_947 = arith.constant 0 : i32
          %scatter3A_948 = arith.constant 0 : i32
          %scatter3A_949 = tpu.memref_slice %arg7[%scatter3A_947, %scatter3A_948] : memref<200x64xf32, #tpu.memory_space<vmem>> -> memref<200x64xf32, #tpu.memory_space<vmem>>
          tpu.vector_store_idx %scatter3A_949[%add3A_719, %add3A_946], %broadcast_in_dim3A_708 masked %eq3A_716 : memref<200x64xf32, #tpu.memory_space<vmem>>[vector<16xi32>, vector<16xi32>], vector<16xf32>, vector<16xi1>
        }
        %scan3A_725 = arith.constant 64 : i32
        %get3A_726 = arith.constant 0 : i32
        %get3A_727 = tpu.memref_slice %arg5[%add3A_221, %get3A_726] : memref<128x200xi32, #tpu.memory_space<vmem>> -> memref<1x200xi32, #tpu.memory_space<vmem>>
        %get3A_728 = tpu.memref_squeeze %get3A_727 : memref<1x200xi32, #tpu.memory_space<vmem>> -> memref<200xi32, #tpu.memory_space<vmem>>
        %get3A_729 = arith.constant 16 : index
        %get3A_730 = tpu.vector_load %get3A_728[%get3A_729] {strides = array<i32>} : memref<200xi32, #tpu.memory_space<vmem>>, vector<16xi32>,
        %eq3A_731 = arith.constant 0 : i32
        %eq3A_732 = vector.broadcast %eq3A_731 : i32 to vector<16xi32>
        %eq3A_733 = arith.cmpi eq, %get3A_730, %eq3A_732 : vector<16xi32>
        %iota3A_734 = tpu.iota {dimensions = array<i32: 0>} : vector<16xi32>
        %add3A_735 = arith.constant 16 : i32
        %add3A_736 = vector.broadcast %add3A_735 : i32 to vector<16xi32>
        %add3A_737 = arith.addi %add3A_736, %iota3A_734 : vector<16xi32>
        %scan3A_738 = arith.constant 0 : i32
        %scan3A_739 = arith.constant 0 : i32
        %scan3A_740 = arith.constant 64 : i32
        %scan3A_741 = arith.addi %scan3A_739, %scan3A_740 : i32
        %scan3A_742 = arith.constant 1 : i32
        scf.for %scan3A_942 = %scan3A_739 to %scan3A_741 step %scan3A_742  : i32 {
          %broadcast_in_dim3A_943 = arith.constant 0 : i32
          %broadcast_in_dim3A_944 = vector.broadcast %broadcast_in_dim3A_943 : i32 to vector<16xi32>
          %add3A_945 = vector.broadcast %scan3A_942 : i32 to vector<16xi32>
          %add3A_946 = arith.addi %broadcast_in_dim3A_944, %add3A_945 : vector<16xi32>
          %scatter3A_947 = arith.constant 0 : i32
          %scatter3A_948 = arith.constant 0 : i32
          %scatter3A_949 = tpu.memref_slice %arg7[%scatter3A_947, %scatter3A_948] : memref<200x64xf32, #tpu.memory_space<vmem>> -> memref<200x64xf32, #tpu.memory_space<vmem>>
          tpu.vector_store_idx %scatter3A_949[%add3A_737, %add3A_946], %broadcast_in_dim3A_708 masked %eq3A_733 : memref<200x64xf32, #tpu.memory_space<vmem>>[vector<16xi32>, vector<16xi32>], vector<16xf32>, vector<16xi1>
        }
        %scan3A_743 = arith.constant 64 : i32
        %get3A_744 = arith.constant 0 : i32
        %get3A_745 = tpu.memref_slice %arg5[%add3A_221, %get3A_744] : memref<128x200xi32, #tpu.memory_space<vmem>> -> memref<1x200xi32, #tpu.memory_space<vmem>>
        %get3A_746 = tpu.memref_squeeze %get3A_745 : memref<1x200xi32, #tpu.memory_space<vmem>> -> memref<200xi32, #tpu.memory_space<vmem>>
        %get3A_747 = arith.constant 32 : index
        %get3A_748 = tpu.vector_load %get3A_746[%get3A_747] {strides = array<i32>} : memref<200xi32, #tpu.memory_space<vmem>>, vector<16xi32>,
        %eq3A_749 = arith.constant 0 : i32
        %eq3A_750 = vector.broadcast %eq3A_749 : i32 to vector<16xi32>
        %eq3A_751 = arith.cmpi eq, %get3A_748, %eq3A_750 : vector<16xi32>
        %iota3A_752 = tpu.iota {dimensions = array<i32: 0>} : vector<16xi32>
        %add3A_753 = arith.constant 32 : i32
        %add3A_754 = vector.broadcast %add3A_753 : i32 to vector<16xi32>
        %add3A_755 = arith.addi %add3A_754, %iota3A_752 : vector<16xi32>
        %scan3A_756 = arith.constant 0 : i32
        %scan3A_757 = arith.constant 0 : i32
        %scan3A_758 = arith.constant 64 : i32
        %scan3A_759 = arith.addi %scan3A_757, %scan3A_758 : i32
        %scan3A_760 = arith.constant 1 : i32
        scf.for %scan3A_942 = %scan3A_757 to %scan3A_759 step %scan3A_760  : i32 {
          %broadcast_in_dim3A_943 = arith.constant 0 : i32
          %broadcast_in_dim3A_944 = vector.broadcast %broadcast_in_dim3A_943 : i32 to vector<16xi32>
          %add3A_945 = vector.broadcast %scan3A_942 : i32 to vector<16xi32>
          %add3A_946 = arith.addi %broadcast_in_dim3A_944, %add3A_945 : vector<16xi32>
          %scatter3A_947 = arith.constant 0 : i32
          %scatter3A_948 = arith.constant 0 : i32
          %scatter3A_949 = tpu.memref_slice %arg7[%scatter3A_947, %scatter3A_948] : memref<200x64xf32, #tpu.memory_space<vmem>> -> memref<200x64xf32, #tpu.memory_space<vmem>>
          tpu.vector_store_idx %scatter3A_949[%add3A_755, %add3A_946], %broadcast_in_dim3A_708 masked %eq3A_751 : memref<200x64xf32, #tpu.memory_space<vmem>>[vector<16xi32>, vector<16xi32>], vector<16xf32>, vector<16xi1>
        }
        %scan3A_761 = arith.constant 64 : i32
        %get3A_762 = arith.constant 0 : i32
        %get3A_763 = tpu.memref_slice %arg5[%add3A_221, %get3A_762] : memref<128x200xi32, #tpu.memory_space<vmem>> -> memref<1x200xi32, #tpu.memory_space<vmem>>
        %get3A_764 = tpu.memref_squeeze %get3A_763 : memref<1x200xi32, #tpu.memory_space<vmem>> -> memref<200xi32, #tpu.memory_space<vmem>>
        %get3A_765 = arith.constant 48 : index
        %get3A_766 = tpu.vector_load %get3A_764[%get3A_765] {strides = array<i32>} : memref<200xi32, #tpu.memory_space<vmem>>, vector<16xi32>,
        %eq3A_767 = arith.constant 0 : i32
        %eq3A_768 = vector.broadcast %eq3A_767 : i32 to vector<16xi32>
        %eq3A_769 = arith.cmpi eq, %get3A_766, %eq3A_768 : vector<16xi32>
        %iota3A_770 = tpu.iota {dimensions = array<i32: 0>} : vector<16xi32>
        %add3A_771 = arith.constant 48 : i32
        %add3A_772 = vector.broadcast %add3A_771 : i32 to vector<16xi32>
        %add3A_773 = arith.addi %add3A_772, %iota3A_770 : vector<16xi32>
        %scan3A_774 = arith.constant 0 : i32
        %scan3A_775 = arith.constant 0 : i32
        %scan3A_776 = arith.constant 64 : i32
        %scan3A_777 = arith.addi %scan3A_775, %scan3A_776 : i32
        %scan3A_778 = arith.constant 1 : i32
        scf.for %scan3A_942 = %scan3A_775 to %scan3A_777 step %scan3A_778  : i32 {
          %broadcast_in_dim3A_943 = arith.constant 0 : i32
          %broadcast_in_dim3A_944 = vector.broadcast %broadcast_in_dim3A_943 : i32 to vector<16xi32>
          %add3A_945 = vector.broadcast %scan3A_942 : i32 to vector<16xi32>
          %add3A_946 = arith.addi %broadcast_in_dim3A_944, %add3A_945 : vector<16xi32>
          %scatter3A_947 = arith.constant 0 : i32
          %scatter3A_948 = arith.constant 0 : i32
          %scatter3A_949 = tpu.memref_slice %arg7[%scatter3A_947, %scatter3A_948] : memref<200x64xf32, #tpu.memory_space<vmem>> -> memref<200x64xf32, #tpu.memory_space<vmem>>
          tpu.vector_store_idx %scatter3A_949[%add3A_773, %add3A_946], %broadcast_in_dim3A_708 masked %eq3A_769 : memref<200x64xf32, #tpu.memory_space<vmem>>[vector<16xi32>, vector<16xi32>], vector<16xf32>, vector<16xi1>
        }
        %scan3A_779 = arith.constant 64 : i32
        %get3A_780 = arith.constant 0 : i32
        %get3A_781 = tpu.memref_slice %arg5[%add3A_221, %get3A_780] : memref<128x200xi32, #tpu.memory_space<vmem>> -> memref<1x200xi32, #tpu.memory_space<vmem>>
        %get3A_782 = tpu.memref_squeeze %get3A_781 : memref<1x200xi32, #tpu.memory_space<vmem>> -> memref<200xi32, #tpu.memory_space<vmem>>
        %get3A_783 = arith.constant 64 : index
        %get3A_784 = tpu.vector_load %get3A_782[%get3A_783] {strides = array<i32>} : memref<200xi32, #tpu.memory_space<vmem>>, vector<16xi32>,
        %eq3A_785 = arith.constant 0 : i32
        %eq3A_786 = vector.broadcast %eq3A_785 : i32 to vector<16xi32>
        %eq3A_787 = arith.cmpi eq, %get3A_784, %eq3A_786 : vector<16xi32>
        %iota3A_788 = tpu.iota {dimensions = array<i32: 0>} : vector<16xi32>
        %add3A_789 = arith.constant 64 : i32
        %add3A_790 = vector.broadcast %add3A_789 : i32 to vector<16xi32>
        %add3A_791 = arith.addi %add3A_790, %iota3A_788 : vector<16xi32>
        %scan3A_792 = arith.constant 0 : i32
        %scan3A_793 = arith.constant 0 : i32
        %scan3A_794 = arith.constant 64 : i32
        %scan3A_795 = arith.addi %scan3A_793, %scan3A_794 : i32
        %scan3A_796 = arith.constant 1 : i32
        scf.for %scan3A_942 = %scan3A_793 to %scan3A_795 step %scan3A_796  : i32 {
          %broadcast_in_dim3A_943 = arith.constant 0 : i32
          %broadcast_in_dim3A_944 = vector.broadcast %broadcast_in_dim3A_943 : i32 to vector<16xi32>
          %add3A_945 = vector.broadcast %scan3A_942 : i32 to vector<16xi32>
          %add3A_946 = arith.addi %broadcast_in_dim3A_944, %add3A_945 : vector<16xi32>
          %scatter3A_947 = arith.constant 0 : i32
          %scatter3A_948 = arith.constant 0 : i32
          %scatter3A_949 = tpu.memref_slice %arg7[%scatter3A_947, %scatter3A_948] : memref<200x64xf32, #tpu.memory_space<vmem>> -> memref<200x64xf32, #tpu.memory_space<vmem>>
          tpu.vector_store_idx %scatter3A_949[%add3A_791, %add3A_946], %broadcast_in_dim3A_708 masked %eq3A_787 : memref<200x64xf32, #tpu.memory_space<vmem>>[vector<16xi32>, vector<16xi32>], vector<16xf32>, vector<16xi1>
        }
        %scan3A_797 = arith.constant 64 : i32
        %get3A_798 = arith.constant 0 : i32
        %get3A_799 = tpu.memref_slice %arg5[%add3A_221, %get3A_798] : memref<128x200xi32, #tpu.memory_space<vmem>> -> memref<1x200xi32, #tpu.memory_space<vmem>>
        %get3A_800 = tpu.memref_squeeze %get3A_799 : memref<1x200xi32, #tpu.memory_space<vmem>> -> memref<200xi32, #tpu.memory_space<vmem>>
        %get3A_801 = arith.constant 80 : index
        %get3A_802 = tpu.vector_load %get3A_800[%get3A_801] {strides = array<i32>} : memref<200xi32, #tpu.memory_space<vmem>>, vector<16xi32>,
        %eq3A_803 = arith.constant 0 : i32
        %eq3A_804 = vector.broadcast %eq3A_803 : i32 to vector<16xi32>
        %eq3A_805 = arith.cmpi eq, %get3A_802, %eq3A_804 : vector<16xi32>
        %iota3A_806 = tpu.iota {dimensions = array<i32: 0>} : vector<16xi32>
        %add3A_807 = arith.constant 80 : i32
        %add3A_808 = vector.broadcast %add3A_807 : i32 to vector<16xi32>
        %add3A_809 = arith.addi %add3A_808, %iota3A_806 : vector<16xi32>
        %scan3A_810 = arith.constant 0 : i32
        %scan3A_811 = arith.constant 0 : i32
        %scan3A_812 = arith.constant 64 : i32
        %scan3A_813 = arith.addi %scan3A_811, %scan3A_812 : i32
        %scan3A_814 = arith.constant 1 : i32
        scf.for %scan3A_942 = %scan3A_811 to %scan3A_813 step %scan3A_814  : i32 {
          %broadcast_in_dim3A_943 = arith.constant 0 : i32
          %broadcast_in_dim3A_944 = vector.broadcast %broadcast_in_dim3A_943 : i32 to vector<16xi32>
          %add3A_945 = vector.broadcast %scan3A_942 : i32 to vector<16xi32>
          %add3A_946 = arith.addi %broadcast_in_dim3A_944, %add3A_945 : vector<16xi32>
          %scatter3A_947 = arith.constant 0 : i32
          %scatter3A_948 = arith.constant 0 : i32
          %scatter3A_949 = tpu.memref_slice %arg7[%scatter3A_947, %scatter3A_948] : memref<200x64xf32, #tpu.memory_space<vmem>> -> memref<200x64xf32, #tpu.memory_space<vmem>>
          tpu.vector_store_idx %scatter3A_949[%add3A_809, %add3A_946], %broadcast_in_dim3A_708 masked %eq3A_805 : memref<200x64xf32, #tpu.memory_space<vmem>>[vector<16xi32>, vector<16xi32>], vector<16xf32>, vector<16xi1>
        }
        %scan3A_815 = arith.constant 64 : i32
        %get3A_816 = arith.constant 0 : i32
        %get3A_817 = tpu.memref_slice %arg5[%add3A_221, %get3A_816] : memref<128x200xi32, #tpu.memory_space<vmem>> -> memref<1x200xi32, #tpu.memory_space<vmem>>
        %get3A_818 = tpu.memref_squeeze %get3A_817 : memref<1x200xi32, #tpu.memory_space<vmem>> -> memref<200xi32, #tpu.memory_space<vmem>>
        %get3A_819 = arith.constant 96 : index
        %get3A_820 = tpu.vector_load %get3A_818[%get3A_819] {strides = array<i32>} : memref<200xi32, #tpu.memory_space<vmem>>, vector<16xi32>,
        %eq3A_821 = arith.constant 0 : i32
        %eq3A_822 = vector.broadcast %eq3A_821 : i32 to vector<16xi32>
        %eq3A_823 = arith.cmpi eq, %get3A_820, %eq3A_822 : vector<16xi32>
        %iota3A_824 = tpu.iota {dimensions = array<i32: 0>} : vector<16xi32>
        %add3A_825 = arith.constant 96 : i32
        %add3A_826 = vector.broadcast %add3A_825 : i32 to vector<16xi32>
        %add3A_827 = arith.addi %add3A_826, %iota3A_824 : vector<16xi32>
        %scan3A_828 = arith.constant 0 : i32
        %scan3A_829 = arith.constant 0 : i32
        %scan3A_830 = arith.constant 64 : i32
        %scan3A_831 = arith.addi %scan3A_829, %scan3A_830 : i32
        %scan3A_832 = arith.constant 1 : i32
        scf.for %scan3A_942 = %scan3A_829 to %scan3A_831 step %scan3A_832  : i32 {
          %broadcast_in_dim3A_943 = arith.constant 0 : i32
          %broadcast_in_dim3A_944 = vector.broadcast %broadcast_in_dim3A_943 : i32 to vector<16xi32>
          %add3A_945 = vector.broadcast %scan3A_942 : i32 to vector<16xi32>
          %add3A_946 = arith.addi %broadcast_in_dim3A_944, %add3A_945 : vector<16xi32>
          %scatter3A_947 = arith.constant 0 : i32
          %scatter3A_948 = arith.constant 0 : i32
          %scatter3A_949 = tpu.memref_slice %arg7[%scatter3A_947, %scatter3A_948] : memref<200x64xf32, #tpu.memory_space<vmem>> -> memref<200x64xf32, #tpu.memory_space<vmem>>
          tpu.vector_store_idx %scatter3A_949[%add3A_827, %add3A_946], %broadcast_in_dim3A_708 masked %eq3A_823 : memref<200x64xf32, #tpu.memory_space<vmem>>[vector<16xi32>, vector<16xi32>], vector<16xf32>, vector<16xi1>
        }
        %scan3A_833 = arith.constant 64 : i32
        %get3A_834 = arith.constant 0 : i32
        %get3A_835 = tpu.memref_slice %arg5[%add3A_221, %get3A_834] : memref<128x200xi32, #tpu.memory_space<vmem>> -> memref<1x200xi32, #tpu.memory_space<vmem>>
        %get3A_836 = tpu.memref_squeeze %get3A_835 : memref<1x200xi32, #tpu.memory_space<vmem>> -> memref<200xi32, #tpu.memory_space<vmem>>
        %get3A_837 = arith.constant 112 : index
        %get3A_838 = tpu.vector_load %get3A_836[%get3A_837] {strides = array<i32>} : memref<200xi32, #tpu.memory_space<vmem>>, vector<16xi32>,
        %eq3A_839 = arith.constant 0 : i32
        %eq3A_840 = vector.broadcast %eq3A_839 : i32 to vector<16xi32>
        %eq3A_841 = arith.cmpi eq, %get3A_838, %eq3A_840 : vector<16xi32>
        %iota3A_842 = tpu.iota {dimensions = array<i32: 0>} : vector<16xi32>
        %add3A_843 = arith.constant 112 : i32
        %add3A_844 = vector.broadcast %add3A_843 : i32 to vector<16xi32>
        %add3A_845 = arith.addi %add3A_844, %iota3A_842 : vector<16xi32>
        %scan3A_846 = arith.constant 0 : i32
        %scan3A_847 = arith.constant 0 : i32
        %scan3A_848 = arith.constant 64 : i32
        %scan3A_849 = arith.addi %scan3A_847, %scan3A_848 : i32
        %scan3A_850 = arith.constant 1 : i32
        scf.for %scan3A_942 = %scan3A_847 to %scan3A_849 step %scan3A_850  : i32 {
          %broadcast_in_dim3A_943 = arith.constant 0 : i32
          %broadcast_in_dim3A_944 = vector.broadcast %broadcast_in_dim3A_943 : i32 to vector<16xi32>
          %add3A_945 = vector.broadcast %scan3A_942 : i32 to vector<16xi32>
          %add3A_946 = arith.addi %broadcast_in_dim3A_944, %add3A_945 : vector<16xi32>
          %scatter3A_947 = arith.constant 0 : i32
          %scatter3A_948 = arith.constant 0 : i32
          %scatter3A_949 = tpu.memref_slice %arg7[%scatter3A_947, %scatter3A_948] : memref<200x64xf32, #tpu.memory_space<vmem>> -> memref<200x64xf32, #tpu.memory_space<vmem>>
          tpu.vector_store_idx %scatter3A_949[%add3A_845, %add3A_946], %broadcast_in_dim3A_708 masked %eq3A_841 : memref<200x64xf32, #tpu.memory_space<vmem>>[vector<16xi32>, vector<16xi32>], vector<16xf32>, vector<16xi1>
        }
        %scan3A_851 = arith.constant 64 : i32
        %get3A_852 = arith.constant 0 : i32
        %get3A_853 = tpu.memref_slice %arg5[%add3A_221, %get3A_852] : memref<128x200xi32, #tpu.memory_space<vmem>> -> memref<1x200xi32, #tpu.memory_space<vmem>>
        %get3A_854 = tpu.memref_squeeze %get3A_853 : memref<1x200xi32, #tpu.memory_space<vmem>> -> memref<200xi32, #tpu.memory_space<vmem>>
        %get3A_855 = arith.constant 128 : index
        %get3A_856 = tpu.vector_load %get3A_854[%get3A_855] {strides = array<i32>} : memref<200xi32, #tpu.memory_space<vmem>>, vector<16xi32>,
        %eq3A_857 = arith.constant 0 : i32
        %eq3A_858 = vector.broadcast %eq3A_857 : i32 to vector<16xi32>
        %eq3A_859 = arith.cmpi eq, %get3A_856, %eq3A_858 : vector<16xi32>
        %iota3A_860 = tpu.iota {dimensions = array<i32: 0>} : vector<16xi32>
        %add3A_861 = arith.constant 128 : i32
        %add3A_862 = vector.broadcast %add3A_861 : i32 to vector<16xi32>
        %add3A_863 = arith.addi %add3A_862, %iota3A_860 : vector<16xi32>
        %scan3A_864 = arith.constant 0 : i32
        %scan3A_865 = arith.constant 0 : i32
        %scan3A_866 = arith.constant 64 : i32
        %scan3A_867 = arith.addi %scan3A_865, %scan3A_866 : i32
        %scan3A_868 = arith.constant 1 : i32
        scf.for %scan3A_942 = %scan3A_865 to %scan3A_867 step %scan3A_868  : i32 {
          %broadcast_in_dim3A_943 = arith.constant 0 : i32
          %broadcast_in_dim3A_944 = vector.broadcast %broadcast_in_dim3A_943 : i32 to vector<16xi32>
          %add3A_945 = vector.broadcast %scan3A_942 : i32 to vector<16xi32>
          %add3A_946 = arith.addi %broadcast_in_dim3A_944, %add3A_945 : vector<16xi32>
          %scatter3A_947 = arith.constant 0 : i32
          %scatter3A_948 = arith.constant 0 : i32
          %scatter3A_949 = tpu.memref_slice %arg7[%scatter3A_947, %scatter3A_948] : memref<200x64xf32, #tpu.memory_space<vmem>> -> memref<200x64xf32, #tpu.memory_space<vmem>>
          tpu.vector_store_idx %scatter3A_949[%add3A_863, %add3A_946], %broadcast_in_dim3A_708 masked %eq3A_859 : memref<200x64xf32, #tpu.memory_space<vmem>>[vector<16xi32>, vector<16xi32>], vector<16xf32>, vector<16xi1>
        }
        %scan3A_869 = arith.constant 64 : i32
        %get3A_870 = arith.constant 0 : i32
        %get3A_871 = tpu.memref_slice %arg5[%add3A_221, %get3A_870] : memref<128x200xi32, #tpu.memory_space<vmem>> -> memref<1x200xi32, #tpu.memory_space<vmem>>
        %get3A_872 = tpu.memref_squeeze %get3A_871 : memref<1x200xi32, #tpu.memory_space<vmem>> -> memref<200xi32, #tpu.memory_space<vmem>>
        %get3A_873 = arith.constant 144 : index
        %get3A_874 = tpu.vector_load %get3A_872[%get3A_873] {strides = array<i32>} : memref<200xi32, #tpu.memory_space<vmem>>, vector<16xi32>,
        %eq3A_875 = arith.constant 0 : i32
        %eq3A_876 = vector.broadcast %eq3A_875 : i32 to vector<16xi32>
        %eq3A_877 = arith.cmpi eq, %get3A_874, %eq3A_876 : vector<16xi32>
        %iota3A_878 = tpu.iota {dimensions = array<i32: 0>} : vector<16xi32>
        %add3A_879 = arith.constant 144 : i32
        %add3A_880 = vector.broadcast %add3A_879 : i32 to vector<16xi32>
        %add3A_881 = arith.addi %add3A_880, %iota3A_878 : vector<16xi32>
        %scan3A_882 = arith.constant 0 : i32
        %scan3A_883 = arith.constant 0 : i32
        %scan3A_884 = arith.constant 64 : i32
        %scan3A_885 = arith.addi %scan3A_883, %scan3A_884 : i32
        %scan3A_886 = arith.constant 1 : i32
        scf.for %scan3A_942 = %scan3A_883 to %scan3A_885 step %scan3A_886  : i32 {
          %broadcast_in_dim3A_943 = arith.constant 0 : i32
          %broadcast_in_dim3A_944 = vector.broadcast %broadcast_in_dim3A_943 : i32 to vector<16xi32>
          %add3A_945 = vector.broadcast %scan3A_942 : i32 to vector<16xi32>
          %add3A_946 = arith.addi %broadcast_in_dim3A_944, %add3A_945 : vector<16xi32>
          %scatter3A_947 = arith.constant 0 : i32
          %scatter3A_948 = arith.constant 0 : i32
          %scatter3A_949 = tpu.memref_slice %arg7[%scatter3A_947, %scatter3A_948] : memref<200x64xf32, #tpu.memory_space<vmem>> -> memref<200x64xf32, #tpu.memory_space<vmem>>
          tpu.vector_store_idx %scatter3A_949[%add3A_881, %add3A_946], %broadcast_in_dim3A_708 masked %eq3A_877 : memref<200x64xf32, #tpu.memory_space<vmem>>[vector<16xi32>, vector<16xi32>], vector<16xf32>, vector<16xi1>
        }
        %scan3A_887 = arith.constant 64 : i32
        %get3A_888 = arith.constant 0 : i32
        %get3A_889 = tpu.memref_slice %arg5[%add3A_221, %get3A_888] : memref<128x200xi32, #tpu.memory_space<vmem>> -> memref<1x200xi32, #tpu.memory_space<vmem>>
        %get3A_890 = tpu.memref_squeeze %get3A_889 : memref<1x200xi32, #tpu.memory_space<vmem>> -> memref<200xi32, #tpu.memory_space<vmem>>
        %get3A_891 = arith.constant 160 : index
        %get3A_892 = tpu.vector_load %get3A_890[%get3A_891] {strides = array<i32>} : memref<200xi32, #tpu.memory_space<vmem>>, vector<16xi32>,
        %eq3A_893 = arith.constant 0 : i32
        %eq3A_894 = vector.broadcast %eq3A_893 : i32 to vector<16xi32>
        %eq3A_895 = arith.cmpi eq, %get3A_892, %eq3A_894 : vector<16xi32>
        %iota3A_896 = tpu.iota {dimensions = array<i32: 0>} : vector<16xi32>
        %add3A_897 = arith.constant 160 : i32
        %add3A_898 = vector.broadcast %add3A_897 : i32 to vector<16xi32>
        %add3A_899 = arith.addi %add3A_898, %iota3A_896 : vector<16xi32>
        %scan3A_900 = arith.constant 0 : i32
        %scan3A_901 = arith.constant 0 : i32
        %scan3A_902 = arith.constant 64 : i32
        %scan3A_903 = arith.addi %scan3A_901, %scan3A_902 : i32
        %scan3A_904 = arith.constant 1 : i32
        scf.for %scan3A_942 = %scan3A_901 to %scan3A_903 step %scan3A_904  : i32 {
          %broadcast_in_dim3A_943 = arith.constant 0 : i32
          %broadcast_in_dim3A_944 = vector.broadcast %broadcast_in_dim3A_943 : i32 to vector<16xi32>
          %add3A_945 = vector.broadcast %scan3A_942 : i32 to vector<16xi32>
          %add3A_946 = arith.addi %broadcast_in_dim3A_944, %add3A_945 : vector<16xi32>
          %scatter3A_947 = arith.constant 0 : i32
          %scatter3A_948 = arith.constant 0 : i32
          %scatter3A_949 = tpu.memref_slice %arg7[%scatter3A_947, %scatter3A_948] : memref<200x64xf32, #tpu.memory_space<vmem>> -> memref<200x64xf32, #tpu.memory_space<vmem>>
          tpu.vector_store_idx %scatter3A_949[%add3A_899, %add3A_946], %broadcast_in_dim3A_708 masked %eq3A_895 : memref<200x64xf32, #tpu.memory_space<vmem>>[vector<16xi32>, vector<16xi32>], vector<16xf32>, vector<16xi1>
        }
        %scan3A_905 = arith.constant 64 : i32
        %get3A_906 = arith.constant 0 : i32
        %get3A_907 = tpu.memref_slice %arg5[%add3A_221, %get3A_906] : memref<128x200xi32, #tpu.memory_space<vmem>> -> memref<1x200xi32, #tpu.memory_space<vmem>>
        %get3A_908 = tpu.memref_squeeze %get3A_907 : memref<1x200xi32, #tpu.memory_space<vmem>> -> memref<200xi32, #tpu.memory_space<vmem>>
        %get3A_909 = arith.constant 176 : index
        %get3A_910 = tpu.vector_load %get3A_908[%get3A_909] {strides = array<i32>} : memref<200xi32, #tpu.memory_space<vmem>>, vector<16xi32>,
        %eq3A_911 = arith.constant 0 : i32
        %eq3A_912 = vector.broadcast %eq3A_911 : i32 to vector<16xi32>
        %eq3A_913 = arith.cmpi eq, %get3A_910, %eq3A_912 : vector<16xi32>
        %iota3A_914 = tpu.iota {dimensions = array<i32: 0>} : vector<16xi32>
        %add3A_915 = arith.constant 176 : i32
        %add3A_916 = vector.broadcast %add3A_915 : i32 to vector<16xi32>
        %add3A_917 = arith.addi %add3A_916, %iota3A_914 : vector<16xi32>
        %scan3A_918 = arith.constant 0 : i32
        %scan3A_919 = arith.constant 0 : i32
        %scan3A_920 = arith.constant 64 : i32
        %scan3A_921 = arith.addi %scan3A_919, %scan3A_920 : i32
        %scan3A_922 = arith.constant 1 : i32
        scf.for %scan3A_942 = %scan3A_919 to %scan3A_921 step %scan3A_922  : i32 {
          %broadcast_in_dim3A_943 = arith.constant 0 : i32
          %broadcast_in_dim3A_944 = vector.broadcast %broadcast_in_dim3A_943 : i32 to vector<16xi32>
          %add3A_945 = vector.broadcast %scan3A_942 : i32 to vector<16xi32>
          %add3A_946 = arith.addi %broadcast_in_dim3A_944, %add3A_945 : vector<16xi32>
          %scatter3A_947 = arith.constant 0 : i32
          %scatter3A_948 = arith.constant 0 : i32
          %scatter3A_949 = tpu.memref_slice %arg7[%scatter3A_947, %scatter3A_948] : memref<200x64xf32, #tpu.memory_space<vmem>> -> memref<200x64xf32, #tpu.memory_space<vmem>>
          tpu.vector_store_idx %scatter3A_949[%add3A_917, %add3A_946], %broadcast_in_dim3A_708 masked %eq3A_913 : memref<200x64xf32, #tpu.memory_space<vmem>>[vector<16xi32>, vector<16xi32>], vector<16xf32>, vector<16xi1>
        }
        %scan3A_923 = arith.constant 64 : i32
        %get3A_924 = arith.constant 0 : i32
        %get3A_925 = tpu.memref_slice %arg5[%add3A_221, %get3A_924] : memref<128x200xi32, #tpu.memory_space<vmem>> -> memref<1x200xi32, #tpu.memory_space<vmem>>
        %get3A_926 = tpu.memref_squeeze %get3A_925 : memref<1x200xi32, #tpu.memory_space<vmem>> -> memref<200xi32, #tpu.memory_space<vmem>>
        %get3A_927 = arith.constant 184 : index
        %get3A_928 = tpu.vector_load %get3A_926[%get3A_927] {strides = array<i32>} : memref<200xi32, #tpu.memory_space<vmem>>, vector<16xi32>,
        %eq3A_929 = arith.constant 0 : i32
        %eq3A_930 = vector.broadcast %eq3A_929 : i32 to vector<16xi32>
        %eq3A_931 = arith.cmpi eq, %get3A_928, %eq3A_930 : vector<16xi32>
        %iota3A_932 = tpu.iota {dimensions = array<i32: 0>} : vector<16xi32>
        %add3A_933 = arith.constant 184 : i32
        %add3A_934 = vector.broadcast %add3A_933 : i32 to vector<16xi32>
        %add3A_935 = arith.addi %add3A_934, %iota3A_932 : vector<16xi32>
        %scan3A_936 = arith.constant 0 : i32
        %scan3A_937 = arith.constant 0 : i32
        %scan3A_938 = arith.constant 64 : i32
        %scan3A_939 = arith.addi %scan3A_937, %scan3A_938 : i32
        %scan3A_940 = arith.constant 1 : i32
        scf.for %scan3A_942 = %scan3A_937 to %scan3A_939 step %scan3A_940  : i32 {
          %broadcast_in_dim3A_943 = arith.constant 0 : i32
          %broadcast_in_dim3A_944 = vector.broadcast %broadcast_in_dim3A_943 : i32 to vector<16xi32>
          %add3A_945 = vector.broadcast %scan3A_942 : i32 to vector<16xi32>
          %add3A_946 = arith.addi %broadcast_in_dim3A_944, %add3A_945 : vector<16xi32>
          %scatter3A_947 = arith.constant 0 : i32
          %scatter3A_948 = arith.constant 0 : i32
          %scatter3A_949 = tpu.memref_slice %arg7[%scatter3A_947, %scatter3A_948] : memref<200x64xf32, #tpu.memory_space<vmem>> -> memref<200x64xf32, #tpu.memory_space<vmem>>
          tpu.vector_store_idx %scatter3A_949[%add3A_935, %add3A_946], %broadcast_in_dim3A_708 masked %eq3A_931 : memref<200x64xf32, #tpu.memory_space<vmem>>[vector<16xi32>, vector<16xi32>], vector<16xf32>, vector<16xi1>
        }
        %scan3A_941 = arith.constant 64 : i32
      } else {
      }
      %mul3A_363 = arith.constant 128 : i32
      %mul3A_364 = arith.muli %add3A, %mul3A_363 : i32
      %add3A_365 = arith.addi %mul3A_364, %add3A_221 : i32
      %dma_start3A_366 = arith.constant 0 : i32
      %dma_start3A_367 = arith.constant 0 : i32
      %dma_start3A_368 = tpu.memref_slice %arg4[%add3A_365, %dma_start3A_366, %dma_start3A_367] : memref<4096x200x64xf32, #tpu.memory_space<hbm>> -> memref<1x200x64xf32, #tpu.memory_space<hbm>>
      %dma_start3A_369 = tpu.memref_squeeze %dma_start3A_368 : memref<1x200x64xf32, #tpu.memory_space<hbm>> -> memref<200x64xf32, #tpu.memory_space<hbm>>
      %dma_start3A_370 = arith.constant 0 : i32
      %dma_start3A_371 = arith.constant 0 : i32
      %dma_start3A_372 = tpu.memref_slice %arg4[%add3A_365, %dma_start3A_370, %dma_start3A_371] : memref<4096x200x64xf32, #tpu.memory_space<hbm>> -> memref<1x200x64xf32, #tpu.memory_space<hbm>>
      %dma_start3A_373 = tpu.memref_squeeze %dma_start3A_372 : memref<1x200x64xf32, #tpu.memory_space<hbm>> -> memref<200x64xf32, #tpu.memory_space<hbm>>
      tpu.enqueue_dma source(%arg7 : memref<200x64xf32, #tpu.memory_space<vmem>>) target(%dma_start3A_373 : memref<200x64xf32, #tpu.memory_space<hbm>>) target_semaphore(%arg16 : memref<!tpu.dma_semaphore, #tpu.memory_space<semaphore_mem>>)
      %add3A_374 = arith.constant 2 : i32
      %add3A_375 = arith.addi %add3A_221, %add3A_374 : i32
      %lt3A_376 = arith.constant 128 : i32
      %lt3A_377 = arith.cmpi slt, %add3A_375, %lt3A_376 : i32
      %convert_element_type3A_378 = arith.extui %lt3A_377 : i1 to i32
      %cond3A_379 = arith.constant 0 : i32
      %cond3A_380 = arith.cmpi ne, %convert_element_type3A_378, %cond3A_379 : i32
      scf.if %cond3A_380 {
        %ge3A = arith.constant 4 : i32
        %ge3A_707 = arith.cmpi sge, %add3A_375, %ge3A : i32
        %convert_element_type3A_708 = arith.extui %ge3A_707 : i1 to i32
        %cond3A_709 = arith.constant 0 : i32
        %cond3A_710 = arith.cmpi ne, %convert_element_type3A_708, %cond3A_709 : i32
        scf.if %cond3A_710 {
          %sub3A = arith.constant 4 : i32
          %sub3A_717 = arith.subi %add3A_375, %sub3A : i32
          %mul3A_718 = arith.constant 128 : i32
          %mul3A_719 = arith.muli %add3A, %mul3A_718 : i32
          %add3A_720 = arith.addi %mul3A_719, %sub3A_717 : i32
          %dma_wait3A_721 = arith.constant 0 : i32
          %dma_wait3A_722 = arith.constant 0 : i32
          %dma_wait3A_723 = tpu.memref_slice %arg4[%add3A_720, %dma_wait3A_721, %dma_wait3A_722] : memref<4096x200x64xf32, #tpu.memory_space<hbm>> -> memref<1x200x64xf32, #tpu.memory_space<hbm>>
          %dma_wait3A_724 = tpu.memref_squeeze %dma_wait3A_723 : memref<1x200x64xf32, #tpu.memory_space<hbm>> -> memref<200x64xf32, #tpu.memory_space<hbm>>
          %dma_wait3A_725 = arith.constant 0 : i32
          %dma_wait3A_726 = arith.constant 0 : i32
          %dma_wait3A_727 = tpu.memref_slice %arg4[%add3A_720, %dma_wait3A_725, %dma_wait3A_726] : memref<4096x200x64xf32, #tpu.memory_space<hbm>> -> memref<1x200x64xf32, #tpu.memory_space<hbm>>
          %dma_wait3A_728 = tpu.memref_squeeze %dma_wait3A_727 : memref<1x200x64xf32, #tpu.memory_space<hbm>> -> memref<200x64xf32, #tpu.memory_space<hbm>>
          tpu.wait_dma2 semaphore(%arg18 : memref<!tpu.dma_semaphore, #tpu.memory_space<semaphore_mem>>) src(%arg9 : memref<200x64xf32, #tpu.memory_space<vmem>>) dst(%dma_wait3A_728 : memref<200x64xf32, #tpu.memory_space<hbm>>)
        } else {
        }
        %dma_start3A_711 = arith.constant 0 : i32
        %dma_start3A_712 = tpu.memref_slice %arg5[%add3A_375, %dma_start3A_711] : memref<128x200xi32, #tpu.memory_space<vmem>> -> memref<1x200xi32, #tpu.memory_space<vmem>>
        %dma_start3A_713 = tpu.memref_squeeze %dma_start3A_712 : memref<1x200xi32, #tpu.memory_space<vmem>> -> memref<200xi32, #tpu.memory_space<vmem>>
        %dma_start3A_714 = arith.constant 0 : i32
        %dma_start3A_715 = arith.constant 0 : i32
        %dma_start3A_716 = tpu.memref_slice %arg3[%dma_start3A_714, %dma_start3A_715] : memref<1000000x64xf32, #tpu.memory_space<hbm>> -> memref<1000000x64xf32, #tpu.memory_space<hbm>>
        tpu.enqueue_indirect_dma source(%dma_start3A_716 : memref<1000000x64xf32, #tpu.memory_space<hbm>>) target(%arg9 : memref<200x64xf32, #tpu.memory_space<vmem>>) offsets(%dma_start3A_713 : memref<200xi32, #tpu.memory_space<vmem>>) semaphore(%arg14 : memref<!tpu.dma_semaphore, #tpu.memory_space<semaphore_mem>>)
      } else {
      }
      %mul3A_381 = arith.constant 4 : i32
      %mul3A_382 = arith.muli %mul3A_381, %scan3A_66 : i32
      %add3A_383 = arith.constant 2 : i32
      %add3A_384 = arith.addi %mul3A_382, %add3A_383 : i32
      %dma_wait3A_385 = arith.constant 0 : i32
      %dma_wait3A_386 = tpu.memref_slice %arg5[%add3A_384, %dma_wait3A_385] : memref<128x200xi32, #tpu.memory_space<vmem>> -> memref<1x200xi32, #tpu.memory_space<vmem>>
      %dma_wait3A_387 = tpu.memref_squeeze %dma_wait3A_386 : memref<1x200xi32, #tpu.memory_space<vmem>> -> memref<200xi32, #tpu.memory_space<vmem>>
      %dma_wait3A_388 = arith.constant 0 : i32
      %dma_wait3A_389 = arith.constant 0 : i32
      %dma_wait3A_390 = tpu.memref_slice %arg3[%dma_wait3A_388, %dma_wait3A_389] : memref<1000000x64xf32, #tpu.memory_space<hbm>> -> memref<1000000x64xf32, #tpu.memory_space<hbm>>
      tpu.wait_indirect_dma semaphore(%arg13 : memref<!tpu.dma_semaphore, #tpu.memory_space<semaphore_mem>>) src(%dma_wait3A_390 : memref<1000000x64xf32, #tpu.memory_space<hbm>>) dst(%arg8 : memref<200x64xf32, #tpu.memory_space<vmem>>)
      %get3A_391 = arith.constant 0 : i32
      %get3A_392 = tpu.memref_slice %arg5[%add3A_384, %get3A_391] : memref<128x200xi32, #tpu.memory_space<vmem>> -> memref<1x200xi32, #tpu.memory_space<vmem>>
      %get3A_393 = tpu.memref_squeeze %get3A_392 : memref<1x200xi32, #tpu.memory_space<vmem>> -> memref<200xi32, #tpu.memory_space<vmem>>
      %get3A_394 = arith.constant 0 : index
      %get3A_395 = tpu.vector_load %get3A_393[%get3A_394] {strides = array<i32>} : memref<200xi32, #tpu.memory_space<vmem>>, vector<16xi32>,
      %eq3A_396 = arith.constant 0 : i32
      %eq3A_397 = vector.broadcast %eq3A_396 : i32 to vector<16xi32>
      %eq3A_398 = arith.cmpi eq, %get3A_395, %eq3A_397 : vector<16xi32>
      %get3A_399 = arith.constant 0 : i32
      %get3A_400 = tpu.memref_slice %arg5[%add3A_384, %get3A_399] : memref<128x200xi32, #tpu.memory_space<vmem>> -> memref<1x200xi32, #tpu.memory_space<vmem>>
      %get3A_401 = tpu.memref_squeeze %get3A_400 : memref<1x200xi32, #tpu.memory_space<vmem>> -> memref<200xi32, #tpu.memory_space<vmem>>
      %get3A_402 = arith.constant 16 : index
      %get3A_403 = tpu.vector_load %get3A_401[%get3A_402] {strides = array<i32>} : memref<200xi32, #tpu.memory_space<vmem>>, vector<16xi32>,
      %eq3A_404 = arith.constant 0 : i32
      %eq3A_405 = vector.broadcast %eq3A_404 : i32 to vector<16xi32>
      %eq3A_406 = arith.cmpi eq, %get3A_403, %eq3A_405 : vector<16xi32>
      %or3A_407 = arith.ori %eq3A_398, %eq3A_406 : vector<16xi1>
      %get3A_408 = arith.constant 0 : i32
      %get3A_409 = tpu.memref_slice %arg5[%add3A_384, %get3A_408] : memref<128x200xi32, #tpu.memory_space<vmem>> -> memref<1x200xi32, #tpu.memory_space<vmem>>
      %get3A_410 = tpu.memref_squeeze %get3A_409 : memref<1x200xi32, #tpu.memory_space<vmem>> -> memref<200xi32, #tpu.memory_space<vmem>>
      %get3A_411 = arith.constant 32 : index
      %get3A_412 = tpu.vector_load %get3A_410[%get3A_411] {strides = array<i32>} : memref<200xi32, #tpu.memory_space<vmem>>, vector<16xi32>,
      %eq3A_413 = arith.constant 0 : i32
      %eq3A_414 = vector.broadcast %eq3A_413 : i32 to vector<16xi32>
      %eq3A_415 = arith.cmpi eq, %get3A_412, %eq3A_414 : vector<16xi32>
      %or3A_416 = arith.ori %or3A_407, %eq3A_415 : vector<16xi1>
      %get3A_417 = arith.constant 0 : i32
      %get3A_418 = tpu.memref_slice %arg5[%add3A_384, %get3A_417] : memref<128x200xi32, #tpu.memory_space<vmem>> -> memref<1x200xi32, #tpu.memory_space<vmem>>
      %get3A_419 = tpu.memref_squeeze %get3A_418 : memref<1x200xi32, #tpu.memory_space<vmem>> -> memref<200xi32, #tpu.memory_space<vmem>>
      %get3A_420 = arith.constant 48 : index
      %get3A_421 = tpu.vector_load %get3A_419[%get3A_420] {strides = array<i32>} : memref<200xi32, #tpu.memory_space<vmem>>, vector<16xi32>,
      %eq3A_422 = arith.constant 0 : i32
      %eq3A_423 = vector.broadcast %eq3A_422 : i32 to vector<16xi32>
      %eq3A_424 = arith.cmpi eq, %get3A_421, %eq3A_423 : vector<16xi32>
      %or3A_425 = arith.ori %or3A_416, %eq3A_424 : vector<16xi1>
      %get3A_426 = arith.constant 0 : i32
      %get3A_427 = tpu.memref_slice %arg5[%add3A_384, %get3A_426] : memref<128x200xi32, #tpu.memory_space<vmem>> -> memref<1x200xi32, #tpu.memory_space<vmem>>
      %get3A_428 = tpu.memref_squeeze %get3A_427 : memref<1x200xi32, #tpu.memory_space<vmem>> -> memref<200xi32, #tpu.memory_space<vmem>>
      %get3A_429 = arith.constant 64 : index
      %get3A_430 = tpu.vector_load %get3A_428[%get3A_429] {strides = array<i32>} : memref<200xi32, #tpu.memory_space<vmem>>, vector<16xi32>,
      %eq3A_431 = arith.constant 0 : i32
      %eq3A_432 = vector.broadcast %eq3A_431 : i32 to vector<16xi32>
      %eq3A_433 = arith.cmpi eq, %get3A_430, %eq3A_432 : vector<16xi32>
      %or3A_434 = arith.ori %or3A_425, %eq3A_433 : vector<16xi1>
      %get3A_435 = arith.constant 0 : i32
      %get3A_436 = tpu.memref_slice %arg5[%add3A_384, %get3A_435] : memref<128x200xi32, #tpu.memory_space<vmem>> -> memref<1x200xi32, #tpu.memory_space<vmem>>
      %get3A_437 = tpu.memref_squeeze %get3A_436 : memref<1x200xi32, #tpu.memory_space<vmem>> -> memref<200xi32, #tpu.memory_space<vmem>>
      %get3A_438 = arith.constant 80 : index
      %get3A_439 = tpu.vector_load %get3A_437[%get3A_438] {strides = array<i32>} : memref<200xi32, #tpu.memory_space<vmem>>, vector<16xi32>,
      %eq3A_440 = arith.constant 0 : i32
      %eq3A_441 = vector.broadcast %eq3A_440 : i32 to vector<16xi32>
      %eq3A_442 = arith.cmpi eq, %get3A_439, %eq3A_441 : vector<16xi32>
      %or3A_443 = arith.ori %or3A_434, %eq3A_442 : vector<16xi1>
      %get3A_444 = arith.constant 0 : i32
      %get3A_445 = tpu.memref_slice %arg5[%add3A_384, %get3A_444] : memref<128x200xi32, #tpu.memory_space<vmem>> -> memref<1x200xi32, #tpu.memory_space<vmem>>
      %get3A_446 = tpu.memref_squeeze %get3A_445 : memref<1x200xi32, #tpu.memory_space<vmem>> -> memref<200xi32, #tpu.memory_space<vmem>>
      %get3A_447 = arith.constant 96 : index
      %get3A_448 = tpu.vector_load %get3A_446[%get3A_447] {strides = array<i32>} : memref<200xi32, #tpu.memory_space<vmem>>, vector<16xi32>,
      %eq3A_449 = arith.constant 0 : i32
      %eq3A_450 = vector.broadcast %eq3A_449 : i32 to vector<16xi32>
      %eq3A_451 = arith.cmpi eq, %get3A_448, %eq3A_450 : vector<16xi32>
      %or3A_452 = arith.ori %or3A_443, %eq3A_451 : vector<16xi1>
      %get3A_453 = arith.constant 0 : i32
      %get3A_454 = tpu.memref_slice %arg5[%add3A_384, %get3A_453] : memref<128x200xi32, #tpu.memory_space<vmem>> -> memref<1x200xi32, #tpu.memory_space<vmem>>
      %get3A_455 = tpu.memref_squeeze %get3A_454 : memref<1x200xi32, #tpu.memory_space<vmem>> -> memref<200xi32, #tpu.memory_space<vmem>>
      %get3A_456 = arith.constant 112 : index
      %get3A_457 = tpu.vector_load %get3A_455[%get3A_456] {strides = array<i32>} : memref<200xi32, #tpu.memory_space<vmem>>, vector<16xi32>,
      %eq3A_458 = arith.constant 0 : i32
      %eq3A_459 = vector.broadcast %eq3A_458 : i32 to vector<16xi32>
      %eq3A_460 = arith.cmpi eq, %get3A_457, %eq3A_459 : vector<16xi32>
      %or3A_461 = arith.ori %or3A_452, %eq3A_460 : vector<16xi1>
      %get3A_462 = arith.constant 0 : i32
      %get3A_463 = tpu.memref_slice %arg5[%add3A_384, %get3A_462] : memref<128x200xi32, #tpu.memory_space<vmem>> -> memref<1x200xi32, #tpu.memory_space<vmem>>
      %get3A_464 = tpu.memref_squeeze %get3A_463 : memref<1x200xi32, #tpu.memory_space<vmem>> -> memref<200xi32, #tpu.memory_space<vmem>>
      %get3A_465 = arith.constant 128 : index
      %get3A_466 = tpu.vector_load %get3A_464[%get3A_465] {strides = array<i32>} : memref<200xi32, #tpu.memory_space<vmem>>, vector<16xi32>,
      %eq3A_467 = arith.constant 0 : i32
      %eq3A_468 = vector.broadcast %eq3A_467 : i32 to vector<16xi32>
      %eq3A_469 = arith.cmpi eq, %get3A_466, %eq3A_468 : vector<16xi32>
      %or3A_470 = arith.ori %or3A_461, %eq3A_469 : vector<16xi1>
      %get3A_471 = arith.constant 0 : i32
      %get3A_472 = tpu.memref_slice %arg5[%add3A_384, %get3A_471] : memref<128x200xi32, #tpu.memory_space<vmem>> -> memref<1x200xi32, #tpu.memory_space<vmem>>
      %get3A_473 = tpu.memref_squeeze %get3A_472 : memref<1x200xi32, #tpu.memory_space<vmem>> -> memref<200xi32, #tpu.memory_space<vmem>>
      %get3A_474 = arith.constant 144 : index
      %get3A_475 = tpu.vector_load %get3A_473[%get3A_474] {strides = array<i32>} : memref<200xi32, #tpu.memory_space<vmem>>, vector<16xi32>,
      %eq3A_476 = arith.constant 0 : i32
      %eq3A_477 = vector.broadcast %eq3A_476 : i32 to vector<16xi32>
      %eq3A_478 = arith.cmpi eq, %get3A_475, %eq3A_477 : vector<16xi32>
      %or3A_479 = arith.ori %or3A_470, %eq3A_478 : vector<16xi1>
      %get3A_480 = arith.constant 0 : i32
      %get3A_481 = tpu.memref_slice %arg5[%add3A_384, %get3A_480] : memref<128x200xi32, #tpu.memory_space<vmem>> -> memref<1x200xi32, #tpu.memory_space<vmem>>
      %get3A_482 = tpu.memref_squeeze %get3A_481 : memref<1x200xi32, #tpu.memory_space<vmem>> -> memref<200xi32, #tpu.memory_space<vmem>>
      %get3A_483 = arith.constant 160 : index
      %get3A_484 = tpu.vector_load %get3A_482[%get3A_483] {strides = array<i32>} : memref<200xi32, #tpu.memory_space<vmem>>, vector<16xi32>,
      %eq3A_485 = arith.constant 0 : i32
      %eq3A_486 = vector.broadcast %eq3A_485 : i32 to vector<16xi32>
      %eq3A_487 = arith.cmpi eq, %get3A_484, %eq3A_486 : vector<16xi32>
      %or3A_488 = arith.ori %or3A_479, %eq3A_487 : vector<16xi1>
      %get3A_489 = arith.constant 0 : i32
      %get3A_490 = tpu.memref_slice %arg5[%add3A_384, %get3A_489] : memref<128x200xi32, #tpu.memory_space<vmem>> -> memref<1x200xi32, #tpu.memory_space<vmem>>
      %get3A_491 = tpu.memref_squeeze %get3A_490 : memref<1x200xi32, #tpu.memory_space<vmem>> -> memref<200xi32, #tpu.memory_space<vmem>>
      %get3A_492 = arith.constant 176 : index
      %get3A_493 = tpu.vector_load %get3A_491[%get3A_492] {strides = array<i32>} : memref<200xi32, #tpu.memory_space<vmem>>, vector<16xi32>,
      %eq3A_494 = arith.constant 0 : i32
      %eq3A_495 = vector.broadcast %eq3A_494 : i32 to vector<16xi32>
      %eq3A_496 = arith.cmpi eq, %get3A_493, %eq3A_495 : vector<16xi32>
      %or3A_497 = arith.ori %or3A_488, %eq3A_496 : vector<16xi1>
      %get3A_498 = arith.constant 0 : i32
      %get3A_499 = tpu.memref_slice %arg5[%add3A_384, %get3A_498] : memref<128x200xi32, #tpu.memory_space<vmem>> -> memref<1x200xi32, #tpu.memory_space<vmem>>
      %get3A_500 = tpu.memref_squeeze %get3A_499 : memref<1x200xi32, #tpu.memory_space<vmem>> -> memref<200xi32, #tpu.memory_space<vmem>>
      %get3A_501 = arith.constant 184 : index
      %get3A_502 = tpu.vector_load %get3A_500[%get3A_501] {strides = array<i32>} : memref<200xi32, #tpu.memory_space<vmem>>, vector<16xi32>,
      %eq3A_503 = arith.constant 0 : i32
      %eq3A_504 = vector.broadcast %eq3A_503 : i32 to vector<16xi32>
      %eq3A_505 = arith.cmpi eq, %get3A_502, %eq3A_504 : vector<16xi32>
      %or3A_506 = arith.ori %or3A_497, %eq3A_505 : vector<16xi1>
      %broadcast_in_dim3A_507 = arith.constant 0 : i32
      %broadcast_in_dim3A_508 = vector.broadcast %broadcast_in_dim3A_507 : i32 to vector<16xi32>
      %swap3A_509 = arith.constant 0 : index
      %swap3A_510 = tpu.vector_load %arg10[%swap3A_509] {strides = array<i32>} : memref<16xi32, #tpu.memory_space<vmem>>, vector<16xi32>,
      tpu.vector_store %arg10[%swap3A_509], %broadcast_in_dim3A_508 {strides = array<i32>} : memref<16xi32, #tpu.memory_space<vmem>>, vector<16xi32>,
      %broadcast_in_dim3A_511 = arith.constant 0 : i32
      %broadcast_in_dim3A_512 = vector.broadcast %broadcast_in_dim3A_511 : i32 to vector<16xi32>
      %broadcast_in_dim3A_513 = arith.constant 1 : i32
      %broadcast_in_dim3A_514 = vector.broadcast %broadcast_in_dim3A_513 : i32 to vector<16xi32>
      %scatter3A_515 = arith.constant 0 : i32
      %scatter3A_516 = tpu.memref_slice %arg10[%scatter3A_515] : memref<16xi32, #tpu.memory_space<vmem>> -> memref<16xi32, #tpu.memory_space<vmem>>
      tpu.vector_store_idx %scatter3A_516[%broadcast_in_dim3A_512], %broadcast_in_dim3A_514 masked %or3A_506 : memref<16xi32, #tpu.memory_space<vmem>>[vector<16xi32>], vector<16xi32>, vector<16xi1>
      %get3A_517 = arith.constant 0 : index
      %get3A_518 = tpu.vector_load %arg10[%get3A_517] {strides = array<i32>} : memref<16xi32, #tpu.memory_space<vmem>>, vector<16xi32>,
      %slice3A_519 = vector.extract_strided_slice %get3A_518 {offsets = [0], sizes = [1], strides = [1]} : vector<16xi32> to vector<1xi32>
      %squeeze3A_520 = vector.extract %slice3A_519[0] : i32 from vector<1xi32>
      %ne3A_521 = arith.constant 0 : i32
      %ne3A_522 = arith.cmpi ne, %squeeze3A_520, %ne3A_521 : i32
      %convert_element_type3A_523 = arith.extui %ne3A_522 : i1 to i32
      %cond3A_524 = arith.constant 0 : i32
      %cond3A_525 = arith.cmpi ne, %convert_element_type3A_523, %cond3A_524 : i32
      scf.if %cond3A_525 {
        %broadcast_in_dim3A_707 = arith.constant 0.000000e+00 : f32
        %broadcast_in_dim3A_708 = vector.broadcast %broadcast_in_dim3A_707 : f32 to vector<16xf32>
        %get3A_709 = arith.constant 0 : i32
        %get3A_710 = tpu.memref_slice %arg5[%add3A_384, %get3A_709] : memref<128x200xi32, #tpu.memory_space<vmem>> -> memref<1x200xi32, #tpu.memory_space<vmem>>
        %get3A_711 = tpu.memref_squeeze %get3A_710 : memref<1x200xi32, #tpu.memory_space<vmem>> -> memref<200xi32, #tpu.memory_space<vmem>>
        %get3A_712 = arith.constant 0 : index
        %get3A_713 = tpu.vector_load %get3A_711[%get3A_712] {strides = array<i32>} : memref<200xi32, #tpu.memory_space<vmem>>, vector<16xi32>,
        %eq3A_714 = arith.constant 0 : i32
        %eq3A_715 = vector.broadcast %eq3A_714 : i32 to vector<16xi32>
        %eq3A_716 = arith.cmpi eq, %get3A_713, %eq3A_715 : vector<16xi32>
        %iota3A = tpu.iota {dimensions = array<i32: 0>} : vector<16xi32>
        %add3A_717 = arith.constant 0 : i32
        %add3A_718 = vector.broadcast %add3A_717 : i32 to vector<16xi32>
        %add3A_719 = arith.addi %add3A_718, %iota3A : vector<16xi32>
        %scan3A_720 = arith.constant 0 : i32
        %scan3A_721 = arith.constant 0 : i32
        %scan3A_722 = arith.constant 64 : i32
        %scan3A_723 = arith.addi %scan3A_721, %scan3A_722 : i32
        %scan3A_724 = arith.constant 1 : i32
        scf.for %scan3A_942 = %scan3A_721 to %scan3A_723 step %scan3A_724  : i32 {
          %broadcast_in_dim3A_943 = arith.constant 0 : i32
          %broadcast_in_dim3A_944 = vector.broadcast %broadcast_in_dim3A_943 : i32 to vector<16xi32>
          %add3A_945 = vector.broadcast %scan3A_942 : i32 to vector<16xi32>
          %add3A_946 = arith.addi %broadcast_in_dim3A_944, %add3A_945 : vector<16xi32>
          %scatter3A_947 = arith.constant 0 : i32
          %scatter3A_948 = arith.constant 0 : i32
          %scatter3A_949 = tpu.memref_slice %arg8[%scatter3A_947, %scatter3A_948] : memref<200x64xf32, #tpu.memory_space<vmem>> -> memref<200x64xf32, #tpu.memory_space<vmem>>
          tpu.vector_store_idx %scatter3A_949[%add3A_719, %add3A_946], %broadcast_in_dim3A_708 masked %eq3A_716 : memref<200x64xf32, #tpu.memory_space<vmem>>[vector<16xi32>, vector<16xi32>], vector<16xf32>, vector<16xi1>
        }
        %scan3A_725 = arith.constant 64 : i32
        %get3A_726 = arith.constant 0 : i32
        %get3A_727 = tpu.memref_slice %arg5[%add3A_384, %get3A_726] : memref<128x200xi32, #tpu.memory_space<vmem>> -> memref<1x200xi32, #tpu.memory_space<vmem>>
        %get3A_728 = tpu.memref_squeeze %get3A_727 : memref<1x200xi32, #tpu.memory_space<vmem>> -> memref<200xi32, #tpu.memory_space<vmem>>
        %get3A_729 = arith.constant 16 : index
        %get3A_730 = tpu.vector_load %get3A_728[%get3A_729] {strides = array<i32>} : memref<200xi32, #tpu.memory_space<vmem>>, vector<16xi32>,
        %eq3A_731 = arith.constant 0 : i32
        %eq3A_732 = vector.broadcast %eq3A_731 : i32 to vector<16xi32>
        %eq3A_733 = arith.cmpi eq, %get3A_730, %eq3A_732 : vector<16xi32>
        %iota3A_734 = tpu.iota {dimensions = array<i32: 0>} : vector<16xi32>
        %add3A_735 = arith.constant 16 : i32
        %add3A_736 = vector.broadcast %add3A_735 : i32 to vector<16xi32>
        %add3A_737 = arith.addi %add3A_736, %iota3A_734 : vector<16xi32>
        %scan3A_738 = arith.constant 0 : i32
        %scan3A_739 = arith.constant 0 : i32
        %scan3A_740 = arith.constant 64 : i32
        %scan3A_741 = arith.addi %scan3A_739, %scan3A_740 : i32
        %scan3A_742 = arith.constant 1 : i32
        scf.for %scan3A_942 = %scan3A_739 to %scan3A_741 step %scan3A_742  : i32 {
          %broadcast_in_dim3A_943 = arith.constant 0 : i32
          %broadcast_in_dim3A_944 = vector.broadcast %broadcast_in_dim3A_943 : i32 to vector<16xi32>
          %add3A_945 = vector.broadcast %scan3A_942 : i32 to vector<16xi32>
          %add3A_946 = arith.addi %broadcast_in_dim3A_944, %add3A_945 : vector<16xi32>
          %scatter3A_947 = arith.constant 0 : i32
          %scatter3A_948 = arith.constant 0 : i32
          %scatter3A_949 = tpu.memref_slice %arg8[%scatter3A_947, %scatter3A_948] : memref<200x64xf32, #tpu.memory_space<vmem>> -> memref<200x64xf32, #tpu.memory_space<vmem>>
          tpu.vector_store_idx %scatter3A_949[%add3A_737, %add3A_946], %broadcast_in_dim3A_708 masked %eq3A_733 : memref<200x64xf32, #tpu.memory_space<vmem>>[vector<16xi32>, vector<16xi32>], vector<16xf32>, vector<16xi1>
        }
        %scan3A_743 = arith.constant 64 : i32
        %get3A_744 = arith.constant 0 : i32
        %get3A_745 = tpu.memref_slice %arg5[%add3A_384, %get3A_744] : memref<128x200xi32, #tpu.memory_space<vmem>> -> memref<1x200xi32, #tpu.memory_space<vmem>>
        %get3A_746 = tpu.memref_squeeze %get3A_745 : memref<1x200xi32, #tpu.memory_space<vmem>> -> memref<200xi32, #tpu.memory_space<vmem>>
        %get3A_747 = arith.constant 32 : index
        %get3A_748 = tpu.vector_load %get3A_746[%get3A_747] {strides = array<i32>} : memref<200xi32, #tpu.memory_space<vmem>>, vector<16xi32>,
        %eq3A_749 = arith.constant 0 : i32
        %eq3A_750 = vector.broadcast %eq3A_749 : i32 to vector<16xi32>
        %eq3A_751 = arith.cmpi eq, %get3A_748, %eq3A_750 : vector<16xi32>
        %iota3A_752 = tpu.iota {dimensions = array<i32: 0>} : vector<16xi32>
        %add3A_753 = arith.constant 32 : i32
        %add3A_754 = vector.broadcast %add3A_753 : i32 to vector<16xi32>
        %add3A_755 = arith.addi %add3A_754, %iota3A_752 : vector<16xi32>
        %scan3A_756 = arith.constant 0 : i32
        %scan3A_757 = arith.constant 0 : i32
        %scan3A_758 = arith.constant 64 : i32
        %scan3A_759 = arith.addi %scan3A_757, %scan3A_758 : i32
        %scan3A_760 = arith.constant 1 : i32
        scf.for %scan3A_942 = %scan3A_757 to %scan3A_759 step %scan3A_760  : i32 {
          %broadcast_in_dim3A_943 = arith.constant 0 : i32
          %broadcast_in_dim3A_944 = vector.broadcast %broadcast_in_dim3A_943 : i32 to vector<16xi32>
          %add3A_945 = vector.broadcast %scan3A_942 : i32 to vector<16xi32>
          %add3A_946 = arith.addi %broadcast_in_dim3A_944, %add3A_945 : vector<16xi32>
          %scatter3A_947 = arith.constant 0 : i32
          %scatter3A_948 = arith.constant 0 : i32
          %scatter3A_949 = tpu.memref_slice %arg8[%scatter3A_947, %scatter3A_948] : memref<200x64xf32, #tpu.memory_space<vmem>> -> memref<200x64xf32, #tpu.memory_space<vmem>>
          tpu.vector_store_idx %scatter3A_949[%add3A_755, %add3A_946], %broadcast_in_dim3A_708 masked %eq3A_751 : memref<200x64xf32, #tpu.memory_space<vmem>>[vector<16xi32>, vector<16xi32>], vector<16xf32>, vector<16xi1>
        }
        %scan3A_761 = arith.constant 64 : i32
        %get3A_762 = arith.constant 0 : i32
        %get3A_763 = tpu.memref_slice %arg5[%add3A_384, %get3A_762] : memref<128x200xi32, #tpu.memory_space<vmem>> -> memref<1x200xi32, #tpu.memory_space<vmem>>
        %get3A_764 = tpu.memref_squeeze %get3A_763 : memref<1x200xi32, #tpu.memory_space<vmem>> -> memref<200xi32, #tpu.memory_space<vmem>>
        %get3A_765 = arith.constant 48 : index
        %get3A_766 = tpu.vector_load %get3A_764[%get3A_765] {strides = array<i32>} : memref<200xi32, #tpu.memory_space<vmem>>, vector<16xi32>,
        %eq3A_767 = arith.constant 0 : i32
        %eq3A_768 = vector.broadcast %eq3A_767 : i32 to vector<16xi32>
        %eq3A_769 = arith.cmpi eq, %get3A_766, %eq3A_768 : vector<16xi32>
        %iota3A_770 = tpu.iota {dimensions = array<i32: 0>} : vector<16xi32>
        %add3A_771 = arith.constant 48 : i32
        %add3A_772 = vector.broadcast %add3A_771 : i32 to vector<16xi32>
        %add3A_773 = arith.addi %add3A_772, %iota3A_770 : vector<16xi32>
        %scan3A_774 = arith.constant 0 : i32
        %scan3A_775 = arith.constant 0 : i32
        %scan3A_776 = arith.constant 64 : i32
        %scan3A_777 = arith.addi %scan3A_775, %scan3A_776 : i32
        %scan3A_778 = arith.constant 1 : i32
        scf.for %scan3A_942 = %scan3A_775 to %scan3A_777 step %scan3A_778  : i32 {
          %broadcast_in_dim3A_943 = arith.constant 0 : i32
          %broadcast_in_dim3A_944 = vector.broadcast %broadcast_in_dim3A_943 : i32 to vector<16xi32>
          %add3A_945 = vector.broadcast %scan3A_942 : i32 to vector<16xi32>
          %add3A_946 = arith.addi %broadcast_in_dim3A_944, %add3A_945 : vector<16xi32>
          %scatter3A_947 = arith.constant 0 : i32
          %scatter3A_948 = arith.constant 0 : i32
          %scatter3A_949 = tpu.memref_slice %arg8[%scatter3A_947, %scatter3A_948] : memref<200x64xf32, #tpu.memory_space<vmem>> -> memref<200x64xf32, #tpu.memory_space<vmem>>
          tpu.vector_store_idx %scatter3A_949[%add3A_773, %add3A_946], %broadcast_in_dim3A_708 masked %eq3A_769 : memref<200x64xf32, #tpu.memory_space<vmem>>[vector<16xi32>, vector<16xi32>], vector<16xf32>, vector<16xi1>
        }
        %scan3A_779 = arith.constant 64 : i32
        %get3A_780 = arith.constant 0 : i32
        %get3A_781 = tpu.memref_slice %arg5[%add3A_384, %get3A_780] : memref<128x200xi32, #tpu.memory_space<vmem>> -> memref<1x200xi32, #tpu.memory_space<vmem>>
        %get3A_782 = tpu.memref_squeeze %get3A_781 : memref<1x200xi32, #tpu.memory_space<vmem>> -> memref<200xi32, #tpu.memory_space<vmem>>
        %get3A_783 = arith.constant 64 : index
        %get3A_784 = tpu.vector_load %get3A_782[%get3A_783] {strides = array<i32>} : memref<200xi32, #tpu.memory_space<vmem>>, vector<16xi32>,
        %eq3A_785 = arith.constant 0 : i32
        %eq3A_786 = vector.broadcast %eq3A_785 : i32 to vector<16xi32>
        %eq3A_787 = arith.cmpi eq, %get3A_784, %eq3A_786 : vector<16xi32>
        %iota3A_788 = tpu.iota {dimensions = array<i32: 0>} : vector<16xi32>
        %add3A_789 = arith.constant 64 : i32
        %add3A_790 = vector.broadcast %add3A_789 : i32 to vector<16xi32>
        %add3A_791 = arith.addi %add3A_790, %iota3A_788 : vector<16xi32>
        %scan3A_792 = arith.constant 0 : i32
        %scan3A_793 = arith.constant 0 : i32
        %scan3A_794 = arith.constant 64 : i32
        %scan3A_795 = arith.addi %scan3A_793, %scan3A_794 : i32
        %scan3A_796 = arith.constant 1 : i32
        scf.for %scan3A_942 = %scan3A_793 to %scan3A_795 step %scan3A_796  : i32 {
          %broadcast_in_dim3A_943 = arith.constant 0 : i32
          %broadcast_in_dim3A_944 = vector.broadcast %broadcast_in_dim3A_943 : i32 to vector<16xi32>
          %add3A_945 = vector.broadcast %scan3A_942 : i32 to vector<16xi32>
          %add3A_946 = arith.addi %broadcast_in_dim3A_944, %add3A_945 : vector<16xi32>
          %scatter3A_947 = arith.constant 0 : i32
          %scatter3A_948 = arith.constant 0 : i32
          %scatter3A_949 = tpu.memref_slice %arg8[%scatter3A_947, %scatter3A_948] : memref<200x64xf32, #tpu.memory_space<vmem>> -> memref<200x64xf32, #tpu.memory_space<vmem>>
          tpu.vector_store_idx %scatter3A_949[%add3A_791, %add3A_946], %broadcast_in_dim3A_708 masked %eq3A_787 : memref<200x64xf32, #tpu.memory_space<vmem>>[vector<16xi32>, vector<16xi32>], vector<16xf32>, vector<16xi1>
        }
        %scan3A_797 = arith.constant 64 : i32
        %get3A_798 = arith.constant 0 : i32
        %get3A_799 = tpu.memref_slice %arg5[%add3A_384, %get3A_798] : memref<128x200xi32, #tpu.memory_space<vmem>> -> memref<1x200xi32, #tpu.memory_space<vmem>>
        %get3A_800 = tpu.memref_squeeze %get3A_799 : memref<1x200xi32, #tpu.memory_space<vmem>> -> memref<200xi32, #tpu.memory_space<vmem>>
        %get3A_801 = arith.constant 80 : index
        %get3A_802 = tpu.vector_load %get3A_800[%get3A_801] {strides = array<i32>} : memref<200xi32, #tpu.memory_space<vmem>>, vector<16xi32>,
        %eq3A_803 = arith.constant 0 : i32
        %eq3A_804 = vector.broadcast %eq3A_803 : i32 to vector<16xi32>
        %eq3A_805 = arith.cmpi eq, %get3A_802, %eq3A_804 : vector<16xi32>
        %iota3A_806 = tpu.iota {dimensions = array<i32: 0>} : vector<16xi32>
        %add3A_807 = arith.constant 80 : i32
        %add3A_808 = vector.broadcast %add3A_807 : i32 to vector<16xi32>
        %add3A_809 = arith.addi %add3A_808, %iota3A_806 : vector<16xi32>
        %scan3A_810 = arith.constant 0 : i32
        %scan3A_811 = arith.constant 0 : i32
        %scan3A_812 = arith.constant 64 : i32
        %scan3A_813 = arith.addi %scan3A_811, %scan3A_812 : i32
        %scan3A_814 = arith.constant 1 : i32
        scf.for %scan3A_942 = %scan3A_811 to %scan3A_813 step %scan3A_814  : i32 {
          %broadcast_in_dim3A_943 = arith.constant 0 : i32
          %broadcast_in_dim3A_944 = vector.broadcast %broadcast_in_dim3A_943 : i32 to vector<16xi32>
          %add3A_945 = vector.broadcast %scan3A_942 : i32 to vector<16xi32>
          %add3A_946 = arith.addi %broadcast_in_dim3A_944, %add3A_945 : vector<16xi32>
          %scatter3A_947 = arith.constant 0 : i32
          %scatter3A_948 = arith.constant 0 : i32
          %scatter3A_949 = tpu.memref_slice %arg8[%scatter3A_947, %scatter3A_948] : memref<200x64xf32, #tpu.memory_space<vmem>> -> memref<200x64xf32, #tpu.memory_space<vmem>>
          tpu.vector_store_idx %scatter3A_949[%add3A_809, %add3A_946], %broadcast_in_dim3A_708 masked %eq3A_805 : memref<200x64xf32, #tpu.memory_space<vmem>>[vector<16xi32>, vector<16xi32>], vector<16xf32>, vector<16xi1>
        }
        %scan3A_815 = arith.constant 64 : i32
        %get3A_816 = arith.constant 0 : i32
        %get3A_817 = tpu.memref_slice %arg5[%add3A_384, %get3A_816] : memref<128x200xi32, #tpu.memory_space<vmem>> -> memref<1x200xi32, #tpu.memory_space<vmem>>
        %get3A_818 = tpu.memref_squeeze %get3A_817 : memref<1x200xi32, #tpu.memory_space<vmem>> -> memref<200xi32, #tpu.memory_space<vmem>>
        %get3A_819 = arith.constant 96 : index
        %get3A_820 = tpu.vector_load %get3A_818[%get3A_819] {strides = array<i32>} : memref<200xi32, #tpu.memory_space<vmem>>, vector<16xi32>,
        %eq3A_821 = arith.constant 0 : i32
        %eq3A_822 = vector.broadcast %eq3A_821 : i32 to vector<16xi32>
        %eq3A_823 = arith.cmpi eq, %get3A_820, %eq3A_822 : vector<16xi32>
        %iota3A_824 = tpu.iota {dimensions = array<i32: 0>} : vector<16xi32>
        %add3A_825 = arith.constant 96 : i32
        %add3A_826 = vector.broadcast %add3A_825 : i32 to vector<16xi32>
        %add3A_827 = arith.addi %add3A_826, %iota3A_824 : vector<16xi32>
        %scan3A_828 = arith.constant 0 : i32
        %scan3A_829 = arith.constant 0 : i32
        %scan3A_830 = arith.constant 64 : i32
        %scan3A_831 = arith.addi %scan3A_829, %scan3A_830 : i32
        %scan3A_832 = arith.constant 1 : i32
        scf.for %scan3A_942 = %scan3A_829 to %scan3A_831 step %scan3A_832  : i32 {
          %broadcast_in_dim3A_943 = arith.constant 0 : i32
          %broadcast_in_dim3A_944 = vector.broadcast %broadcast_in_dim3A_943 : i32 to vector<16xi32>
          %add3A_945 = vector.broadcast %scan3A_942 : i32 to vector<16xi32>
          %add3A_946 = arith.addi %broadcast_in_dim3A_944, %add3A_945 : vector<16xi32>
          %scatter3A_947 = arith.constant 0 : i32
          %scatter3A_948 = arith.constant 0 : i32
          %scatter3A_949 = tpu.memref_slice %arg8[%scatter3A_947, %scatter3A_948] : memref<200x64xf32, #tpu.memory_space<vmem>> -> memref<200x64xf32, #tpu.memory_space<vmem>>
          tpu.vector_store_idx %scatter3A_949[%add3A_827, %add3A_946], %broadcast_in_dim3A_708 masked %eq3A_823 : memref<200x64xf32, #tpu.memory_space<vmem>>[vector<16xi32>, vector<16xi32>], vector<16xf32>, vector<16xi1>
        }
        %scan3A_833 = arith.constant 64 : i32
        %get3A_834 = arith.constant 0 : i32
        %get3A_835 = tpu.memref_slice %arg5[%add3A_384, %get3A_834] : memref<128x200xi32, #tpu.memory_space<vmem>> -> memref<1x200xi32, #tpu.memory_space<vmem>>
        %get3A_836 = tpu.memref_squeeze %get3A_835 : memref<1x200xi32, #tpu.memory_space<vmem>> -> memref<200xi32, #tpu.memory_space<vmem>>
        %get3A_837 = arith.constant 112 : index
        %get3A_838 = tpu.vector_load %get3A_836[%get3A_837] {strides = array<i32>} : memref<200xi32, #tpu.memory_space<vmem>>, vector<16xi32>,
        %eq3A_839 = arith.constant 0 : i32
        %eq3A_840 = vector.broadcast %eq3A_839 : i32 to vector<16xi32>
        %eq3A_841 = arith.cmpi eq, %get3A_838, %eq3A_840 : vector<16xi32>
        %iota3A_842 = tpu.iota {dimensions = array<i32: 0>} : vector<16xi32>
        %add3A_843 = arith.constant 112 : i32
        %add3A_844 = vector.broadcast %add3A_843 : i32 to vector<16xi32>
        %add3A_845 = arith.addi %add3A_844, %iota3A_842 : vector<16xi32>
        %scan3A_846 = arith.constant 0 : i32
        %scan3A_847 = arith.constant 0 : i32
        %scan3A_848 = arith.constant 64 : i32
        %scan3A_849 = arith.addi %scan3A_847, %scan3A_848 : i32
        %scan3A_850 = arith.constant 1 : i32
        scf.for %scan3A_942 = %scan3A_847 to %scan3A_849 step %scan3A_850  : i32 {
          %broadcast_in_dim3A_943 = arith.constant 0 : i32
          %broadcast_in_dim3A_944 = vector.broadcast %broadcast_in_dim3A_943 : i32 to vector<16xi32>
          %add3A_945 = vector.broadcast %scan3A_942 : i32 to vector<16xi32>
          %add3A_946 = arith.addi %broadcast_in_dim3A_944, %add3A_945 : vector<16xi32>
          %scatter3A_947 = arith.constant 0 : i32
          %scatter3A_948 = arith.constant 0 : i32
          %scatter3A_949 = tpu.memref_slice %arg8[%scatter3A_947, %scatter3A_948] : memref<200x64xf32, #tpu.memory_space<vmem>> -> memref<200x64xf32, #tpu.memory_space<vmem>>
          tpu.vector_store_idx %scatter3A_949[%add3A_845, %add3A_946], %broadcast_in_dim3A_708 masked %eq3A_841 : memref<200x64xf32, #tpu.memory_space<vmem>>[vector<16xi32>, vector<16xi32>], vector<16xf32>, vector<16xi1>
        }
        %scan3A_851 = arith.constant 64 : i32
        %get3A_852 = arith.constant 0 : i32
        %get3A_853 = tpu.memref_slice %arg5[%add3A_384, %get3A_852] : memref<128x200xi32, #tpu.memory_space<vmem>> -> memref<1x200xi32, #tpu.memory_space<vmem>>
        %get3A_854 = tpu.memref_squeeze %get3A_853 : memref<1x200xi32, #tpu.memory_space<vmem>> -> memref<200xi32, #tpu.memory_space<vmem>>
        %get3A_855 = arith.constant 128 : index
        %get3A_856 = tpu.vector_load %get3A_854[%get3A_855] {strides = array<i32>} : memref<200xi32, #tpu.memory_space<vmem>>, vector<16xi32>,
        %eq3A_857 = arith.constant 0 : i32
        %eq3A_858 = vector.broadcast %eq3A_857 : i32 to vector<16xi32>
        %eq3A_859 = arith.cmpi eq, %get3A_856, %eq3A_858 : vector<16xi32>
        %iota3A_860 = tpu.iota {dimensions = array<i32: 0>} : vector<16xi32>
        %add3A_861 = arith.constant 128 : i32
        %add3A_862 = vector.broadcast %add3A_861 : i32 to vector<16xi32>
        %add3A_863 = arith.addi %add3A_862, %iota3A_860 : vector<16xi32>
        %scan3A_864 = arith.constant 0 : i32
        %scan3A_865 = arith.constant 0 : i32
        %scan3A_866 = arith.constant 64 : i32
        %scan3A_867 = arith.addi %scan3A_865, %scan3A_866 : i32
        %scan3A_868 = arith.constant 1 : i32
        scf.for %scan3A_942 = %scan3A_865 to %scan3A_867 step %scan3A_868  : i32 {
          %broadcast_in_dim3A_943 = arith.constant 0 : i32
          %broadcast_in_dim3A_944 = vector.broadcast %broadcast_in_dim3A_943 : i32 to vector<16xi32>
          %add3A_945 = vector.broadcast %scan3A_942 : i32 to vector<16xi32>
          %add3A_946 = arith.addi %broadcast_in_dim3A_944, %add3A_945 : vector<16xi32>
          %scatter3A_947 = arith.constant 0 : i32
          %scatter3A_948 = arith.constant 0 : i32
          %scatter3A_949 = tpu.memref_slice %arg8[%scatter3A_947, %scatter3A_948] : memref<200x64xf32, #tpu.memory_space<vmem>> -> memref<200x64xf32, #tpu.memory_space<vmem>>
          tpu.vector_store_idx %scatter3A_949[%add3A_863, %add3A_946], %broadcast_in_dim3A_708 masked %eq3A_859 : memref<200x64xf32, #tpu.memory_space<vmem>>[vector<16xi32>, vector<16xi32>], vector<16xf32>, vector<16xi1>
        }
        %scan3A_869 = arith.constant 64 : i32
        %get3A_870 = arith.constant 0 : i32
        %get3A_871 = tpu.memref_slice %arg5[%add3A_384, %get3A_870] : memref<128x200xi32, #tpu.memory_space<vmem>> -> memref<1x200xi32, #tpu.memory_space<vmem>>
        %get3A_872 = tpu.memref_squeeze %get3A_871 : memref<1x200xi32, #tpu.memory_space<vmem>> -> memref<200xi32, #tpu.memory_space<vmem>>
        %get3A_873 = arith.constant 144 : index
        %get3A_874 = tpu.vector_load %get3A_872[%get3A_873] {strides = array<i32>} : memref<200xi32, #tpu.memory_space<vmem>>, vector<16xi32>,
        %eq3A_875 = arith.constant 0 : i32
        %eq3A_876 = vector.broadcast %eq3A_875 : i32 to vector<16xi32>
        %eq3A_877 = arith.cmpi eq, %get3A_874, %eq3A_876 : vector<16xi32>
        %iota3A_878 = tpu.iota {dimensions = array<i32: 0>} : vector<16xi32>
        %add3A_879 = arith.constant 144 : i32
        %add3A_880 = vector.broadcast %add3A_879 : i32 to vector<16xi32>
        %add3A_881 = arith.addi %add3A_880, %iota3A_878 : vector<16xi32>
        %scan3A_882 = arith.constant 0 : i32
        %scan3A_883 = arith.constant 0 : i32
        %scan3A_884 = arith.constant 64 : i32
        %scan3A_885 = arith.addi %scan3A_883, %scan3A_884 : i32
        %scan3A_886 = arith.constant 1 : i32
        scf.for %scan3A_942 = %scan3A_883 to %scan3A_885 step %scan3A_886  : i32 {
          %broadcast_in_dim3A_943 = arith.constant 0 : i32
          %broadcast_in_dim3A_944 = vector.broadcast %broadcast_in_dim3A_943 : i32 to vector<16xi32>
          %add3A_945 = vector.broadcast %scan3A_942 : i32 to vector<16xi32>
          %add3A_946 = arith.addi %broadcast_in_dim3A_944, %add3A_945 : vector<16xi32>
          %scatter3A_947 = arith.constant 0 : i32
          %scatter3A_948 = arith.constant 0 : i32
          %scatter3A_949 = tpu.memref_slice %arg8[%scatter3A_947, %scatter3A_948] : memref<200x64xf32, #tpu.memory_space<vmem>> -> memref<200x64xf32, #tpu.memory_space<vmem>>
          tpu.vector_store_idx %scatter3A_949[%add3A_881, %add3A_946], %broadcast_in_dim3A_708 masked %eq3A_877 : memref<200x64xf32, #tpu.memory_space<vmem>>[vector<16xi32>, vector<16xi32>], vector<16xf32>, vector<16xi1>
        }
        %scan3A_887 = arith.constant 64 : i32
        %get3A_888 = arith.constant 0 : i32
        %get3A_889 = tpu.memref_slice %arg5[%add3A_384, %get3A_888] : memref<128x200xi32, #tpu.memory_space<vmem>> -> memref<1x200xi32, #tpu.memory_space<vmem>>
        %get3A_890 = tpu.memref_squeeze %get3A_889 : memref<1x200xi32, #tpu.memory_space<vmem>> -> memref<200xi32, #tpu.memory_space<vmem>>
        %get3A_891 = arith.constant 160 : index
        %get3A_892 = tpu.vector_load %get3A_890[%get3A_891] {strides = array<i32>} : memref<200xi32, #tpu.memory_space<vmem>>, vector<16xi32>,
        %eq3A_893 = arith.constant 0 : i32
        %eq3A_894 = vector.broadcast %eq3A_893 : i32 to vector<16xi32>
        %eq3A_895 = arith.cmpi eq, %get3A_892, %eq3A_894 : vector<16xi32>
        %iota3A_896 = tpu.iota {dimensions = array<i32: 0>} : vector<16xi32>
        %add3A_897 = arith.constant 160 : i32
        %add3A_898 = vector.broadcast %add3A_897 : i32 to vector<16xi32>
        %add3A_899 = arith.addi %add3A_898, %iota3A_896 : vector<16xi32>
        %scan3A_900 = arith.constant 0 : i32
        %scan3A_901 = arith.constant 0 : i32
        %scan3A_902 = arith.constant 64 : i32
        %scan3A_903 = arith.addi %scan3A_901, %scan3A_902 : i32
        %scan3A_904 = arith.constant 1 : i32
        scf.for %scan3A_942 = %scan3A_901 to %scan3A_903 step %scan3A_904  : i32 {
          %broadcast_in_dim3A_943 = arith.constant 0 : i32
          %broadcast_in_dim3A_944 = vector.broadcast %broadcast_in_dim3A_943 : i32 to vector<16xi32>
          %add3A_945 = vector.broadcast %scan3A_942 : i32 to vector<16xi32>
          %add3A_946 = arith.addi %broadcast_in_dim3A_944, %add3A_945 : vector<16xi32>
          %scatter3A_947 = arith.constant 0 : i32
          %scatter3A_948 = arith.constant 0 : i32
          %scatter3A_949 = tpu.memref_slice %arg8[%scatter3A_947, %scatter3A_948] : memref<200x64xf32, #tpu.memory_space<vmem>> -> memref<200x64xf32, #tpu.memory_space<vmem>>
          tpu.vector_store_idx %scatter3A_949[%add3A_899, %add3A_946], %broadcast_in_dim3A_708 masked %eq3A_895 : memref<200x64xf32, #tpu.memory_space<vmem>>[vector<16xi32>, vector<16xi32>], vector<16xf32>, vector<16xi1>
        }
        %scan3A_905 = arith.constant 64 : i32
        %get3A_906 = arith.constant 0 : i32
        %get3A_907 = tpu.memref_slice %arg5[%add3A_384, %get3A_906] : memref<128x200xi32, #tpu.memory_space<vmem>> -> memref<1x200xi32, #tpu.memory_space<vmem>>
        %get3A_908 = tpu.memref_squeeze %get3A_907 : memref<1x200xi32, #tpu.memory_space<vmem>> -> memref<200xi32, #tpu.memory_space<vmem>>
        %get3A_909 = arith.constant 176 : index
        %get3A_910 = tpu.vector_load %get3A_908[%get3A_909] {strides = array<i32>} : memref<200xi32, #tpu.memory_space<vmem>>, vector<16xi32>,
        %eq3A_911 = arith.constant 0 : i32
        %eq3A_912 = vector.broadcast %eq3A_911 : i32 to vector<16xi32>
        %eq3A_913 = arith.cmpi eq, %get3A_910, %eq3A_912 : vector<16xi32>
        %iota3A_914 = tpu.iota {dimensions = array<i32: 0>} : vector<16xi32>
        %add3A_915 = arith.constant 176 : i32
        %add3A_916 = vector.broadcast %add3A_915 : i32 to vector<16xi32>
        %add3A_917 = arith.addi %add3A_916, %iota3A_914 : vector<16xi32>
        %scan3A_918 = arith.constant 0 : i32
        %scan3A_919 = arith.constant 0 : i32
        %scan3A_920 = arith.constant 64 : i32
        %scan3A_921 = arith.addi %scan3A_919, %scan3A_920 : i32
        %scan3A_922 = arith.constant 1 : i32
        scf.for %scan3A_942 = %scan3A_919 to %scan3A_921 step %scan3A_922  : i32 {
          %broadcast_in_dim3A_943 = arith.constant 0 : i32
          %broadcast_in_dim3A_944 = vector.broadcast %broadcast_in_dim3A_943 : i32 to vector<16xi32>
          %add3A_945 = vector.broadcast %scan3A_942 : i32 to vector<16xi32>
          %add3A_946 = arith.addi %broadcast_in_dim3A_944, %add3A_945 : vector<16xi32>
          %scatter3A_947 = arith.constant 0 : i32
          %scatter3A_948 = arith.constant 0 : i32
          %scatter3A_949 = tpu.memref_slice %arg8[%scatter3A_947, %scatter3A_948] : memref<200x64xf32, #tpu.memory_space<vmem>> -> memref<200x64xf32, #tpu.memory_space<vmem>>
          tpu.vector_store_idx %scatter3A_949[%add3A_917, %add3A_946], %broadcast_in_dim3A_708 masked %eq3A_913 : memref<200x64xf32, #tpu.memory_space<vmem>>[vector<16xi32>, vector<16xi32>], vector<16xf32>, vector<16xi1>
        }
        %scan3A_923 = arith.constant 64 : i32
        %get3A_924 = arith.constant 0 : i32
        %get3A_925 = tpu.memref_slice %arg5[%add3A_384, %get3A_924] : memref<128x200xi32, #tpu.memory_space<vmem>> -> memref<1x200xi32, #tpu.memory_space<vmem>>
        %get3A_926 = tpu.memref_squeeze %get3A_925 : memref<1x200xi32, #tpu.memory_space<vmem>> -> memref<200xi32, #tpu.memory_space<vmem>>
        %get3A_927 = arith.constant 184 : index
        %get3A_928 = tpu.vector_load %get3A_926[%get3A_927] {strides = array<i32>} : memref<200xi32, #tpu.memory_space<vmem>>, vector<16xi32>,
        %eq3A_929 = arith.constant 0 : i32
        %eq3A_930 = vector.broadcast %eq3A_929 : i32 to vector<16xi32>
        %eq3A_931 = arith.cmpi eq, %get3A_928, %eq3A_930 : vector<16xi32>
        %iota3A_932 = tpu.iota {dimensions = array<i32: 0>} : vector<16xi32>
        %add3A_933 = arith.constant 184 : i32
        %add3A_934 = vector.broadcast %add3A_933 : i32 to vector<16xi32>
        %add3A_935 = arith.addi %add3A_934, %iota3A_932 : vector<16xi32>
        %scan3A_936 = arith.constant 0 : i32
        %scan3A_937 = arith.constant 0 : i32
        %scan3A_938 = arith.constant 64 : i32
        %scan3A_939 = arith.addi %scan3A_937, %scan3A_938 : i32
        %scan3A_940 = arith.constant 1 : i32
        scf.for %scan3A_942 = %scan3A_937 to %scan3A_939 step %scan3A_940  : i32 {
          %broadcast_in_dim3A_943 = arith.constant 0 : i32
          %broadcast_in_dim3A_944 = vector.broadcast %broadcast_in_dim3A_943 : i32 to vector<16xi32>
          %add3A_945 = vector.broadcast %scan3A_942 : i32 to vector<16xi32>
          %add3A_946 = arith.addi %broadcast_in_dim3A_944, %add3A_945 : vector<16xi32>
          %scatter3A_947 = arith.constant 0 : i32
          %scatter3A_948 = arith.constant 0 : i32
          %scatter3A_949 = tpu.memref_slice %arg8[%scatter3A_947, %scatter3A_948] : memref<200x64xf32, #tpu.memory_space<vmem>> -> memref<200x64xf32, #tpu.memory_space<vmem>>
          tpu.vector_store_idx %scatter3A_949[%add3A_935, %add3A_946], %broadcast_in_dim3A_708 masked %eq3A_931 : memref<200x64xf32, #tpu.memory_space<vmem>>[vector<16xi32>, vector<16xi32>], vector<16xf32>, vector<16xi1>
        }
        %scan3A_941 = arith.constant 64 : i32
      } else {
      }
      %mul3A_526 = arith.constant 128 : i32
      %mul3A_527 = arith.muli %add3A, %mul3A_526 : i32
      %add3A_528 = arith.addi %mul3A_527, %add3A_384 : i32
      %dma_start3A_529 = arith.constant 0 : i32
      %dma_start3A_530 = arith.constant 0 : i32
      %dma_start3A_531 = tpu.memref_slice %arg4[%add3A_528, %dma_start3A_529, %dma_start3A_530] : memref<4096x200x64xf32, #tpu.memory_space<hbm>> -> memref<1x200x64xf32, #tpu.memory_space<hbm>>
      %dma_start3A_532 = tpu.memref_squeeze %dma_start3A_531 : memref<1x200x64xf32, #tpu.memory_space<hbm>> -> memref<200x64xf32, #tpu.memory_space<hbm>>
      %dma_start3A_533 = arith.constant 0 : i32
      %dma_start3A_534 = arith.constant 0 : i32
      %dma_start3A_535 = tpu.memref_slice %arg4[%add3A_528, %dma_start3A_533, %dma_start3A_534] : memref<4096x200x64xf32, #tpu.memory_space<hbm>> -> memref<1x200x64xf32, #tpu.memory_space<hbm>>
      %dma_start3A_536 = tpu.memref_squeeze %dma_start3A_535 : memref<1x200x64xf32, #tpu.memory_space<hbm>> -> memref<200x64xf32, #tpu.memory_space<hbm>>
      tpu.enqueue_dma source(%arg8 : memref<200x64xf32, #tpu.memory_space<vmem>>) target(%dma_start3A_536 : memref<200x64xf32, #tpu.memory_space<hbm>>) target_semaphore(%arg17 : memref<!tpu.dma_semaphore, #tpu.memory_space<semaphore_mem>>)
      %add3A_537 = arith.constant 2 : i32
      %add3A_538 = arith.addi %add3A_384, %add3A_537 : i32
      %lt3A_539 = arith.constant 128 : i32
      %lt3A_540 = arith.cmpi slt, %add3A_538, %lt3A_539 : i32
      %convert_element_type3A_541 = arith.extui %lt3A_540 : i1 to i32
      %cond3A_542 = arith.constant 0 : i32
      %cond3A_543 = arith.cmpi ne, %convert_element_type3A_541, %cond3A_542 : i32
      scf.if %cond3A_543 {
        %ge3A = arith.constant 4 : i32
        %ge3A_707 = arith.cmpi sge, %add3A_538, %ge3A : i32
        %convert_element_type3A_708 = arith.extui %ge3A_707 : i1 to i32
        %cond3A_709 = arith.constant 0 : i32
        %cond3A_710 = arith.cmpi ne, %convert_element_type3A_708, %cond3A_709 : i32
        scf.if %cond3A_710 {
          %sub3A = arith.constant 4 : i32
          %sub3A_717 = arith.subi %add3A_538, %sub3A : i32
          %mul3A_718 = arith.constant 128 : i32
          %mul3A_719 = arith.muli %add3A, %mul3A_718 : i32
          %add3A_720 = arith.addi %mul3A_719, %sub3A_717 : i32
          %dma_wait3A_721 = arith.constant 0 : i32
          %dma_wait3A_722 = arith.constant 0 : i32
          %dma_wait3A_723 = tpu.memref_slice %arg4[%add3A_720, %dma_wait3A_721, %dma_wait3A_722] : memref<4096x200x64xf32, #tpu.memory_space<hbm>> -> memref<1x200x64xf32, #tpu.memory_space<hbm>>
          %dma_wait3A_724 = tpu.memref_squeeze %dma_wait3A_723 : memref<1x200x64xf32, #tpu.memory_space<hbm>> -> memref<200x64xf32, #tpu.memory_space<hbm>>
          %dma_wait3A_725 = arith.constant 0 : i32
          %dma_wait3A_726 = arith.constant 0 : i32
          %dma_wait3A_727 = tpu.memref_slice %arg4[%add3A_720, %dma_wait3A_725, %dma_wait3A_726] : memref<4096x200x64xf32, #tpu.memory_space<hbm>> -> memref<1x200x64xf32, #tpu.memory_space<hbm>>
          %dma_wait3A_728 = tpu.memref_squeeze %dma_wait3A_727 : memref<1x200x64xf32, #tpu.memory_space<hbm>> -> memref<200x64xf32, #tpu.memory_space<hbm>>
          tpu.wait_dma2 semaphore(%arg15 : memref<!tpu.dma_semaphore, #tpu.memory_space<semaphore_mem>>) src(%arg6 : memref<200x64xf32, #tpu.memory_space<vmem>>) dst(%dma_wait3A_728 : memref<200x64xf32, #tpu.memory_space<hbm>>)
        } else {
        }
        %dma_start3A_711 = arith.constant 0 : i32
        %dma_start3A_712 = tpu.memref_slice %arg5[%add3A_538, %dma_start3A_711] : memref<128x200xi32, #tpu.memory_space<vmem>> -> memref<1x200xi32, #tpu.memory_space<vmem>>
        %dma_start3A_713 = tpu.memref_squeeze %dma_start3A_712 : memref<1x200xi32, #tpu.memory_space<vmem>> -> memref<200xi32, #tpu.memory_space<vmem>>
        %dma_start3A_714 = arith.constant 0 : i32
        %dma_start3A_715 = arith.constant 0 : i32
        %dma_start3A_716 = tpu.memref_slice %arg3[%dma_start3A_714, %dma_start3A_715] : memref<1000000x64xf32, #tpu.memory_space<hbm>> -> memref<1000000x64xf32, #tpu.memory_space<hbm>>
        tpu.enqueue_indirect_dma source(%dma_start3A_716 : memref<1000000x64xf32, #tpu.memory_space<hbm>>) target(%arg6 : memref<200x64xf32, #tpu.memory_space<vmem>>) offsets(%dma_start3A_713 : memref<200xi32, #tpu.memory_space<vmem>>) semaphore(%arg11 : memref<!tpu.dma_semaphore, #tpu.memory_space<semaphore_mem>>)
      } else {
      }
      %mul3A_544 = arith.constant 4 : i32
      %mul3A_545 = arith.muli %mul3A_544, %scan3A_66 : i32
      %add3A_546 = arith.constant 3 : i32
      %add3A_547 = arith.addi %mul3A_545, %add3A_546 : i32
      %dma_wait3A_548 = arith.constant 0 : i32
      %dma_wait3A_549 = tpu.memref_slice %arg5[%add3A_547, %dma_wait3A_548] : memref<128x200xi32, #tpu.memory_space<vmem>> -> memref<1x200xi32, #tpu.memory_space<vmem>>
      %dma_wait3A_550 = tpu.memref_squeeze %dma_wait3A_549 : memref<1x200xi32, #tpu.memory_space<vmem>> -> memref<200xi32, #tpu.memory_space<vmem>>
      %dma_wait3A_551 = arith.constant 0 : i32
      %dma_wait3A_552 = arith.constant 0 : i32
      %dma_wait3A_553 = tpu.memref_slice %arg3[%dma_wait3A_551, %dma_wait3A_552] : memref<1000000x64xf32, #tpu.memory_space<hbm>> -> memref<1000000x64xf32, #tpu.memory_space<hbm>>
      tpu.wait_indirect_dma semaphore(%arg14 : memref<!tpu.dma_semaphore, #tpu.memory_space<semaphore_mem>>) src(%dma_wait3A_553 : memref<1000000x64xf32, #tpu.memory_space<hbm>>) dst(%arg9 : memref<200x64xf32, #tpu.memory_space<vmem>>)
      %get3A_554 = arith.constant 0 : i32
      %get3A_555 = tpu.memref_slice %arg5[%add3A_547, %get3A_554] : memref<128x200xi32, #tpu.memory_space<vmem>> -> memref<1x200xi32, #tpu.memory_space<vmem>>
      %get3A_556 = tpu.memref_squeeze %get3A_555 : memref<1x200xi32, #tpu.memory_space<vmem>> -> memref<200xi32, #tpu.memory_space<vmem>>
      %get3A_557 = arith.constant 0 : index
      %get3A_558 = tpu.vector_load %get3A_556[%get3A_557] {strides = array<i32>} : memref<200xi32, #tpu.memory_space<vmem>>, vector<16xi32>,
      %eq3A_559 = arith.constant 0 : i32
      %eq3A_560 = vector.broadcast %eq3A_559 : i32 to vector<16xi32>
      %eq3A_561 = arith.cmpi eq, %get3A_558, %eq3A_560 : vector<16xi32>
      %get3A_562 = arith.constant 0 : i32
      %get3A_563 = tpu.memref_slice %arg5[%add3A_547, %get3A_562] : memref<128x200xi32, #tpu.memory_space<vmem>> -> memref<1x200xi32, #tpu.memory_space<vmem>>
      %get3A_564 = tpu.memref_squeeze %get3A_563 : memref<1x200xi32, #tpu.memory_space<vmem>> -> memref<200xi32, #tpu.memory_space<vmem>>
      %get3A_565 = arith.constant 16 : index
      %get3A_566 = tpu.vector_load %get3A_564[%get3A_565] {strides = array<i32>} : memref<200xi32, #tpu.memory_space<vmem>>, vector<16xi32>,
      %eq3A_567 = arith.constant 0 : i32
      %eq3A_568 = vector.broadcast %eq3A_567 : i32 to vector<16xi32>
      %eq3A_569 = arith.cmpi eq, %get3A_566, %eq3A_568 : vector<16xi32>
      %or3A_570 = arith.ori %eq3A_561, %eq3A_569 : vector<16xi1>
      %get3A_571 = arith.constant 0 : i32
      %get3A_572 = tpu.memref_slice %arg5[%add3A_547, %get3A_571] : memref<128x200xi32, #tpu.memory_space<vmem>> -> memref<1x200xi32, #tpu.memory_space<vmem>>
      %get3A_573 = tpu.memref_squeeze %get3A_572 : memref<1x200xi32, #tpu.memory_space<vmem>> -> memref<200xi32, #tpu.memory_space<vmem>>
      %get3A_574 = arith.constant 32 : index
      %get3A_575 = tpu.vector_load %get3A_573[%get3A_574] {strides = array<i32>} : memref<200xi32, #tpu.memory_space<vmem>>, vector<16xi32>,
      %eq3A_576 = arith.constant 0 : i32
      %eq3A_577 = vector.broadcast %eq3A_576 : i32 to vector<16xi32>
      %eq3A_578 = arith.cmpi eq, %get3A_575, %eq3A_577 : vector<16xi32>
      %or3A_579 = arith.ori %or3A_570, %eq3A_578 : vector<16xi1>
      %get3A_580 = arith.constant 0 : i32
      %get3A_581 = tpu.memref_slice %arg5[%add3A_547, %get3A_580] : memref<128x200xi32, #tpu.memory_space<vmem>> -> memref<1x200xi32, #tpu.memory_space<vmem>>
      %get3A_582 = tpu.memref_squeeze %get3A_581 : memref<1x200xi32, #tpu.memory_space<vmem>> -> memref<200xi32, #tpu.memory_space<vmem>>
      %get3A_583 = arith.constant 48 : index
      %get3A_584 = tpu.vector_load %get3A_582[%get3A_583] {strides = array<i32>} : memref<200xi32, #tpu.memory_space<vmem>>, vector<16xi32>,
      %eq3A_585 = arith.constant 0 : i32
      %eq3A_586 = vector.broadcast %eq3A_585 : i32 to vector<16xi32>
      %eq3A_587 = arith.cmpi eq, %get3A_584, %eq3A_586 : vector<16xi32>
      %or3A_588 = arith.ori %or3A_579, %eq3A_587 : vector<16xi1>
      %get3A_589 = arith.constant 0 : i32
      %get3A_590 = tpu.memref_slice %arg5[%add3A_547, %get3A_589] : memref<128x200xi32, #tpu.memory_space<vmem>> -> memref<1x200xi32, #tpu.memory_space<vmem>>
      %get3A_591 = tpu.memref_squeeze %get3A_590 : memref<1x200xi32, #tpu.memory_space<vmem>> -> memref<200xi32, #tpu.memory_space<vmem>>
      %get3A_592 = arith.constant 64 : index
      %get3A_593 = tpu.vector_load %get3A_591[%get3A_592] {strides = array<i32>} : memref<200xi32, #tpu.memory_space<vmem>>, vector<16xi32>,
      %eq3A_594 = arith.constant 0 : i32
      %eq3A_595 = vector.broadcast %eq3A_594 : i32 to vector<16xi32>
      %eq3A_596 = arith.cmpi eq, %get3A_593, %eq3A_595 : vector<16xi32>
      %or3A_597 = arith.ori %or3A_588, %eq3A_596 : vector<16xi1>
      %get3A_598 = arith.constant 0 : i32
      %get3A_599 = tpu.memref_slice %arg5[%add3A_547, %get3A_598] : memref<128x200xi32, #tpu.memory_space<vmem>> -> memref<1x200xi32, #tpu.memory_space<vmem>>
      %get3A_600 = tpu.memref_squeeze %get3A_599 : memref<1x200xi32, #tpu.memory_space<vmem>> -> memref<200xi32, #tpu.memory_space<vmem>>
      %get3A_601 = arith.constant 80 : index
      %get3A_602 = tpu.vector_load %get3A_600[%get3A_601] {strides = array<i32>} : memref<200xi32, #tpu.memory_space<vmem>>, vector<16xi32>,
      %eq3A_603 = arith.constant 0 : i32
      %eq3A_604 = vector.broadcast %eq3A_603 : i32 to vector<16xi32>
      %eq3A_605 = arith.cmpi eq, %get3A_602, %eq3A_604 : vector<16xi32>
      %or3A_606 = arith.ori %or3A_597, %eq3A_605 : vector<16xi1>
      %get3A_607 = arith.constant 0 : i32
      %get3A_608 = tpu.memref_slice %arg5[%add3A_547, %get3A_607] : memref<128x200xi32, #tpu.memory_space<vmem>> -> memref<1x200xi32, #tpu.memory_space<vmem>>
      %get3A_609 = tpu.memref_squeeze %get3A_608 : memref<1x200xi32, #tpu.memory_space<vmem>> -> memref<200xi32, #tpu.memory_space<vmem>>
      %get3A_610 = arith.constant 96 : index
      %get3A_611 = tpu.vector_load %get3A_609[%get3A_610] {strides = array<i32>} : memref<200xi32, #tpu.memory_space<vmem>>, vector<16xi32>,
      %eq3A_612 = arith.constant 0 : i32
      %eq3A_613 = vector.broadcast %eq3A_612 : i32 to vector<16xi32>
      %eq3A_614 = arith.cmpi eq, %get3A_611, %eq3A_613 : vector<16xi32>
      %or3A_615 = arith.ori %or3A_606, %eq3A_614 : vector<16xi1>
      %get3A_616 = arith.constant 0 : i32
      %get3A_617 = tpu.memref_slice %arg5[%add3A_547, %get3A_616] : memref<128x200xi32, #tpu.memory_space<vmem>> -> memref<1x200xi32, #tpu.memory_space<vmem>>
      %get3A_618 = tpu.memref_squeeze %get3A_617 : memref<1x200xi32, #tpu.memory_space<vmem>> -> memref<200xi32, #tpu.memory_space<vmem>>
      %get3A_619 = arith.constant 112 : index
      %get3A_620 = tpu.vector_load %get3A_618[%get3A_619] {strides = array<i32>} : memref<200xi32, #tpu.memory_space<vmem>>, vector<16xi32>,
      %eq3A_621 = arith.constant 0 : i32
      %eq3A_622 = vector.broadcast %eq3A_621 : i32 to vector<16xi32>
      %eq3A_623 = arith.cmpi eq, %get3A_620, %eq3A_622 : vector<16xi32>
      %or3A_624 = arith.ori %or3A_615, %eq3A_623 : vector<16xi1>
      %get3A_625 = arith.constant 0 : i32
      %get3A_626 = tpu.memref_slice %arg5[%add3A_547, %get3A_625] : memref<128x200xi32, #tpu.memory_space<vmem>> -> memref<1x200xi32, #tpu.memory_space<vmem>>
      %get3A_627 = tpu.memref_squeeze %get3A_626 : memref<1x200xi32, #tpu.memory_space<vmem>> -> memref<200xi32, #tpu.memory_space<vmem>>
      %get3A_628 = arith.constant 128 : index
      %get3A_629 = tpu.vector_load %get3A_627[%get3A_628] {strides = array<i32>} : memref<200xi32, #tpu.memory_space<vmem>>, vector<16xi32>,
      %eq3A_630 = arith.constant 0 : i32
      %eq3A_631 = vector.broadcast %eq3A_630 : i32 to vector<16xi32>
      %eq3A_632 = arith.cmpi eq, %get3A_629, %eq3A_631 : vector<16xi32>
      %or3A_633 = arith.ori %or3A_624, %eq3A_632 : vector<16xi1>
      %get3A_634 = arith.constant 0 : i32
      %get3A_635 = tpu.memref_slice %arg5[%add3A_547, %get3A_634] : memref<128x200xi32, #tpu.memory_space<vmem>> -> memref<1x200xi32, #tpu.memory_space<vmem>>
      %get3A_636 = tpu.memref_squeeze %get3A_635 : memref<1x200xi32, #tpu.memory_space<vmem>> -> memref<200xi32, #tpu.memory_space<vmem>>
      %get3A_637 = arith.constant 144 : index
      %get3A_638 = tpu.vector_load %get3A_636[%get3A_637] {strides = array<i32>} : memref<200xi32, #tpu.memory_space<vmem>>, vector<16xi32>,
      %eq3A_639 = arith.constant 0 : i32
      %eq3A_640 = vector.broadcast %eq3A_639 : i32 to vector<16xi32>
      %eq3A_641 = arith.cmpi eq, %get3A_638, %eq3A_640 : vector<16xi32>
      %or3A_642 = arith.ori %or3A_633, %eq3A_641 : vector<16xi1>
      %get3A_643 = arith.constant 0 : i32
      %get3A_644 = tpu.memref_slice %arg5[%add3A_547, %get3A_643] : memref<128x200xi32, #tpu.memory_space<vmem>> -> memref<1x200xi32, #tpu.memory_space<vmem>>
      %get3A_645 = tpu.memref_squeeze %get3A_644 : memref<1x200xi32, #tpu.memory_space<vmem>> -> memref<200xi32, #tpu.memory_space<vmem>>
      %get3A_646 = arith.constant 160 : index
      %get3A_647 = tpu.vector_load %get3A_645[%get3A_646] {strides = array<i32>} : memref<200xi32, #tpu.memory_space<vmem>>, vector<16xi32>,
      %eq3A_648 = arith.constant 0 : i32
      %eq3A_649 = vector.broadcast %eq3A_648 : i32 to vector<16xi32>
      %eq3A_650 = arith.cmpi eq, %get3A_647, %eq3A_649 : vector<16xi32>
      %or3A_651 = arith.ori %or3A_642, %eq3A_650 : vector<16xi1>
      %get3A_652 = arith.constant 0 : i32
      %get3A_653 = tpu.memref_slice %arg5[%add3A_547, %get3A_652] : memref<128x200xi32, #tpu.memory_space<vmem>> -> memref<1x200xi32, #tpu.memory_space<vmem>>
      %get3A_654 = tpu.memref_squeeze %get3A_653 : memref<1x200xi32, #tpu.memory_space<vmem>> -> memref<200xi32, #tpu.memory_space<vmem>>
      %get3A_655 = arith.constant 176 : index
      %get3A_656 = tpu.vector_load %get3A_654[%get3A_655] {strides = array<i32>} : memref<200xi32, #tpu.memory_space<vmem>>, vector<16xi32>,
      %eq3A_657 = arith.constant 0 : i32
      %eq3A_658 = vector.broadcast %eq3A_657 : i32 to vector<16xi32>
      %eq3A_659 = arith.cmpi eq, %get3A_656, %eq3A_658 : vector<16xi32>
      %or3A_660 = arith.ori %or3A_651, %eq3A_659 : vector<16xi1>
      %get3A_661 = arith.constant 0 : i32
      %get3A_662 = tpu.memref_slice %arg5[%add3A_547, %get3A_661] : memref<128x200xi32, #tpu.memory_space<vmem>> -> memref<1x200xi32, #tpu.memory_space<vmem>>
      %get3A_663 = tpu.memref_squeeze %get3A_662 : memref<1x200xi32, #tpu.memory_space<vmem>> -> memref<200xi32, #tpu.memory_space<vmem>>
      %get3A_664 = arith.constant 184 : index
      %get3A_665 = tpu.vector_load %get3A_663[%get3A_664] {strides = array<i32>} : memref<200xi32, #tpu.memory_space<vmem>>, vector<16xi32>,
      %eq3A_666 = arith.constant 0 : i32
      %eq3A_667 = vector.broadcast %eq3A_666 : i32 to vector<16xi32>
      %eq3A_668 = arith.cmpi eq, %get3A_665, %eq3A_667 : vector<16xi32>
      %or3A_669 = arith.ori %or3A_660, %eq3A_668 : vector<16xi1>
      %broadcast_in_dim3A_670 = arith.constant 0 : i32
      %broadcast_in_dim3A_671 = vector.broadcast %broadcast_in_dim3A_670 : i32 to vector<16xi32>
      %swap3A_672 = arith.constant 0 : index
      %swap3A_673 = tpu.vector_load %arg10[%swap3A_672] {strides = array<i32>} : memref<16xi32, #tpu.memory_space<vmem>>, vector<16xi32>,
      tpu.vector_store %arg10[%swap3A_672], %broadcast_in_dim3A_671 {strides = array<i32>} : memref<16xi32, #tpu.memory_space<vmem>>, vector<16xi32>,
      %broadcast_in_dim3A_674 = arith.constant 0 : i32
      %broadcast_in_dim3A_675 = vector.broadcast %broadcast_in_dim3A_674 : i32 to vector<16xi32>
      %broadcast_in_dim3A_676 = arith.constant 1 : i32
      %broadcast_in_dim3A_677 = vector.broadcast %broadcast_in_dim3A_676 : i32 to vector<16xi32>
      %scatter3A_678 = arith.constant 0 : i32
      %scatter3A_679 = tpu.memref_slice %arg10[%scatter3A_678] : memref<16xi32, #tpu.memory_space<vmem>> -> memref<16xi32, #tpu.memory_space<vmem>>
      tpu.vector_store_idx %scatter3A_679[%broadcast_in_dim3A_675], %broadcast_in_dim3A_677 masked %or3A_669 : memref<16xi32, #tpu.memory_space<vmem>>[vector<16xi32>], vector<16xi32>, vector<16xi1>
      %get3A_680 = arith.constant 0 : index
      %get3A_681 = tpu.vector_load %arg10[%get3A_680] {strides = array<i32>} : memref<16xi32, #tpu.memory_space<vmem>>, vector<16xi32>,
      %slice3A_682 = vector.extract_strided_slice %get3A_681 {offsets = [0], sizes = [1], strides = [1]} : vector<16xi32> to vector<1xi32>
      %squeeze3A_683 = vector.extract %slice3A_682[0] : i32 from vector<1xi32>
      %ne3A_684 = arith.constant 0 : i32
      %ne3A_685 = arith.cmpi ne, %squeeze3A_683, %ne3A_684 : i32
      %convert_element_type3A_686 = arith.extui %ne3A_685 : i1 to i32
      %cond3A_687 = arith.constant 0 : i32
      %cond3A_688 = arith.cmpi ne, %convert_element_type3A_686, %cond3A_687 : i32
      scf.if %cond3A_688 {
        %broadcast_in_dim3A_707 = arith.constant 0.000000e+00 : f32
        %broadcast_in_dim3A_708 = vector.broadcast %broadcast_in_dim3A_707 : f32 to vector<16xf32>
        %get3A_709 = arith.constant 0 : i32
        %get3A_710 = tpu.memref_slice %arg5[%add3A_547, %get3A_709] : memref<128x200xi32, #tpu.memory_space<vmem>> -> memref<1x200xi32, #tpu.memory_space<vmem>>
        %get3A_711 = tpu.memref_squeeze %get3A_710 : memref<1x200xi32, #tpu.memory_space<vmem>> -> memref<200xi32, #tpu.memory_space<vmem>>
        %get3A_712 = arith.constant 0 : index
        %get3A_713 = tpu.vector_load %get3A_711[%get3A_712] {strides = array<i32>} : memref<200xi32, #tpu.memory_space<vmem>>, vector<16xi32>,
        %eq3A_714 = arith.constant 0 : i32
        %eq3A_715 = vector.broadcast %eq3A_714 : i32 to vector<16xi32>
        %eq3A_716 = arith.cmpi eq, %get3A_713, %eq3A_715 : vector<16xi32>
        %iota3A = tpu.iota {dimensions = array<i32: 0>} : vector<16xi32>
        %add3A_717 = arith.constant 0 : i32
        %add3A_718 = vector.broadcast %add3A_717 : i32 to vector<16xi32>
        %add3A_719 = arith.addi %add3A_718, %iota3A : vector<16xi32>
        %scan3A_720 = arith.constant 0 : i32
        %scan3A_721 = arith.constant 0 : i32
        %scan3A_722 = arith.constant 64 : i32
        %scan3A_723 = arith.addi %scan3A_721, %scan3A_722 : i32
        %scan3A_724 = arith.constant 1 : i32
        scf.for %scan3A_942 = %scan3A_721 to %scan3A_723 step %scan3A_724  : i32 {
          %broadcast_in_dim3A_943 = arith.constant 0 : i32
          %broadcast_in_dim3A_944 = vector.broadcast %broadcast_in_dim3A_943 : i32 to vector<16xi32>
          %add3A_945 = vector.broadcast %scan3A_942 : i32 to vector<16xi32>
          %add3A_946 = arith.addi %broadcast_in_dim3A_944, %add3A_945 : vector<16xi32>
          %scatter3A_947 = arith.constant 0 : i32
          %scatter3A_948 = arith.constant 0 : i32
          %scatter3A_949 = tpu.memref_slice %arg9[%scatter3A_947, %scatter3A_948] : memref<200x64xf32, #tpu.memory_space<vmem>> -> memref<200x64xf32, #tpu.memory_space<vmem>>
          tpu.vector_store_idx %scatter3A_949[%add3A_719, %add3A_946], %broadcast_in_dim3A_708 masked %eq3A_716 : memref<200x64xf32, #tpu.memory_space<vmem>>[vector<16xi32>, vector<16xi32>], vector<16xf32>, vector<16xi1>
        }
        %scan3A_725 = arith.constant 64 : i32
        %get3A_726 = arith.constant 0 : i32
        %get3A_727 = tpu.memref_slice %arg5[%add3A_547, %get3A_726] : memref<128x200xi32, #tpu.memory_space<vmem>> -> memref<1x200xi32, #tpu.memory_space<vmem>>
        %get3A_728 = tpu.memref_squeeze %get3A_727 : memref<1x200xi32, #tpu.memory_space<vmem>> -> memref<200xi32, #tpu.memory_space<vmem>>
        %get3A_729 = arith.constant 16 : index
        %get3A_730 = tpu.vector_load %get3A_728[%get3A_729] {strides = array<i32>} : memref<200xi32, #tpu.memory_space<vmem>>, vector<16xi32>,
        %eq3A_731 = arith.constant 0 : i32
        %eq3A_732 = vector.broadcast %eq3A_731 : i32 to vector<16xi32>
        %eq3A_733 = arith.cmpi eq, %get3A_730, %eq3A_732 : vector<16xi32>
        %iota3A_734 = tpu.iota {dimensions = array<i32: 0>} : vector<16xi32>
        %add3A_735 = arith.constant 16 : i32
        %add3A_736 = vector.broadcast %add3A_735 : i32 to vector<16xi32>
        %add3A_737 = arith.addi %add3A_736, %iota3A_734 : vector<16xi32>
        %scan3A_738 = arith.constant 0 : i32
        %scan3A_739 = arith.constant 0 : i32
        %scan3A_740 = arith.constant 64 : i32
        %scan3A_741 = arith.addi %scan3A_739, %scan3A_740 : i32
        %scan3A_742 = arith.constant 1 : i32
        scf.for %scan3A_942 = %scan3A_739 to %scan3A_741 step %scan3A_742  : i32 {
          %broadcast_in_dim3A_943 = arith.constant 0 : i32
          %broadcast_in_dim3A_944 = vector.broadcast %broadcast_in_dim3A_943 : i32 to vector<16xi32>
          %add3A_945 = vector.broadcast %scan3A_942 : i32 to vector<16xi32>
          %add3A_946 = arith.addi %broadcast_in_dim3A_944, %add3A_945 : vector<16xi32>
          %scatter3A_947 = arith.constant 0 : i32
          %scatter3A_948 = arith.constant 0 : i32
          %scatter3A_949 = tpu.memref_slice %arg9[%scatter3A_947, %scatter3A_948] : memref<200x64xf32, #tpu.memory_space<vmem>> -> memref<200x64xf32, #tpu.memory_space<vmem>>
          tpu.vector_store_idx %scatter3A_949[%add3A_737, %add3A_946], %broadcast_in_dim3A_708 masked %eq3A_733 : memref<200x64xf32, #tpu.memory_space<vmem>>[vector<16xi32>, vector<16xi32>], vector<16xf32>, vector<16xi1>
        }
        %scan3A_743 = arith.constant 64 : i32
        %get3A_744 = arith.constant 0 : i32
        %get3A_745 = tpu.memref_slice %arg5[%add3A_547, %get3A_744] : memref<128x200xi32, #tpu.memory_space<vmem>> -> memref<1x200xi32, #tpu.memory_space<vmem>>
        %get3A_746 = tpu.memref_squeeze %get3A_745 : memref<1x200xi32, #tpu.memory_space<vmem>> -> memref<200xi32, #tpu.memory_space<vmem>>
        %get3A_747 = arith.constant 32 : index
        %get3A_748 = tpu.vector_load %get3A_746[%get3A_747] {strides = array<i32>} : memref<200xi32, #tpu.memory_space<vmem>>, vector<16xi32>,
        %eq3A_749 = arith.constant 0 : i32
        %eq3A_750 = vector.broadcast %eq3A_749 : i32 to vector<16xi32>
        %eq3A_751 = arith.cmpi eq, %get3A_748, %eq3A_750 : vector<16xi32>
        %iota3A_752 = tpu.iota {dimensions = array<i32: 0>} : vector<16xi32>
        %add3A_753 = arith.constant 32 : i32
        %add3A_754 = vector.broadcast %add3A_753 : i32 to vector<16xi32>
        %add3A_755 = arith.addi %add3A_754, %iota3A_752 : vector<16xi32>
        %scan3A_756 = arith.constant 0 : i32
        %scan3A_757 = arith.constant 0 : i32
        %scan3A_758 = arith.constant 64 : i32
        %scan3A_759 = arith.addi %scan3A_757, %scan3A_758 : i32
        %scan3A_760 = arith.constant 1 : i32
        scf.for %scan3A_942 = %scan3A_757 to %scan3A_759 step %scan3A_760  : i32 {
          %broadcast_in_dim3A_943 = arith.constant 0 : i32
          %broadcast_in_dim3A_944 = vector.broadcast %broadcast_in_dim3A_943 : i32 to vector<16xi32>
          %add3A_945 = vector.broadcast %scan3A_942 : i32 to vector<16xi32>
          %add3A_946 = arith.addi %broadcast_in_dim3A_944, %add3A_945 : vector<16xi32>
          %scatter3A_947 = arith.constant 0 : i32
          %scatter3A_948 = arith.constant 0 : i32
          %scatter3A_949 = tpu.memref_slice %arg9[%scatter3A_947, %scatter3A_948] : memref<200x64xf32, #tpu.memory_space<vmem>> -> memref<200x64xf32, #tpu.memory_space<vmem>>
          tpu.vector_store_idx %scatter3A_949[%add3A_755, %add3A_946], %broadcast_in_dim3A_708 masked %eq3A_751 : memref<200x64xf32, #tpu.memory_space<vmem>>[vector<16xi32>, vector<16xi32>], vector<16xf32>, vector<16xi1>
        }
        %scan3A_761 = arith.constant 64 : i32
        %get3A_762 = arith.constant 0 : i32
        %get3A_763 = tpu.memref_slice %arg5[%add3A_547, %get3A_762] : memref<128x200xi32, #tpu.memory_space<vmem>> -> memref<1x200xi32, #tpu.memory_space<vmem>>
        %get3A_764 = tpu.memref_squeeze %get3A_763 : memref<1x200xi32, #tpu.memory_space<vmem>> -> memref<200xi32, #tpu.memory_space<vmem>>
        %get3A_765 = arith.constant 48 : index
        %get3A_766 = tpu.vector_load %get3A_764[%get3A_765] {strides = array<i32>} : memref<200xi32, #tpu.memory_space<vmem>>, vector<16xi32>,
        %eq3A_767 = arith.constant 0 : i32
        %eq3A_768 = vector.broadcast %eq3A_767 : i32 to vector<16xi32>
        %eq3A_769 = arith.cmpi eq, %get3A_766, %eq3A_768 : vector<16xi32>
        %iota3A_770 = tpu.iota {dimensions = array<i32: 0>} : vector<16xi32>
        %add3A_771 = arith.constant 48 : i32
        %add3A_772 = vector.broadcast %add3A_771 : i32 to vector<16xi32>
        %add3A_773 = arith.addi %add3A_772, %iota3A_770 : vector<16xi32>
        %scan3A_774 = arith.constant 0 : i32
        %scan3A_775 = arith.constant 0 : i32
        %scan3A_776 = arith.constant 64 : i32
        %scan3A_777 = arith.addi %scan3A_775, %scan3A_776 : i32
        %scan3A_778 = arith.constant 1 : i32
        scf.for %scan3A_942 = %scan3A_775 to %scan3A_777 step %scan3A_778  : i32 {
          %broadcast_in_dim3A_943 = arith.constant 0 : i32
          %broadcast_in_dim3A_944 = vector.broadcast %broadcast_in_dim3A_943 : i32 to vector<16xi32>
          %add3A_945 = vector.broadcast %scan3A_942 : i32 to vector<16xi32>
          %add3A_946 = arith.addi %broadcast_in_dim3A_944, %add3A_945 : vector<16xi32>
          %scatter3A_947 = arith.constant 0 : i32
          %scatter3A_948 = arith.constant 0 : i32
          %scatter3A_949 = tpu.memref_slice %arg9[%scatter3A_947, %scatter3A_948] : memref<200x64xf32, #tpu.memory_space<vmem>> -> memref<200x64xf32, #tpu.memory_space<vmem>>
          tpu.vector_store_idx %scatter3A_949[%add3A_773, %add3A_946], %broadcast_in_dim3A_708 masked %eq3A_769 : memref<200x64xf32, #tpu.memory_space<vmem>>[vector<16xi32>, vector<16xi32>], vector<16xf32>, vector<16xi1>
        }
        %scan3A_779 = arith.constant 64 : i32
        %get3A_780 = arith.constant 0 : i32
        %get3A_781 = tpu.memref_slice %arg5[%add3A_547, %get3A_780] : memref<128x200xi32, #tpu.memory_space<vmem>> -> memref<1x200xi32, #tpu.memory_space<vmem>>
        %get3A_782 = tpu.memref_squeeze %get3A_781 : memref<1x200xi32, #tpu.memory_space<vmem>> -> memref<200xi32, #tpu.memory_space<vmem>>
        %get3A_783 = arith.constant 64 : index
        %get3A_784 = tpu.vector_load %get3A_782[%get3A_783] {strides = array<i32>} : memref<200xi32, #tpu.memory_space<vmem>>, vector<16xi32>,
        %eq3A_785 = arith.constant 0 : i32
        %eq3A_786 = vector.broadcast %eq3A_785 : i32 to vector<16xi32>
        %eq3A_787 = arith.cmpi eq, %get3A_784, %eq3A_786 : vector<16xi32>
        %iota3A_788 = tpu.iota {dimensions = array<i32: 0>} : vector<16xi32>
        %add3A_789 = arith.constant 64 : i32
        %add3A_790 = vector.broadcast %add3A_789 : i32 to vector<16xi32>
        %add3A_791 = arith.addi %add3A_790, %iota3A_788 : vector<16xi32>
        %scan3A_792 = arith.constant 0 : i32
        %scan3A_793 = arith.constant 0 : i32
        %scan3A_794 = arith.constant 64 : i32
        %scan3A_795 = arith.addi %scan3A_793, %scan3A_794 : i32
        %scan3A_796 = arith.constant 1 : i32
        scf.for %scan3A_942 = %scan3A_793 to %scan3A_795 step %scan3A_796  : i32 {
          %broadcast_in_dim3A_943 = arith.constant 0 : i32
          %broadcast_in_dim3A_944 = vector.broadcast %broadcast_in_dim3A_943 : i32 to vector<16xi32>
          %add3A_945 = vector.broadcast %scan3A_942 : i32 to vector<16xi32>
          %add3A_946 = arith.addi %broadcast_in_dim3A_944, %add3A_945 : vector<16xi32>
          %scatter3A_947 = arith.constant 0 : i32
          %scatter3A_948 = arith.constant 0 : i32
          %scatter3A_949 = tpu.memref_slice %arg9[%scatter3A_947, %scatter3A_948] : memref<200x64xf32, #tpu.memory_space<vmem>> -> memref<200x64xf32, #tpu.memory_space<vmem>>
          tpu.vector_store_idx %scatter3A_949[%add3A_791, %add3A_946], %broadcast_in_dim3A_708 masked %eq3A_787 : memref<200x64xf32, #tpu.memory_space<vmem>>[vector<16xi32>, vector<16xi32>], vector<16xf32>, vector<16xi1>
        }
        %scan3A_797 = arith.constant 64 : i32
        %get3A_798 = arith.constant 0 : i32
        %get3A_799 = tpu.memref_slice %arg5[%add3A_547, %get3A_798] : memref<128x200xi32, #tpu.memory_space<vmem>> -> memref<1x200xi32, #tpu.memory_space<vmem>>
        %get3A_800 = tpu.memref_squeeze %get3A_799 : memref<1x200xi32, #tpu.memory_space<vmem>> -> memref<200xi32, #tpu.memory_space<vmem>>
        %get3A_801 = arith.constant 80 : index
        %get3A_802 = tpu.vector_load %get3A_800[%get3A_801] {strides = array<i32>} : memref<200xi32, #tpu.memory_space<vmem>>, vector<16xi32>,
        %eq3A_803 = arith.constant 0 : i32
        %eq3A_804 = vector.broadcast %eq3A_803 : i32 to vector<16xi32>
        %eq3A_805 = arith.cmpi eq, %get3A_802, %eq3A_804 : vector<16xi32>
        %iota3A_806 = tpu.iota {dimensions = array<i32: 0>} : vector<16xi32>
        %add3A_807 = arith.constant 80 : i32
        %add3A_808 = vector.broadcast %add3A_807 : i32 to vector<16xi32>
        %add3A_809 = arith.addi %add3A_808, %iota3A_806 : vector<16xi32>
        %scan3A_810 = arith.constant 0 : i32
        %scan3A_811 = arith.constant 0 : i32
        %scan3A_812 = arith.constant 64 : i32
        %scan3A_813 = arith.addi %scan3A_811, %scan3A_812 : i32
        %scan3A_814 = arith.constant 1 : i32
        scf.for %scan3A_942 = %scan3A_811 to %scan3A_813 step %scan3A_814  : i32 {
          %broadcast_in_dim3A_943 = arith.constant 0 : i32
          %broadcast_in_dim3A_944 = vector.broadcast %broadcast_in_dim3A_943 : i32 to vector<16xi32>
          %add3A_945 = vector.broadcast %scan3A_942 : i32 to vector<16xi32>
          %add3A_946 = arith.addi %broadcast_in_dim3A_944, %add3A_945 : vector<16xi32>
          %scatter3A_947 = arith.constant 0 : i32
          %scatter3A_948 = arith.constant 0 : i32
          %scatter3A_949 = tpu.memref_slice %arg9[%scatter3A_947, %scatter3A_948] : memref<200x64xf32, #tpu.memory_space<vmem>> -> memref<200x64xf32, #tpu.memory_space<vmem>>
          tpu.vector_store_idx %scatter3A_949[%add3A_809, %add3A_946], %broadcast_in_dim3A_708 masked %eq3A_805 : memref<200x64xf32, #tpu.memory_space<vmem>>[vector<16xi32>, vector<16xi32>], vector<16xf32>, vector<16xi1>
        }
        %scan3A_815 = arith.constant 64 : i32
        %get3A_816 = arith.constant 0 : i32
        %get3A_817 = tpu.memref_slice %arg5[%add3A_547, %get3A_816] : memref<128x200xi32, #tpu.memory_space<vmem>> -> memref<1x200xi32, #tpu.memory_space<vmem>>
        %get3A_818 = tpu.memref_squeeze %get3A_817 : memref<1x200xi32, #tpu.memory_space<vmem>> -> memref<200xi32, #tpu.memory_space<vmem>>
        %get3A_819 = arith.constant 96 : index
        %get3A_820 = tpu.vector_load %get3A_818[%get3A_819] {strides = array<i32>} : memref<200xi32, #tpu.memory_space<vmem>>, vector<16xi32>,
        %eq3A_821 = arith.constant 0 : i32
        %eq3A_822 = vector.broadcast %eq3A_821 : i32 to vector<16xi32>
        %eq3A_823 = arith.cmpi eq, %get3A_820, %eq3A_822 : vector<16xi32>
        %iota3A_824 = tpu.iota {dimensions = array<i32: 0>} : vector<16xi32>
        %add3A_825 = arith.constant 96 : i32
        %add3A_826 = vector.broadcast %add3A_825 : i32 to vector<16xi32>
        %add3A_827 = arith.addi %add3A_826, %iota3A_824 : vector<16xi32>
        %scan3A_828 = arith.constant 0 : i32
        %scan3A_829 = arith.constant 0 : i32
        %scan3A_830 = arith.constant 64 : i32
        %scan3A_831 = arith.addi %scan3A_829, %scan3A_830 : i32
        %scan3A_832 = arith.constant 1 : i32
        scf.for %scan3A_942 = %scan3A_829 to %scan3A_831 step %scan3A_832  : i32 {
          %broadcast_in_dim3A_943 = arith.constant 0 : i32
          %broadcast_in_dim3A_944 = vector.broadcast %broadcast_in_dim3A_943 : i32 to vector<16xi32>
          %add3A_945 = vector.broadcast %scan3A_942 : i32 to vector<16xi32>
          %add3A_946 = arith.addi %broadcast_in_dim3A_944, %add3A_945 : vector<16xi32>
          %scatter3A_947 = arith.constant 0 : i32
          %scatter3A_948 = arith.constant 0 : i32
          %scatter3A_949 = tpu.memref_slice %arg9[%scatter3A_947, %scatter3A_948] : memref<200x64xf32, #tpu.memory_space<vmem>> -> memref<200x64xf32, #tpu.memory_space<vmem>>
          tpu.vector_store_idx %scatter3A_949[%add3A_827, %add3A_946], %broadcast_in_dim3A_708 masked %eq3A_823 : memref<200x64xf32, #tpu.memory_space<vmem>>[vector<16xi32>, vector<16xi32>], vector<16xf32>, vector<16xi1>
        }
        %scan3A_833 = arith.constant 64 : i32
        %get3A_834 = arith.constant 0 : i32
        %get3A_835 = tpu.memref_slice %arg5[%add3A_547, %get3A_834] : memref<128x200xi32, #tpu.memory_space<vmem>> -> memref<1x200xi32, #tpu.memory_space<vmem>>
        %get3A_836 = tpu.memref_squeeze %get3A_835 : memref<1x200xi32, #tpu.memory_space<vmem>> -> memref<200xi32, #tpu.memory_space<vmem>>
        %get3A_837 = arith.constant 112 : index
        %get3A_838 = tpu.vector_load %get3A_836[%get3A_837] {strides = array<i32>} : memref<200xi32, #tpu.memory_space<vmem>>, vector<16xi32>,
        %eq3A_839 = arith.constant 0 : i32
        %eq3A_840 = vector.broadcast %eq3A_839 : i32 to vector<16xi32>
        %eq3A_841 = arith.cmpi eq, %get3A_838, %eq3A_840 : vector<16xi32>
        %iota3A_842 = tpu.iota {dimensions = array<i32: 0>} : vector<16xi32>
        %add3A_843 = arith.constant 112 : i32
        %add3A_844 = vector.broadcast %add3A_843 : i32 to vector<16xi32>
        %add3A_845 = arith.addi %add3A_844, %iota3A_842 : vector<16xi32>
        %scan3A_846 = arith.constant 0 : i32
        %scan3A_847 = arith.constant 0 : i32
        %scan3A_848 = arith.constant 64 : i32
        %scan3A_849 = arith.addi %scan3A_847, %scan3A_848 : i32
        %scan3A_850 = arith.constant 1 : i32
        scf.for %scan3A_942 = %scan3A_847 to %scan3A_849 step %scan3A_850  : i32 {
          %broadcast_in_dim3A_943 = arith.constant 0 : i32
          %broadcast_in_dim3A_944 = vector.broadcast %broadcast_in_dim3A_943 : i32 to vector<16xi32>
          %add3A_945 = vector.broadcast %scan3A_942 : i32 to vector<16xi32>
          %add3A_946 = arith.addi %broadcast_in_dim3A_944, %add3A_945 : vector<16xi32>
          %scatter3A_947 = arith.constant 0 : i32
          %scatter3A_948 = arith.constant 0 : i32
          %scatter3A_949 = tpu.memref_slice %arg9[%scatter3A_947, %scatter3A_948] : memref<200x64xf32, #tpu.memory_space<vmem>> -> memref<200x64xf32, #tpu.memory_space<vmem>>
          tpu.vector_store_idx %scatter3A_949[%add3A_845, %add3A_946], %broadcast_in_dim3A_708 masked %eq3A_841 : memref<200x64xf32, #tpu.memory_space<vmem>>[vector<16xi32>, vector<16xi32>], vector<16xf32>, vector<16xi1>
        }
        %scan3A_851 = arith.constant 64 : i32
        %get3A_852 = arith.constant 0 : i32
        %get3A_853 = tpu.memref_slice %arg5[%add3A_547, %get3A_852] : memref<128x200xi32, #tpu.memory_space<vmem>> -> memref<1x200xi32, #tpu.memory_space<vmem>>
        %get3A_854 = tpu.memref_squeeze %get3A_853 : memref<1x200xi32, #tpu.memory_space<vmem>> -> memref<200xi32, #tpu.memory_space<vmem>>
        %get3A_855 = arith.constant 128 : index
        %get3A_856 = tpu.vector_load %get3A_854[%get3A_855] {strides = array<i32>} : memref<200xi32, #tpu.memory_space<vmem>>, vector<16xi32>,
        %eq3A_857 = arith.constant 0 : i32
        %eq3A_858 = vector.broadcast %eq3A_857 : i32 to vector<16xi32>
        %eq3A_859 = arith.cmpi eq, %get3A_856, %eq3A_858 : vector<16xi32>
        %iota3A_860 = tpu.iota {dimensions = array<i32: 0>} : vector<16xi32>
        %add3A_861 = arith.constant 128 : i32
        %add3A_862 = vector.broadcast %add3A_861 : i32 to vector<16xi32>
        %add3A_863 = arith.addi %add3A_862, %iota3A_860 : vector<16xi32>
        %scan3A_864 = arith.constant 0 : i32
        %scan3A_865 = arith.constant 0 : i32
        %scan3A_866 = arith.constant 64 : i32
        %scan3A_867 = arith.addi %scan3A_865, %scan3A_866 : i32
        %scan3A_868 = arith.constant 1 : i32
        scf.for %scan3A_942 = %scan3A_865 to %scan3A_867 step %scan3A_868  : i32 {
          %broadcast_in_dim3A_943 = arith.constant 0 : i32
          %broadcast_in_dim3A_944 = vector.broadcast %broadcast_in_dim3A_943 : i32 to vector<16xi32>
          %add3A_945 = vector.broadcast %scan3A_942 : i32 to vector<16xi32>
          %add3A_946 = arith.addi %broadcast_in_dim3A_944, %add3A_945 : vector<16xi32>
          %scatter3A_947 = arith.constant 0 : i32
          %scatter3A_948 = arith.constant 0 : i32
          %scatter3A_949 = tpu.memref_slice %arg9[%scatter3A_947, %scatter3A_948] : memref<200x64xf32, #tpu.memory_space<vmem>> -> memref<200x64xf32, #tpu.memory_space<vmem>>
          tpu.vector_store_idx %scatter3A_949[%add3A_863, %add3A_946], %broadcast_in_dim3A_708 masked %eq3A_859 : memref<200x64xf32, #tpu.memory_space<vmem>>[vector<16xi32>, vector<16xi32>], vector<16xf32>, vector<16xi1>
        }
        %scan3A_869 = arith.constant 64 : i32
        %get3A_870 = arith.constant 0 : i32
        %get3A_871 = tpu.memref_slice %arg5[%add3A_547, %get3A_870] : memref<128x200xi32, #tpu.memory_space<vmem>> -> memref<1x200xi32, #tpu.memory_space<vmem>>
        %get3A_872 = tpu.memref_squeeze %get3A_871 : memref<1x200xi32, #tpu.memory_space<vmem>> -> memref<200xi32, #tpu.memory_space<vmem>>
        %get3A_873 = arith.constant 144 : index
        %get3A_874 = tpu.vector_load %get3A_872[%get3A_873] {strides = array<i32>} : memref<200xi32, #tpu.memory_space<vmem>>, vector<16xi32>,
        %eq3A_875 = arith.constant 0 : i32
        %eq3A_876 = vector.broadcast %eq3A_875 : i32 to vector<16xi32>
        %eq3A_877 = arith.cmpi eq, %get3A_874, %eq3A_876 : vector<16xi32>
        %iota3A_878 = tpu.iota {dimensions = array<i32: 0>} : vector<16xi32>
        %add3A_879 = arith.constant 144 : i32
        %add3A_880 = vector.broadcast %add3A_879 : i32 to vector<16xi32>
        %add3A_881 = arith.addi %add3A_880, %iota3A_878 : vector<16xi32>
        %scan3A_882 = arith.constant 0 : i32
        %scan3A_883 = arith.constant 0 : i32
        %scan3A_884 = arith.constant 64 : i32
        %scan3A_885 = arith.addi %scan3A_883, %scan3A_884 : i32
        %scan3A_886 = arith.constant 1 : i32
        scf.for %scan3A_942 = %scan3A_883 to %scan3A_885 step %scan3A_886  : i32 {
          %broadcast_in_dim3A_943 = arith.constant 0 : i32
          %broadcast_in_dim3A_944 = vector.broadcast %broadcast_in_dim3A_943 : i32 to vector<16xi32>
          %add3A_945 = vector.broadcast %scan3A_942 : i32 to vector<16xi32>
          %add3A_946 = arith.addi %broadcast_in_dim3A_944, %add3A_945 : vector<16xi32>
          %scatter3A_947 = arith.constant 0 : i32
          %scatter3A_948 = arith.constant 0 : i32
          %scatter3A_949 = tpu.memref_slice %arg9[%scatter3A_947, %scatter3A_948] : memref<200x64xf32, #tpu.memory_space<vmem>> -> memref<200x64xf32, #tpu.memory_space<vmem>>
          tpu.vector_store_idx %scatter3A_949[%add3A_881, %add3A_946], %broadcast_in_dim3A_708 masked %eq3A_877 : memref<200x64xf32, #tpu.memory_space<vmem>>[vector<16xi32>, vector<16xi32>], vector<16xf32>, vector<16xi1>
        }
        %scan3A_887 = arith.constant 64 : i32
        %get3A_888 = arith.constant 0 : i32
        %get3A_889 = tpu.memref_slice %arg5[%add3A_547, %get3A_888] : memref<128x200xi32, #tpu.memory_space<vmem>> -> memref<1x200xi32, #tpu.memory_space<vmem>>
        %get3A_890 = tpu.memref_squeeze %get3A_889 : memref<1x200xi32, #tpu.memory_space<vmem>> -> memref<200xi32, #tpu.memory_space<vmem>>
        %get3A_891 = arith.constant 160 : index
        %get3A_892 = tpu.vector_load %get3A_890[%get3A_891] {strides = array<i32>} : memref<200xi32, #tpu.memory_space<vmem>>, vector<16xi32>,
        %eq3A_893 = arith.constant 0 : i32
        %eq3A_894 = vector.broadcast %eq3A_893 : i32 to vector<16xi32>
        %eq3A_895 = arith.cmpi eq, %get3A_892, %eq3A_894 : vector<16xi32>
        %iota3A_896 = tpu.iota {dimensions = array<i32: 0>} : vector<16xi32>
        %add3A_897 = arith.constant 160 : i32
        %add3A_898 = vector.broadcast %add3A_897 : i32 to vector<16xi32>
        %add3A_899 = arith.addi %add3A_898, %iota3A_896 : vector<16xi32>
        %scan3A_900 = arith.constant 0 : i32
        %scan3A_901 = arith.constant 0 : i32
        %scan3A_902 = arith.constant 64 : i32
        %scan3A_903 = arith.addi %scan3A_901, %scan3A_902 : i32
        %scan3A_904 = arith.constant 1 : i32
        scf.for %scan3A_942 = %scan3A_901 to %scan3A_903 step %scan3A_904  : i32 {
          %broadcast_in_dim3A_943 = arith.constant 0 : i32
          %broadcast_in_dim3A_944 = vector.broadcast %broadcast_in_dim3A_943 : i32 to vector<16xi32>
          %add3A_945 = vector.broadcast %scan3A_942 : i32 to vector<16xi32>
          %add3A_946 = arith.addi %broadcast_in_dim3A_944, %add3A_945 : vector<16xi32>
          %scatter3A_947 = arith.constant 0 : i32
          %scatter3A_948 = arith.constant 0 : i32
          %scatter3A_949 = tpu.memref_slice %arg9[%scatter3A_947, %scatter3A_948] : memref<200x64xf32, #tpu.memory_space<vmem>> -> memref<200x64xf32, #tpu.memory_space<vmem>>
          tpu.vector_store_idx %scatter3A_949[%add3A_899, %add3A_946], %broadcast_in_dim3A_708 masked %eq3A_895 : memref<200x64xf32, #tpu.memory_space<vmem>>[vector<16xi32>, vector<16xi32>], vector<16xf32>, vector<16xi1>
        }
        %scan3A_905 = arith.constant 64 : i32
        %get3A_906 = arith.constant 0 : i32
        %get3A_907 = tpu.memref_slice %arg5[%add3A_547, %get3A_906] : memref<128x200xi32, #tpu.memory_space<vmem>> -> memref<1x200xi32, #tpu.memory_space<vmem>>
        %get3A_908 = tpu.memref_squeeze %get3A_907 : memref<1x200xi32, #tpu.memory_space<vmem>> -> memref<200xi32, #tpu.memory_space<vmem>>
        %get3A_909 = arith.constant 176 : index
        %get3A_910 = tpu.vector_load %get3A_908[%get3A_909] {strides = array<i32>} : memref<200xi32, #tpu.memory_space<vmem>>, vector<16xi32>,
        %eq3A_911 = arith.constant 0 : i32
        %eq3A_912 = vector.broadcast %eq3A_911 : i32 to vector<16xi32>
        %eq3A_913 = arith.cmpi eq, %get3A_910, %eq3A_912 : vector<16xi32>
        %iota3A_914 = tpu.iota {dimensions = array<i32: 0>} : vector<16xi32>
        %add3A_915 = arith.constant 176 : i32
        %add3A_916 = vector.broadcast %add3A_915 : i32 to vector<16xi32>
        %add3A_917 = arith.addi %add3A_916, %iota3A_914 : vector<16xi32>
        %scan3A_918 = arith.constant 0 : i32
        %scan3A_919 = arith.constant 0 : i32
        %scan3A_920 = arith.constant 64 : i32
        %scan3A_921 = arith.addi %scan3A_919, %scan3A_920 : i32
        %scan3A_922 = arith.constant 1 : i32
        scf.for %scan3A_942 = %scan3A_919 to %scan3A_921 step %scan3A_922  : i32 {
          %broadcast_in_dim3A_943 = arith.constant 0 : i32
          %broadcast_in_dim3A_944 = vector.broadcast %broadcast_in_dim3A_943 : i32 to vector<16xi32>
          %add3A_945 = vector.broadcast %scan3A_942 : i32 to vector<16xi32>
          %add3A_946 = arith.addi %broadcast_in_dim3A_944, %add3A_945 : vector<16xi32>
          %scatter3A_947 = arith.constant 0 : i32
          %scatter3A_948 = arith.constant 0 : i32
          %scatter3A_949 = tpu.memref_slice %arg9[%scatter3A_947, %scatter3A_948] : memref<200x64xf32, #tpu.memory_space<vmem>> -> memref<200x64xf32, #tpu.memory_space<vmem>>
          tpu.vector_store_idx %scatter3A_949[%add3A_917, %add3A_946], %broadcast_in_dim3A_708 masked %eq3A_913 : memref<200x64xf32, #tpu.memory_space<vmem>>[vector<16xi32>, vector<16xi32>], vector<16xf32>, vector<16xi1>
        }
        %scan3A_923 = arith.constant 64 : i32
        %get3A_924 = arith.constant 0 : i32
        %get3A_925 = tpu.memref_slice %arg5[%add3A_547, %get3A_924] : memref<128x200xi32, #tpu.memory_space<vmem>> -> memref<1x200xi32, #tpu.memory_space<vmem>>
        %get3A_926 = tpu.memref_squeeze %get3A_925 : memref<1x200xi32, #tpu.memory_space<vmem>> -> memref<200xi32, #tpu.memory_space<vmem>>
        %get3A_927 = arith.constant 184 : index
        %get3A_928 = tpu.vector_load %get3A_926[%get3A_927] {strides = array<i32>} : memref<200xi32, #tpu.memory_space<vmem>>, vector<16xi32>,
        %eq3A_929 = arith.constant 0 : i32
        %eq3A_930 = vector.broadcast %eq3A_929 : i32 to vector<16xi32>
        %eq3A_931 = arith.cmpi eq, %get3A_928, %eq3A_930 : vector<16xi32>
        %iota3A_932 = tpu.iota {dimensions = array<i32: 0>} : vector<16xi32>
        %add3A_933 = arith.constant 184 : i32
        %add3A_934 = vector.broadcast %add3A_933 : i32 to vector<16xi32>
        %add3A_935 = arith.addi %add3A_934, %iota3A_932 : vector<16xi32>
        %scan3A_936 = arith.constant 0 : i32
        %scan3A_937 = arith.constant 0 : i32
        %scan3A_938 = arith.constant 64 : i32
        %scan3A_939 = arith.addi %scan3A_937, %scan3A_938 : i32
        %scan3A_940 = arith.constant 1 : i32
        scf.for %scan3A_942 = %scan3A_937 to %scan3A_939 step %scan3A_940  : i32 {
          %broadcast_in_dim3A_943 = arith.constant 0 : i32
          %broadcast_in_dim3A_944 = vector.broadcast %broadcast_in_dim3A_943 : i32 to vector<16xi32>
          %add3A_945 = vector.broadcast %scan3A_942 : i32 to vector<16xi32>
          %add3A_946 = arith.addi %broadcast_in_dim3A_944, %add3A_945 : vector<16xi32>
          %scatter3A_947 = arith.constant 0 : i32
          %scatter3A_948 = arith.constant 0 : i32
          %scatter3A_949 = tpu.memref_slice %arg9[%scatter3A_947, %scatter3A_948] : memref<200x64xf32, #tpu.memory_space<vmem>> -> memref<200x64xf32, #tpu.memory_space<vmem>>
          tpu.vector_store_idx %scatter3A_949[%add3A_935, %add3A_946], %broadcast_in_dim3A_708 masked %eq3A_931 : memref<200x64xf32, #tpu.memory_space<vmem>>[vector<16xi32>, vector<16xi32>], vector<16xf32>, vector<16xi1>
        }
        %scan3A_941 = arith.constant 64 : i32
      } else {
      }
      %mul3A_689 = arith.constant 128 : i32
      %mul3A_690 = arith.muli %add3A, %mul3A_689 : i32
      %add3A_691 = arith.addi %mul3A_690, %add3A_547 : i32
      %dma_start3A_692 = arith.constant 0 : i32
      %dma_start3A_693 = arith.constant 0 : i32
      %dma_start3A_694 = tpu.memref_slice %arg4[%add3A_691, %dma_start3A_692, %dma_start3A_693] : memref<4096x200x64xf32, #tpu.memory_space<hbm>> -> memref<1x200x64xf32, #tpu.memory_space<hbm>>
      %dma_start3A_695 = tpu.memref_squeeze %dma_start3A_694 : memref<1x200x64xf32, #tpu.memory_space<hbm>> -> memref<200x64xf32, #tpu.memory_space<hbm>>
      %dma_start3A_696 = arith.constant 0 : i32
      %dma_start3A_697 = arith.constant 0 : i32
      %dma_start3A_698 = tpu.memref_slice %arg4[%add3A_691, %dma_start3A_696, %dma_start3A_697] : memref<4096x200x64xf32, #tpu.memory_space<hbm>> -> memref<1x200x64xf32, #tpu.memory_space<hbm>>
      %dma_start3A_699 = tpu.memref_squeeze %dma_start3A_698 : memref<1x200x64xf32, #tpu.memory_space<hbm>> -> memref<200x64xf32, #tpu.memory_space<hbm>>
      tpu.enqueue_dma source(%arg9 : memref<200x64xf32, #tpu.memory_space<vmem>>) target(%dma_start3A_699 : memref<200x64xf32, #tpu.memory_space<hbm>>) target_semaphore(%arg18 : memref<!tpu.dma_semaphore, #tpu.memory_space<semaphore_mem>>)
      %add3A_700 = arith.constant 2 : i32
      %add3A_701 = arith.addi %add3A_547, %add3A_700 : i32
      %lt3A_702 = arith.constant 128 : i32
      %lt3A_703 = arith.cmpi slt, %add3A_701, %lt3A_702 : i32
      %convert_element_type3A_704 = arith.extui %lt3A_703 : i1 to i32
      %cond3A_705 = arith.constant 0 : i32
      %cond3A_706 = arith.cmpi ne, %convert_element_type3A_704, %cond3A_705 : i32
      scf.if %cond3A_706 {
        %ge3A = arith.constant 4 : i32
        %ge3A_707 = arith.cmpi sge, %add3A_701, %ge3A : i32
        %convert_element_type3A_708 = arith.extui %ge3A_707 : i1 to i32
        %cond3A_709 = arith.constant 0 : i32
        %cond3A_710 = arith.cmpi ne, %convert_element_type3A_708, %cond3A_709 : i32
        scf.if %cond3A_710 {
          %sub3A = arith.constant 4 : i32
          %sub3A_717 = arith.subi %add3A_701, %sub3A : i32
          %mul3A_718 = arith.constant 128 : i32
          %mul3A_719 = arith.muli %add3A, %mul3A_718 : i32
          %add3A_720 = arith.addi %mul3A_719, %sub3A_717 : i32
          %dma_wait3A_721 = arith.constant 0 : i32
          %dma_wait3A_722 = arith.constant 0 : i32
          %dma_wait3A_723 = tpu.memref_slice %arg4[%add3A_720, %dma_wait3A_721, %dma_wait3A_722] : memref<4096x200x64xf32, #tpu.memory_space<hbm>> -> memref<1x200x64xf32, #tpu.memory_space<hbm>>
          %dma_wait3A_724 = tpu.memref_squeeze %dma_wait3A_723 : memref<1x200x64xf32, #tpu.memory_space<hbm>> -> memref<200x64xf32, #tpu.memory_space<hbm>>
          %dma_wait3A_725 = arith.constant 0 : i32
          %dma_wait3A_726 = arith.constant 0 : i32
          %dma_wait3A_727 = tpu.memref_slice %arg4[%add3A_720, %dma_wait3A_725, %dma_wait3A_726] : memref<4096x200x64xf32, #tpu.memory_space<hbm>> -> memref<1x200x64xf32, #tpu.memory_space<hbm>>
          %dma_wait3A_728 = tpu.memref_squeeze %dma_wait3A_727 : memref<1x200x64xf32, #tpu.memory_space<hbm>> -> memref<200x64xf32, #tpu.memory_space<hbm>>
          tpu.wait_dma2 semaphore(%arg16 : memref<!tpu.dma_semaphore, #tpu.memory_space<semaphore_mem>>) src(%arg7 : memref<200x64xf32, #tpu.memory_space<vmem>>) dst(%dma_wait3A_728 : memref<200x64xf32, #tpu.memory_space<hbm>>)
        } else {
        }
        %dma_start3A_711 = arith.constant 0 : i32
        %dma_start3A_712 = tpu.memref_slice %arg5[%add3A_701, %dma_start3A_711] : memref<128x200xi32, #tpu.memory_space<vmem>> -> memref<1x200xi32, #tpu.memory_space<vmem>>
        %dma_start3A_713 = tpu.memref_squeeze %dma_start3A_712 : memref<1x200xi32, #tpu.memory_space<vmem>> -> memref<200xi32, #tpu.memory_space<vmem>>
        %dma_start3A_714 = arith.constant 0 : i32
        %dma_start3A_715 = arith.constant 0 : i32
        %dma_start3A_716 = tpu.memref_slice %arg3[%dma_start3A_714, %dma_start3A_715] : memref<1000000x64xf32, #tpu.memory_space<hbm>> -> memref<1000000x64xf32, #tpu.memory_space<hbm>>
        tpu.enqueue_indirect_dma source(%dma_start3A_716 : memref<1000000x64xf32, #tpu.memory_space<hbm>>) target(%arg7 : memref<200x64xf32, #tpu.memory_space<vmem>>) offsets(%dma_start3A_713 : memref<200xi32, #tpu.memory_space<vmem>>) semaphore(%arg12 : memref<!tpu.dma_semaphore, #tpu.memory_space<semaphore_mem>>)
      } else {
      }
    }
    %scan3A_18 = arith.constant 32 : i32
    %mul3A_19 = arith.constant 128 : i32
    %mul3A_20 = arith.muli %add3A, %mul3A_19 : i32
    %add3A_21 = arith.constant 124 : i32
    %add3A_22 = arith.addi %mul3A_20, %add3A_21 : i32
    %dma_wait3A = arith.constant 0 : i32
    %dma_wait3A_23 = arith.constant 0 : i32
    %dma_wait3A_24 = tpu.memref_slice %arg4[%add3A_22, %dma_wait3A, %dma_wait3A_23] : memref<4096x200x64xf32, #tpu.memory_space<hbm>> -> memref<1x200x64xf32, #tpu.memory_space<hbm>>
    %dma_wait3A_25 = tpu.memref_squeeze %dma_wait3A_24 : memref<1x200x64xf32, #tpu.memory_space<hbm>> -> memref<200x64xf32, #tpu.memory_space<hbm>>
    %dma_wait3A_26 = arith.constant 0 : i32
    %dma_wait3A_27 = arith.constant 0 : i32
    %dma_wait3A_28 = tpu.memref_slice %arg4[%add3A_22, %dma_wait3A_26, %dma_wait3A_27] : memref<4096x200x64xf32, #tpu.memory_space<hbm>> -> memref<1x200x64xf32, #tpu.memory_space<hbm>>
    %dma_wait3A_29 = tpu.memref_squeeze %dma_wait3A_28 : memref<1x200x64xf32, #tpu.memory_space<hbm>> -> memref<200x64xf32, #tpu.memory_space<hbm>>
    tpu.wait_dma2 semaphore(%arg15 : memref<!tpu.dma_semaphore, #tpu.memory_space<semaphore_mem>>) src(%arg6 : memref<200x64xf32, #tpu.memory_space<vmem>>) dst(%dma_wait3A_29 : memref<200x64xf32, #tpu.memory_space<hbm>>)
    %mul3A_30 = arith.constant 128 : i32
    %mul3A_31 = arith.muli %add3A, %mul3A_30 : i32
    %add3A_32 = arith.constant 125 : i32
    %add3A_33 = arith.addi %mul3A_31, %add3A_32 : i32
    %dma_wait3A_34 = arith.constant 0 : i32
    %dma_wait3A_35 = arith.constant 0 : i32
    %dma_wait3A_36 = tpu.memref_slice %arg4[%add3A_33, %dma_wait3A_34, %dma_wait3A_35] : memref<4096x200x64xf32, #tpu.memory_space<hbm>> -> memref<1x200x64xf32, #tpu.memory_space<hbm>>
    %dma_wait3A_37 = tpu.memref_squeeze %dma_wait3A_36 : memref<1x200x64xf32, #tpu.memory_space<hbm>> -> memref<200x64xf32, #tpu.memory_space<hbm>>
    %dma_wait3A_38 = arith.constant 0 : i32
    %dma_wait3A_39 = arith.constant 0 : i32
    %dma_wait3A_40 = tpu.memref_slice %arg4[%add3A_33, %dma_wait3A_38, %dma_wait3A_39] : memref<4096x200x64xf32, #tpu.memory_space<hbm>> -> memref<1x200x64xf32, #tpu.memory_space<hbm>>
    %dma_wait3A_41 = tpu.memref_squeeze %dma_wait3A_40 : memref<1x200x64xf32, #tpu.memory_space<hbm>> -> memref<200x64xf32, #tpu.memory_space<hbm>>
    tpu.wait_dma2 semaphore(%arg16 : memref<!tpu.dma_semaphore, #tpu.memory_space<semaphore_mem>>) src(%arg7 : memref<200x64xf32, #tpu.memory_space<vmem>>) dst(%dma_wait3A_41 : memref<200x64xf32, #tpu.memory_space<hbm>>)
    %mul3A_42 = arith.constant 128 : i32
    %mul3A_43 = arith.muli %add3A, %mul3A_42 : i32
    %add3A_44 = arith.constant 126 : i32
    %add3A_45 = arith.addi %mul3A_43, %add3A_44 : i32
    %dma_wait3A_46 = arith.constant 0 : i32
    %dma_wait3A_47 = arith.constant 0 : i32
    %dma_wait3A_48 = tpu.memref_slice %arg4[%add3A_45, %dma_wait3A_46, %dma_wait3A_47] : memref<4096x200x64xf32, #tpu.memory_space<hbm>> -> memref<1x200x64xf32, #tpu.memory_space<hbm>>
    %dma_wait3A_49 = tpu.memref_squeeze %dma_wait3A_48 : memref<1x200x64xf32, #tpu.memory_space<hbm>> -> memref<200x64xf32, #tpu.memory_space<hbm>>
    %dma_wait3A_50 = arith.constant 0 : i32
    %dma_wait3A_51 = arith.constant 0 : i32
    %dma_wait3A_52 = tpu.memref_slice %arg4[%add3A_45, %dma_wait3A_50, %dma_wait3A_51] : memref<4096x200x64xf32, #tpu.memory_space<hbm>> -> memref<1x200x64xf32, #tpu.memory_space<hbm>>
    %dma_wait3A_53 = tpu.memref_squeeze %dma_wait3A_52 : memref<1x200x64xf32, #tpu.memory_space<hbm>> -> memref<200x64xf32, #tpu.memory_space<hbm>>
    tpu.wait_dma2 semaphore(%arg17 : memref<!tpu.dma_semaphore, #tpu.memory_space<semaphore_mem>>) src(%arg8 : memref<200x64xf32, #tpu.memory_space<vmem>>) dst(%dma_wait3A_53 : memref<200x64xf32, #tpu.memory_space<hbm>>)
    %mul3A_54 = arith.constant 128 : i32
    %mul3A_55 = arith.muli %add3A, %mul3A_54 : i32
    %add3A_56 = arith.constant 127 : i32
    %add3A_57 = arith.addi %mul3A_55, %add3A_56 : i32
    %dma_wait3A_58 = arith.constant 0 : i32
    %dma_wait3A_59 = arith.constant 0 : i32
    %dma_wait3A_60 = tpu.memref_slice %arg4[%add3A_57, %dma_wait3A_58, %dma_wait3A_59] : memref<4096x200x64xf32, #tpu.memory_space<hbm>> -> memref<1x200x64xf32, #tpu.memory_space<hbm>>
    %dma_wait3A_61 = tpu.memref_squeeze %dma_wait3A_60 : memref<1x200x64xf32, #tpu.memory_space<hbm>> -> memref<200x64xf32, #tpu.memory_space<hbm>>
    %dma_wait3A_62 = arith.constant 0 : i32
    %dma_wait3A_63 = arith.constant 0 : i32
    %dma_wait3A_64 = tpu.memref_slice %arg4[%add3A_57, %dma_wait3A_62, %dma_wait3A_63] : memref<4096x200x64xf32, #tpu.memory_space<hbm>> -> memref<1x200x64xf32, #tpu.memory_space<hbm>>
    %dma_wait3A_65 = tpu.memref_squeeze %dma_wait3A_64 : memref<1x200x64xf32, #tpu.memory_space<hbm>> -> memref<200x64xf32, #tpu.memory_space<hbm>>
    tpu.wait_dma2 semaphore(%arg18 : memref<!tpu.dma_semaphore, #tpu.memory_space<semaphore_mem>>) src(%arg9 : memref<200x64xf32, #tpu.memory_space<vmem>>) dst(%dma_wait3A_65 : memref<200x64xf32, #tpu.memory_space<hbm>>)
    return
  }
}

</mosaic_0001>

<sc_bundles>
// kernel: kernel.3.cloned.1.call-start
scs
__scs_entry_jumppad:
0x0: {  	(pc) =	sbr.rel $0x88, $3  }
0x1: {  	(tag) =	ssettag $0x0;
	lr =	simm.s32 $0x1  }
0x2: {  	[smem:$0x3F9F] =	sst lr;
	_ =	strace $0xD0000000  }
0x3: {  	_ = 	snop  }
0x4: {  	_ = 	snop  }
0x5: {  	_ = 	snop  }
0x6: {  	_ = 	snop  }
0x7: {  	_ = 	snop  }
__scs_overlays_trampoline_lowered:
0x8: {  	[smem:$0x3FAE] =	sst s0  }
0x9: {  	[smem:$0x3FAF] =	sst s1  }
0xa: {  	[smem:$0x3FB0] =	sst s2  }
0xb: {  	[smem:$0x3FB1] =	sst s3  }
0xc: {  	[smem:$0x3FB2] =	sst s4  }
0xd: {  	[smem:$0x3FB3] =	sst s5  }
0xe: {  	[smem:$0x3FB4] =	sst s6  }
0xf: {  	[smem:$0x3FB5] =	sst s7  }
0x10: {  	[smem:$0x3FB6] =	sst s8  }
0x11: {  	[smem:$0x3FB7] =	sst s9;
	s0 =	simm.s32 @!p0 $0x0  }
0x12: {  	s1 =	sld [smem:$0x3F9D];
	s0 =	simm.s32 @p0 $0x1  }
0x13: {  	[smem:$0x3FB8] =	sst s0;
	s0 =	simm.s32 @!p1 $0x0  }
0x14: {  	s2 =	sld [smem:$0x3F9C];
	s0 =	simm.s32 @p1 $0x1  }
0x15: {  	[smem:$0x3FB9] =	sst s0;
	s0 =	simm.s32 @!p2 $0x0  }
0x16: {  	s3 =	sld [smem:$0x3FDB];
	s0 =	simm.s32 @p2 $0x1  }
0x17: {  	s4 =	simm.s32 $0x1BF5;
	[smem:$0x3FBB] =	sst s0  }
0x18: {  	s0 =	sld [smem:$0x3F9E];
	_ =	swait.ge [sflag:s4], $0x0  }
0x19: {  	s7 =	sld [smem:$0x3F9F]  }
0x1a: {  	s8 =	sadd.s32 $0xFFFFE003, lr  }
0x1b: {  	s9 =	sadd.s32 $0xFFFFFEF7, lr;
	s5 =	simm.s32 $0xFFFFFFFF;
	p2 =	slt.u32 s8, $0xFFFFF086  }
0x1c: {  	p1 =	slt.u32 s9, $0xF7A;
	s5 =	simm.s32 @!p2 $0x0  }
0x1d: {  	s5 =	simm.s32 @p1 $0x1;
	p0 =	seq.s32 s7, s2  }
0x1e: {  	s7 =	smul.u32 @!p0 $0xF7A, s2;
	p2 =	seq.s32 @!p0 s5, $0x0  }
0x1f: {  	s9 =	smul.u32 $0xF7A, s1;
	s8 =	simm.s32 @!p0 $0x1BF5;
	p2 =	por !p2, p0  }
0x20: {  	[sflag:s8] =	ssyncset.s32 @!p0 $0xFFFFF086;
	s6 =	sadd.s32 @!p0 s3, s7;
	s7 =	simm.s32 @!p0 $0x108  }
0x21: {  	s3 =	sadd.s32 s3, s9;
	s6 =	sadd.s32 @!p0 $0x88, s6;
	s7 =	simm.s32 @p2 $0x1082  }
0x22: {  	[simem:s7], [sflag:s8] =	dma.local @!p0 [hbm:s6], $0xF7A  }
0x23: {  	s9 =	sor.u32 $0xD0000000, s2;
	s6 =	simm.s32 $0x108;
	_ =	swait.ge @!p0 [sflag:s8], $0x0  }
0x24: {  	s3 =	sadd.s32 $0x88, s3;
	s6 =	simm.s32 @!p1 $0x1082;
	[sflag:s4] =	ssyncset.s32 $0xFFFFF086  }
0x25: {  	[simem:s6], [sflag:s4] =	dma.local [hbm:s3], $0xF7A  }
0x26: {  	[smem:$0x3F9F] =	sst s1;
	(tag) =	ssettag s2;
	_ =	strace s9  }
0x27: {  	s1 =	sld [smem:$0x3FAF]  }
0x28: {  	s2 =	sld [smem:$0x3FB0]  }
0x29: {  	s4 =	sld [smem:$0x3FB2]  }
0x2a: {  	p0 =	seq.s32 s5, $0x0;
	s5 =	sld [smem:$0x3FB3]  }
0x2b: {  	s6 =	sld [smem:$0x3FB4]  }
0x2c: {  	s7 =	sld [smem:$0x3FB5]  }
0x2d: {  	s3 =	simm.s32 $0x108;
	s8 =	sld [smem:$0x3FB6]  }
0x2e: {  	s3 =	simm.s32 @!p0 $0x1082;
	s9 =	sld [smem:$0x3FB7]  }
0x2f: {  	lr =	sadd.s32 s0, s3;
	s0 =	sld [smem:$0x3FAE]  }
0x30: {  	s3 =	sld [smem:$0x3FB1]  }
0x31: {  	[smem:$0x3FBA] =	sst s10  }
0x32: {  	s10 =	sld [smem:$0x3FB8];
	_ =	sdelay $0x3  }
0x33: {  	p0 =	seq.s32 s10, $0x1;
	s10 =	sld [smem:$0x3FBA];
	_ =	sdelay $0x3  }
0x34: {  	[smem:$0x3FBA] =	sst s10  }
0x35: {  	s10 =	sld [smem:$0x3FB9];
	_ =	sdelay $0x3  }
0x36: {  	p1 =	seq.s32 s10, $0x1;
	s10 =	sld [smem:$0x3FBA];
	_ =	sdelay $0x3  }
0x37: {  	[smem:$0x3FBA] =	sst s10  }
0x38: {  	s10 =	sld [smem:$0x3FBB]  }
0x39: {  	_ = 	snop;
	(pc) =	sbr.ind lr, $3  }
0x3a: {  	_ = 	snop  }
0x3b: {  	_ = 	snop  }
0x3c: {  	p2 =	seq.s32 s10, $0x1;
	s10 =	sld [smem:$0x3FBA]  }
0x3d: {  	_ =	shalt  }
0x3e: {  	_ =	shalt  }
0x3f: {  	_ =	shalt  }
0x40: {  	_ =	shalt  }
0x41: {  	_ =	shalt  }
0x42: {  	_ =	shalt  }
0x43: {  	_ =	shalt  }
0x44: {  	_ =	shalt  }
0x45: {  	_ =	shalt  }
0x46: {  	_ =	shalt  }
0x47: {  	_ =	shalt  }
0x48: {  	_ =	shalt  }
0x49: {  	_ =	shalt  }
0x4a: {  	_ =	shalt  }
0x4b: {  	_ =	shalt  }
0x4c: {  	_ =	shalt  }
0x4d: {  	_ =	shalt  }
0x4e: {  	_ =	shalt  }
0x4f: {  	_ =	shalt  }
0x50: {  	_ =	shalt  }
0x51: {  	_ =	shalt  }
0x52: {  	_ =	shalt  }
0x53: {  	_ =	shalt  }
0x54: {  	_ =	shalt  }
0x55: {  	_ =	shalt  }
0x56: {  	_ =	shalt  }
0x57: {  	_ =	shalt  }
0x58: {  	_ =	shalt  }
0x59: {  	_ =	shalt  }
0x5a: {  	_ =	shalt  }
0x5b: {  	_ =	shalt  }
0x5c: {  	_ =	shalt  }
0x5d: {  	_ =	shalt  }
0x5e: {  	_ =	shalt  }
0x5f: {  	_ =	shalt  }
0x60: {  	_ =	shalt  }
0x61: {  	_ =	shalt  }
0x62: {  	_ =	shalt  }
0x63: {  	_ =	shalt  }
0x64: {  	_ =	shalt  }
0x65: {  	_ =	shalt  }
0x66: {  	_ =	shalt  }
0x67: {  	_ =	shalt  }
0x68: {  	_ =	shalt  }
0x69: {  	_ =	shalt  }
0x6a: {  	_ =	shalt  }
0x6b: {  	_ =	shalt  }
0x6c: {  	_ =	shalt  }
0x6d: {  	_ =	shalt  }
0x6e: {  	_ =	shalt  }
0x6f: {  	_ =	shalt  }
0x70: {  	_ =	shalt  }
0x71: {  	_ =	shalt  }
0x72: {  	_ =	shalt  }
0x73: {  	_ =	shalt  }
0x74: {  	_ =	shalt  }
0x75: {  	_ =	shalt  }
0x76: {  	_ =	shalt  }
0x77: {  	_ =	shalt  }
0x78: {  	_ =	shalt  }
0x79: {  	_ =	shalt  }
0x7a: {  	_ =	shalt  }
0x7b: {  	_ =	shalt  }
0x7c: {  	_ =	shalt  }
0x7d: {  	_ =	shalt  }
0x7e: {  	_ =	shalt  }
0x7f: {  	_ =	shalt  }
0x80: {  	_ =	shalt  }
0x81: {  	_ =	shalt  }
0x82: {  	_ =	shalt  }
0x83: {  	_ =	shalt  }
0x84: {  	_ =	shalt  }
0x85: {  	_ =	shalt  }
0x86: {  	_ =	shalt  }
0x87: {  	_ =	shalt  }
.Lfunc_end0:
.L_simem_size_0:
called_computation.1_lowered:
.L_overlay_start_0:
0x88: {  	s2 =	sld [smem:$0x3FD9]  }
0x89: {  	s3 =	sld [smem:$0x3FFE];
	_ =	sdelay $0x1  }
0x8a: {  	s1 =	srdreg.scid  }
0x8b: {  	s0 =	sand.u32 $0x1, s1  }
0x8c: {  	s17 =	sshll.u32 s0, $0xA;
	s2 =	sadd.s32 s3, s2  }
0x8d: {  	s2 =	sadd.s32 s2, s17  }
0x8e: {  	[smem:$0x3FC6] =	sst s2  }
0x8f: {  	_ = 	snop  }
0x90: {  	s2 =	sld [smem:$0x3FD0];
	(tm) =	ssettm $0x1  }
0x91: {  	s18 =	sld [smem:$0x3FFB];
	_ =	sdelay $0x3  }
0x92: {  	_ =	strace s18  }
0x93: {  	s3 =	sld [smem:$0x3FFC];
	_ =	sdelay $0x3  }
0x94: {  	_ =	strace s3  }
0x95: {  	s3 =	sld [smem:$0x3FFD];
	_ =	sdelay $0x3  }
0x96: {  	_ =	strace s3  }
0x97: {  	_ =	strace $0x8FFFFFFF  }
0x98: {  	s19 =	sld [smem:$0x3FDB];
	_ =	sdelay $0x1  }
0x99: {  	s4 =	simm.s32 $_scs_section_size  }
0x9a: {  	s5 =	simm.s32 $_size__tile_overlayer_lowered;
	s6 =	simm.s32 $_tile_overlayer_lowered  }
0x9b: {  	s22 =	simm.s32 $0x1BFF;
	s21 =	sshll.u32 s6, $0x1;
	s3 =	sadd.s32 s4, s19  }
0x9c: {  	s7 =	simm.s32 $0x0;
	s20 =	sshll.u32 s5, $0x1;
	s5 =	sadd.s32 s21, s3  }
0x9d: {  	[timem:s7], [sflag:s22] =	dma.local [hbm:s5], s20  }
0x9e: {  	_ =	swait.ge [sflag:s22], s20  }
0x9f: {  	s4 =	ssub.s32 $0x0, s20;
	[sflag:s22] =	ssyncset.done $0x0  }
0xa0: {  	[sflag:s22] =	ssyncadd.s32 s4;
	_ =	sdelay $0x1  }
0xa1: {  	s23 =	simm.s32 $0x1B8B  }
0xa2: {  	_ =	swait.ge [sflag:s23], $0x1  }
0xa3: {  	[sflag:s23] =	ssyncset.done $0x0  }
0xa4: {  	s25 =	simm.s32 $0x1B8E;
	s24 =	sld [smem:$0x3FFE];
	[sflag:s23] =	ssyncadd.s32 $0xFFFFFFFF  }
0xa5: {  	s26 =	simm.s32 $execute0_lowered;
	[smem:$0x3FD2] =	sst s25  }
0xa6: {  	s5 =	sshll.u32 s26, $0x1;
	_ =	strace $0x80000046;
	[dreg:$0x1] =	wrdreg $0xFFFFFFFF  }
0xa7: {  	s28 =	simm.s32 $_size_execute0_lowered;
	s3 =	sadd.s32 s3, s5;
	[dreg:$0x0] =	wrdreg $0x0  }
0xa8: {  	s5 =	sshll.u32 s28, $0x1;
	[dreg:$0x2] =	wrdreg s3  }
0xa9: {  	[dreg:$0x3] =	wrdreg s5  }
0xaa: {  	[dreg:$0x4] =	wrdreg $0xC0  }
0xab: {  	_ =	task [dreg:s7], $0x5FFFF  }
0xac: {  	[dreg:$0x1] =	wrdreg $0xFFFFFFFF  }
0xad: {  	[dreg:$0x0] =	wrdreg $0x60  }
0xae: {  	[dreg:$0x2] =	wrdreg s24  }
0xaf: {  	[dreg:$0x3] =	wrdreg s2  }
0xb0: {  	[dreg:$0x4] =	wrdreg $0x9  }
0xb1: {  	_ =	task.clear_ibuf [dreg:s7], $0x5FFFF;
	_ =	strace $0x90000046  }
0xb2: {  	s29 =	simm.s32 $0x9;
	_ =	strace $0x80000048  }
0xb3: {  	_ =	swait.ge [sflag:s29], $0x1  }
0xb4: {  	[sflag:s29] =	ssyncadd.s32 $0xFFFFFFFF  }
0xb5: {  	_ =	strace $0x90000048  }
0xb6: {  	_ =	sfence  }
0xb7: {  	s30 =	sld [smem:$0x0];
	_ =	sdelay $0x2  }
0xb8: {  	s31 =	sshll.u32 s1, $0xD;
	s1 =	sshrl.u32 s1, $0x2  }
0xb9: {  	s3 =	sand.u32 $0x4000, s31;
	s1 =	sadd.s32 s1, s30  }
0xba: {  	s0 =	sor.u32 s3, s0;
	s1 =	sshll.u32 s1, $0x11  }
0xbb: {  	s0 =	sor.u32 s1, s0  }
0xbc: {  	s0 =	sadd.s32 $0x8F2B, s0  }
0xbd: {  	[sflag:s0] =	ssyncadd.remote.s32 $0x1  }
0xbe: {  	_ =	sfence.sel $0xFFFF  }
0xbf: {  	[dreg:$0x0] =	wrdreg $0xFFFFFFFF;
	(pc) =	sbr.abs _section_cstart, $3  }
0xc0: {  	[dreg:$0x1] =	wrdreg $0xFFFFFFFF  }
0xc1: {  	_ =	task.clear_ibuf [dreg:s7], $0x2FFFF;
	_ =	strace $0x9FFFFFFF  }
0xc2: {  	(tm) =	ssettm $0x7FFFFFFF  }
0xc3: {  	_ =	shalt  }
tec
execute0_lowered:
.L_overlay_start_1:
0x0: {  	(tag) =	ssettag $0x1  }
0x1: {  	s1 =	srdreg.scid  }
0x2: {  	s0 =	stileid.u32;
	s4 =	rddreg [dreg:$0x0]  }
0x3: {  	s2 =	rddreg [dreg:$0x1];
	s8 =	simm.s32 $0x9;
	s9 =	simm.s32 $0xC8  }
0x4: {  	s10 =	simm.s32 $0x6400;
	s11 =	simm.s32 $0x9600;
	s12 =	simm.s32 $0x1  }
0x5: {  	s13 =	simm.s32 $0x12C00;
	s14 =	simm.s32 $0xC800;
	s15 =	simm.s32 $0x2  }
0x6: {  	s16 =	simm.s32 $0xFA00;
	s17 =	simm.s32 $0x3;
	s18 =	simm.s32 $0x4  }
0x7: {  	v0 =	vlaneseq.u32;
	s19 =	simm.s32 $0x5;
	s20 =	simm.s32 $0x6;
	s21 =	simm.s32 $0x7  }
0x8: {  	s22 =	simm.s32 $0x8;
	s1 =	sand.u32 $0x1, s1;
	s3 =	sshll.u32 s0, $0x1;
	v0 =	vmul.u32 $0x40, v0  }
.Ltmp0:
0x9: {  	v1 =	vimm.s32 $0x0;
	v2 =	vimm.s32 $0x1;
	v3 =	vimm.f32 $0.0e+00;
	s23 =	simm.s32 $0x0;
	s6 =	sor.u32 s1, s3;
	(pc) =	sbr.rel .LBB2_1-.Ltmp0, $4  }
0xa: {  	s3 =	simm.s32 $0x0;
	s1 =	ssub.s32 $0x2, s1;
	s5 =	smul.u32 $0xC80, s6;
	v4 =	vor.u32 $0x400, v0;
	v5 =	vor.u32 $0x800, v0;
	v6 =	vor.u32 $0xC00, v0  }
0xb: {  	[smem:$0x7FF] =	sst s3;
	s7 =	sshrl.u32 s1, $0x1;
	s6 =	sshll.u32 s6, $0x7;
	v7 =	vor.u32 $0x1000, v0;
	v8 =	vor.u32 $0x1400, v0;
	v9 =	vor.u32 $0x1800, v0  }
0xc: {  	v10 =	vor.u32 $0x1C00, v0;
	v11 =	vor.u32 $0x2000, v0;
	v12 =	vor.u32 $0x2400, v0;
	_ =	strace $0x80000047;
	s1 =	ssub.s32 s1, s7;
	s5 =	sadd.s32 s5, s4  }
0xd: {  	v13 =	vor.u32 $0x2800, v0;
	v14 =	vor.u32 $0x2C00, v0;
	v15 =	vadd.s32 $0x2E00, v0;
	s4 =	sadd.s32 $0xF42E00, s4;
	s7 =	smax.u32 s1, $0x1;
	s5 =	sadd.s32 $0xA00, s5  }
.LBB2_116:
0xe: {  	_ =	swait.ge [sflag:s19], $0x3200  }
0xf: {  	[sflag:s19] =	ssyncset.done $0x0  }
0x10: {  	[sflag:s19] =	ssyncadd.s32 $0xFFFFCE00  }
0x11: {  	_ =	swait.ge [sflag:s20], $0x3200  }
0x12: {  	[sflag:s20] =	ssyncset.done $0x0  }
0x13: {  	s23 =	sadd.s32 $0x1, s23;
	[sflag:s20] =	ssyncadd.s32 $0xFFFFCE00  }
0x14: {  	p0 =	sne.s32 s23, s7;
	_ =	swait.ge [sflag:s21], $0x3200  }
.Ltmp1:
0x15: {  	[sflag:s21] =	ssyncset.done $0x0;
	(pc) =	sbr.rel @!p0 .LBB2_117-.Ltmp1, $4  }
0x16: {  	[sflag:s21] =	ssyncadd.s32 $0xFFFFCE00  }
0x17: {  	_ =	swait.ge [sflag:s22], $0x3200  }
0x18: {  	[sflag:s22] =	ssyncset.done $0x0  }
0x19: {  	[sflag:s22] =	ssyncadd.s32 $0xFFFFCE00  }
.LBB2_1:
0x1a: {  	[tilespmem:s3], [sflag:$0x9] =	stream.linear.gather [hbm4b:s5+s3], $0x6400, $0x38;
	[tilespmem:$0x12C10] =	vst v63  }
0x1b: {  	_ =	swait.ge [sflag:s8], $0x6400  }
0x1c: {  	[sflag:s8] =	ssyncset.done $0x0  }
0x1d: {  	[sflag:s8] =	ssyncadd.s32 $0xFFFF9C00  }
0x1e: {  	[tilespmem:s10], [sflag:$0x1] =	stream.indirect.gather [hbm4b:s4+s9], $0x40, s3, s9, $0xb8;
	[tilespmem:$0x12C10] =	vst v63  }
0x1f: {  	s24 =	simm.s32 $0x0  }
0x20: {  	[tilespmem:s11], [sflag:$0x2] =	stream.indirect.gather [hbm4b:s4+s9], $0x40, s9, s9, $0xb8;
	[tilespmem:$0x12C10] =	vst v63  }
.LBB2_2:
0x21: {  	_ =	swait.ge [sflag:s12], $0x3200;
	s1 =	smul.u32 $0xC80, s24  }
0x22: {  	[sflag:s12] =	ssyncset.done $0x0  }
0x23: {  	[sflag:s12] =	ssyncadd.s32 $0xFFFFCE00;
	s25 =	sshra.s32 s1, $0x2  }
0x24: {  	v16 =	vld [tilespmem:s25+$0x0]  }
0x25: {  	v17 =	vld [tilespmem:s25+$0x10]  }
0x26: {  	v18 =	vld [tilespmem:s25+$0x20]  }
0x27: {  	v19 =	vld [tilespmem:s25+$0x30]  }
0x28: {  	v20 =	vld [tilespmem:s25+$0x40]  }
0x29: {  	v21 =	vld [tilespmem:s25+$0x50]  }
0x2a: {  	vm0 =	veq.s32 v16, $0x0;
	vm1 =	veq.s32 v17, $0x0;
	v16 =	vld [tilespmem:s25+$0x60]  }
0x2b: {  	vm5 =	veq.s32 v18, $0x0;
	v17 =	vld [tilespmem:s25+$0x70];
	vm0 =	vmor vm0, vm1  }
0x2c: {  	v61 =	vld [tilespmem:s25+$0x80];
	vm6 =	veq.s32 v19, $0x0;
	vm0 =	vmor vm0, vm5  }
0x2d: {  	v62 =	vld [tilespmem:s25+$0x90];
	vm7 =	veq.s32 v20, $0x0;
	vm0 =	vmor vm0, vm6  }
0x2e: {  	v63 =	vld [tilespmem:s25+$0xA0];
	vm8 =	veq.s32 v21, $0x0;
	vm0 =	vmor vm0, vm7  }
0x2f: {  	vm0 =	vmor vm0, vm8;
	vm9 =	veq.s32 v16, $0x0;
	v16 =	vld [tilespmem:s25+$0xB0]  }
0x30: {  	vm10 =	veq.s32 v17, $0x0;
	v17 =	vld [tilespmem:s25+$0xB8];
	vm0 =	vmor vm0, vm9  }
0x31: {  	vm11 =	veq.s32 v61, $0x0;
	vm0 =	vmor vm0, vm10  }
0x32: {  	vm12 =	veq.s32 v62, $0x0;
	vm0 =	vmor vm0, vm11  }
0x33: {  	vm13 =	veq.s32 v63, $0x0;
	vm0 =	vmor vm0, vm12  }
0x34: {  	vm0 =	vmor vm0, vm13;
	vm14 =	veq.s32 v16, $0x0  }
0x35: {  	vm15 =	veq.s32 v17, $0x0;
	vm0 =	vmor vm0, vm14  }
0x36: {  	vm0 =	vmor vm0, vm15;
	_ =	sdelay $0x4  }
0x37: {  	[tilespmem:$0x12C00] =	vst v1  }
0x38: {  	[tilespmem:v1+s13+$0x0] =	vst.idx.msk vm0, v2  }
0x39: {  	v16 =	vld [tilespmem:$0x12C00];
	_ =	sdelay $0x4  }
0x3a: {  	(v2sf) =	vpush v16, $0x0;
	_ =	sdelay $0xe  }
0x3b: {  	s31 =	spop (v2sf)  }
0x3c: {  	p0 =	seq.s32 s31, $0x0  }
.Ltmp2:
0x3d: {  	_ = 	snop;
	(pc) =	sbr.rel @p0 .LBB2_30-.Ltmp2, $1  }
0x3e: {  	_ =	sdelay $0x3  }
0x3f: {  	v16 =	vld [tilespmem:s25+$0x0]  }
0x40: {  	s1 =	simm.s32 $0x0  }
0x41: {  	v17 =	vmov s1  }
0x42: {  	v17 =	vand.u32 $0x3F, v17  }
0x43: {  	v17 =	vbroadcast v17, $0x0  }
0x44: {  	vm0 =	veq.s32 v16, $0x0  }
0x45: {  	s26 =	simm.s32 $0x1;
	v16 =	vor.u32 v0, v17  }
.LBB2_4:
0x46: {  	p0 =	sne.s32 s26, $0x3F  }
.Ltmp3:
0x47: {  	v17 =	vmov s26;
	s26 =	sadd.s32 $0x1, s26;
	(pc) =	sbr.rel @p0 .LBB2_4-.Ltmp3, $4  }
0x48: {  	v17 =	vand.u32 $0x3F, v17  }
0x49: {  	v17 =	vbroadcast v17, $0x0  }
0x4a: {  	[tilespmem:v16+s10+$0x0] =	vst.idx.msk vm0, v3  }
0x4b: {  	v16 =	vor.u32 v0, v17  }
0x4c: {  	_ =	sdelay $0x4  }
0x4d: {  	[tilespmem:v16+s10+$0x0] =	vst.idx.msk vm0, v3  }
0x4e: {  	v16 =	vld [tilespmem:s25+$0x10]  }
0x4f: {  	s1 =	simm.s32 $0x0  }
0x50: {  	v17 =	vmov s1  }
0x51: {  	v17 =	vand.u32 $0x3F, v17  }
0x52: {  	v17 =	vbroadcast v17, $0x0  }
0x53: {  	vm0 =	veq.s32 v16, $0x0  }
0x54: {  	s26 =	simm.s32 $0x1;
	v16 =	vor.u32 v4, v17  }
.LBB2_6:
0x55: {  	p0 =	sne.s32 s26, $0x3F  }
.Ltmp4:
0x56: {  	v17 =	vmov s26;
	s26 =	sadd.s32 $0x1, s26;
	(pc) =	sbr.rel @p0 .LBB2_6-.Ltmp4, $4  }
0x57: {  	v17 =	vand.u32 $0x3F, v17  }
0x58: {  	v17 =	vbroadcast v17, $0x0  }
0x59: {  	[tilespmem:v16+s10+$0x0] =	vst.idx.msk vm0, v3  }
0x5a: {  	v16 =	vor.u32 v4, v17  }
0x5b: {  	_ =	sdelay $0x4  }
0x5c: {  	[tilespmem:v16+s10+$0x0] =	vst.idx.msk vm0, v3  }
0x5d: {  	v16 =	vld [tilespmem:s25+$0x20]  }
0x5e: {  	s1 =	simm.s32 $0x0  }
0x5f: {  	v17 =	vmov s1  }
0x60: {  	v17 =	vand.u32 $0x3F, v17  }
0x61: {  	v17 =	vbroadcast v17, $0x0  }
0x62: {  	vm0 =	veq.s32 v16, $0x0  }
0x63: {  	s26 =	simm.s32 $0x1;
	v16 =	vor.u32 v5, v17  }
.LBB2_8:
0x64: {  	p0 =	sne.s32 s26, $0x3F  }
.Ltmp5:
0x65: {  	v17 =	vmov s26;
	s26 =	sadd.s32 $0x1, s26;
	(pc) =	sbr.rel @p0 .LBB2_8-.Ltmp5, $4  }
0x66: {  	v17 =	vand.u32 $0x3F, v17  }
0x67: {  	v17 =	vbroadcast v17, $0x0  }
0x68: {  	[tilespmem:v16+s10+$0x0] =	vst.idx.msk vm0, v3  }
0x69: {  	v16 =	vor.u32 v5, v17  }
0x6a: {  	_ =	sdelay $0x4  }
0x6b: {  	[tilespmem:v16+s10+$0x0] =	vst.idx.msk vm0, v3  }
0x6c: {  	v16 =	vld [tilespmem:s25+$0x30]  }
0x6d: {  	s1 =	simm.s32 $0x0  }
0x6e: {  	v17 =	vmov s1  }
0x6f: {  	v17 =	vand.u32 $0x3F, v17  }
0x70: {  	v17 =	vbroadcast v17, $0x0  }
0x71: {  	vm0 =	veq.s32 v16, $0x0  }
0x72: {  	s26 =	simm.s32 $0x1;
	v16 =	vor.u32 v6, v17  }
.LBB2_10:
0x73: {  	p0 =	sne.s32 s26, $0x3F  }
.Ltmp6:
0x74: {  	v17 =	vmov s26;
	s26 =	sadd.s32 $0x1, s26;
	(pc) =	sbr.rel @p0 .LBB2_10-.Ltmp6, $4  }
0x75: {  	v17 =	vand.u32 $0x3F, v17  }
0x76: {  	v17 =	vbroadcast v17, $0x0  }
0x77: {  	[tilespmem:v16+s10+$0x0] =	vst.idx.msk vm0, v3  }
0x78: {  	v16 =	vor.u32 v6, v17  }
0x79: {  	_ =	sdelay $0x4  }
0x7a: {  	[tilespmem:v16+s10+$0x0] =	vst.idx.msk vm0, v3  }
0x7b: {  	v16 =	vld [tilespmem:s25+$0x40]  }
0x7c: {  	s1 =	simm.s32 $0x0  }
0x7d: {  	v17 =	vmov s1  }
0x7e: {  	v17 =	vand.u32 $0x3F, v17  }
0x7f: {  	v17 =	vbroadcast v17, $0x0  }
0x80: {  	vm0 =	veq.s32 v16, $0x0  }
0x81: {  	s26 =	simm.s32 $0x1;
	v16 =	vor.u32 v7, v17  }
.LBB2_12:
0x82: {  	p0 =	sne.s32 s26, $0x3F  }
.Ltmp7:
0x83: {  	v17 =	vmov s26;
	s26 =	sadd.s32 $0x1, s26;
	(pc) =	sbr.rel @p0 .LBB2_12-.Ltmp7, $4  }
0x84: {  	v17 =	vand.u32 $0x3F, v17  }
0x85: {  	v17 =	vbroadcast v17, $0x0  }
0x86: {  	[tilespmem:v16+s10+$0x0] =	vst.idx.msk vm0, v3  }
0x87: {  	v16 =	vor.u32 v7, v17  }
0x88: {  	_ =	sdelay $0x4  }
0x89: {  	[tilespmem:v16+s10+$0x0] =	vst.idx.msk vm0, v3  }
0x8a: {  	v16 =	vld [tilespmem:s25+$0x50]  }
0x8b: {  	s1 =	simm.s32 $0x0  }
0x8c: {  	v17 =	vmov s1  }
0x8d: {  	v17 =	vand.u32 $0x3F, v17  }
0x8e: {  	v17 =	vbroadcast v17, $0x0  }
0x8f: {  	vm0 =	veq.s32 v16, $0x0  }
0x90: {  	s26 =	simm.s32 $0x1;
	v16 =	vor.u32 v8, v17  }
.LBB2_14:
0x91: {  	p0 =	sne.s32 s26, $0x3F  }
.Ltmp8:
0x92: {  	v17 =	vmov s26;
	s26 =	sadd.s32 $0x1, s26;
	(pc) =	sbr.rel @p0 .LBB2_14-.Ltmp8, $4  }
0x93: {  	v17 =	vand.u32 $0x3F, v17  }
0x94: {  	v17 =	vbroadcast v17, $0x0  }
0x95: {  	[tilespmem:v16+s10+$0x0] =	vst.idx.msk vm0, v3  }
0x96: {  	v16 =	vor.u32 v8, v17  }
0x97: {  	_ =	sdelay $0x4  }
0x98: {  	[tilespmem:v16+s10+$0x0] =	vst.idx.msk vm0, v3  }
0x99: {  	v16 =	vld [tilespmem:s25+$0x60]  }
0x9a: {  	s1 =	simm.s32 $0x0  }
0x9b: {  	v17 =	vmov s1  }
0x9c: {  	v17 =	vand.u32 $0x3F, v17  }
0x9d: {  	v17 =	vbroadcast v17, $0x0  }
0x9e: {  	vm0 =	veq.s32 v16, $0x0  }
0x9f: {  	s26 =	simm.s32 $0x1;
	v16 =	vor.u32 v9, v17  }
.LBB2_16:
0xa0: {  	p0 =	sne.s32 s26, $0x3F  }
.Ltmp9:
0xa1: {  	v17 =	vmov s26;
	s26 =	sadd.s32 $0x1, s26;
	(pc) =	sbr.rel @p0 .LBB2_16-.Ltmp9, $4  }
0xa2: {  	v17 =	vand.u32 $0x3F, v17  }
0xa3: {  	v17 =	vbroadcast v17, $0x0  }
0xa4: {  	[tilespmem:v16+s10+$0x0] =	vst.idx.msk vm0, v3  }
0xa5: {  	v16 =	vor.u32 v9, v17  }
0xa6: {  	_ =	sdelay $0x4  }
0xa7: {  	[tilespmem:v16+s10+$0x0] =	vst.idx.msk vm0, v3  }
0xa8: {  	v16 =	vld [tilespmem:s25+$0x70]  }
0xa9: {  	s1 =	simm.s32 $0x0  }
0xaa: {  	v17 =	vmov s1  }
0xab: {  	v17 =	vand.u32 $0x3F, v17  }
0xac: {  	v17 =	vbroadcast v17, $0x0  }
0xad: {  	vm0 =	veq.s32 v16, $0x0  }
0xae: {  	s26 =	simm.s32 $0x1;
	v16 =	vor.u32 v10, v17  }
.LBB2_18:
0xaf: {  	p0 =	sne.s32 s26, $0x3F  }
.Ltmp10:
0xb0: {  	v17 =	vmov s26;
	s26 =	sadd.s32 $0x1, s26;
	(pc) =	sbr.rel @p0 .LBB2_18-.Ltmp10, $4  }
0xb1: {  	v17 =	vand.u32 $0x3F, v17  }
0xb2: {  	v17 =	vbroadcast v17, $0x0  }
0xb3: {  	[tilespmem:v16+s10+$0x0] =	vst.idx.msk vm0, v3  }
0xb4: {  	v16 =	vor.u32 v10, v17  }
0xb5: {  	_ =	sdelay $0x4  }
0xb6: {  	[tilespmem:v16+s10+$0x0] =	vst.idx.msk vm0, v3  }
0xb7: {  	v16 =	vld [tilespmem:s25+$0x80]  }
0xb8: {  	s1 =	simm.s32 $0x0  }
0xb9: {  	v17 =	vmov s1  }
0xba: {  	v17 =	vand.u32 $0x3F, v17  }
0xbb: {  	v17 =	vbroadcast v17, $0x0  }
0xbc: {  	vm0 =	veq.s32 v16, $0x0  }
0xbd: {  	s26 =	simm.s32 $0x1;
	v16 =	vor.u32 v11, v17  }
.LBB2_20:
0xbe: {  	p0 =	sne.s32 s26, $0x3F  }
.Ltmp11:
0xbf: {  	v17 =	vmov s26;
	s26 =	sadd.s32 $0x1, s26;
	(pc) =	sbr.rel @p0 .LBB2_20-.Ltmp11, $4  }
0xc0: {  	v17 =	vand.u32 $0x3F, v17  }
0xc1: {  	v17 =	vbroadcast v17, $0x0  }
0xc2: {  	[tilespmem:v16+s10+$0x0] =	vst.idx.msk vm0, v3  }
0xc3: {  	v16 =	vor.u32 v11, v17  }
0xc4: {  	_ =	sdelay $0x4  }
0xc5: {  	[tilespmem:v16+s10+$0x0] =	vst.idx.msk vm0, v3  }
0xc6: {  	v16 =	vld [tilespmem:s25+$0x90]  }
0xc7: {  	s1 =	simm.s32 $0x0  }
0xc8: {  	v17 =	vmov s1  }
0xc9: {  	v17 =	vand.u32 $0x3F, v17  }
0xca: {  	v17 =	vbroadcast v17, $0x0  }
0xcb: {  	vm0 =	veq.s32 v16, $0x0  }
0xcc: {  	s26 =	simm.s32 $0x1;
	v16 =	vor.u32 v12, v17  }
.LBB2_22:
0xcd: {  	p0 =	sne.s32 s26, $0x3F  }
.Ltmp12:
0xce: {  	v17 =	vmov s26;
	s26 =	sadd.s32 $0x1, s26;
	(pc) =	sbr.rel @p0 .LBB2_22-.Ltmp12, $4  }
0xcf: {  	v17 =	vand.u32 $0x3F, v17  }
0xd0: {  	v17 =	vbroadcast v17, $0x0  }
0xd1: {  	[tilespmem:v16+s10+$0x0] =	vst.idx.msk vm0, v3  }
0xd2: {  	v16 =	vor.u32 v12, v17  }
0xd3: {  	_ =	sdelay $0x4  }
0xd4: {  	[tilespmem:v16+s10+$0x0] =	vst.idx.msk vm0, v3  }
0xd5: {  	v16 =	vld [tilespmem:s25+$0xA0]  }
0xd6: {  	s1 =	simm.s32 $0x0  }
0xd7: {  	v17 =	vmov s1  }
0xd8: {  	v17 =	vand.u32 $0x3F, v17  }
0xd9: {  	v17 =	vbroadcast v17, $0x0  }
0xda: {  	vm0 =	veq.s32 v16, $0x0  }
0xdb: {  	s26 =	simm.s32 $0x1;
	v16 =	vor.u32 v13, v17  }
.LBB2_24:
0xdc: {  	p0 =	sne.s32 s26, $0x3F  }
.Ltmp13:
0xdd: {  	v17 =	vmov s26;
	s26 =	sadd.s32 $0x1, s26;
	(pc) =	sbr.rel @p0 .LBB2_24-.Ltmp13, $4  }
0xde: {  	v17 =	vand.u32 $0x3F, v17  }
0xdf: {  	v17 =	vbroadcast v17, $0x0  }
0xe0: {  	[tilespmem:v16+s10+$0x0] =	vst.idx.msk vm0, v3  }
0xe1: {  	v16 =	vor.u32 v13, v17  }
0xe2: {  	_ =	sdelay $0x4  }
0xe3: {  	[tilespmem:v16+s10+$0x0] =	vst.idx.msk vm0, v3  }
0xe4: {  	v16 =	vld [tilespmem:s25+$0xB0]  }
0xe5: {  	s1 =	simm.s32 $0x0  }
0xe6: {  	v17 =	vmov s1  }
0xe7: {  	v17 =	vand.u32 $0x3F, v17  }
0xe8: {  	v17 =	vbroadcast v17, $0x0  }
0xe9: {  	vm0 =	veq.s32 v16, $0x0  }
0xea: {  	s26 =	simm.s32 $0x1;
	v16 =	vor.u32 v14, v17  }
.LBB2_26:
0xeb: {  	p0 =	sne.s32 s26, $0x3F  }
.Ltmp14:
0xec: {  	v17 =	vmov s26;
	s26 =	sadd.s32 $0x1, s26;
	(pc) =	sbr.rel @p0 .LBB2_26-.Ltmp14, $4  }
0xed: {  	v17 =	vand.u32 $0x3F, v17  }
0xee: {  	v17 =	vbroadcast v17, $0x0  }
0xef: {  	[tilespmem:v16+s10+$0x0] =	vst.idx.msk vm0, v3  }
0xf0: {  	v16 =	vor.u32 v14, v17  }
0xf1: {  	_ =	sdelay $0x4  }
0xf2: {  	[tilespmem:v16+s10+$0x0] =	vst.idx.msk vm0, v3  }
0xf3: {  	v16 =	vld [tilespmem:s25+$0xB8]  }
0xf4: {  	s1 =	simm.s32 $0x0  }
0xf5: {  	v17 =	vmov s1  }
0xf6: {  	v17 =	vand.u32 $0x3F, v17  }
0xf7: {  	v17 =	vbroadcast v17, $0x0  }
0xf8: {  	vm0 =	veq.s32 v16, $0x0  }
0xf9: {  	s26 =	simm.s32 $0x1;
	v16 =	vor.u32 v15, v17  }
.LBB2_28:
0xfa: {  	p0 =	sne.s32 s26, $0x3F  }
.Ltmp15:
0xfb: {  	v17 =	vmov s26;
	s26 =	sadd.s32 $0x1, s26;
	(pc) =	sbr.rel @p0 .LBB2_28-.Ltmp15, $4  }
0xfc: {  	v17 =	vand.u32 $0x3F, v17  }
0xfd: {  	v17 =	vbroadcast v17, $0x0  }
0xfe: {  	[tilespmem:v16+s10+$0x0] =	vst.idx.msk vm0, v3  }
0xff: {  	v16 =	vor.u32 v15, v17  }
0x100: {  	_ =	sdelay $0x4  }
0x101: {  	[tilespmem:v16+s10+$0x0] =	vst.idx.msk vm0, v3  }
.LBB2_30:
0x102: {  	s28 =	sshll.u32 s24, $0x2  }
0x103: {  	s1 =	sadd.s32 s6, s28  }
0x104: {  	s1 =	smul.u32 $0x640, s1;
	_ =	sdelay $0x1  }
0x105: {  	p0 =	seq.s32 s24, $0x0;
	s1 =	sadd.s32 s2, s1  }
0x106: {  	[hbm4b:s1+s3] =	stream.linear.scatter [tilespmem:s10], [sflag:$0x5], $0x3200, $0x38;
	[tilespmem:$0x12C10] =	vst v63  }
0x107: {  	s26 =	sor.u32 $0x2, s28;
	s1 =	simm.s32 @!p0 $0x7  }
0x108: {  	s29 =	smul.u32 $0x320, s26;
	_ =	swait.ge @!p0 [sflag:s1], $0x3200  }
0x109: {  	[sflag:s1] =	ssyncset.done @!p0 $0x0  }
0x10a: {  	s30 =	sor.u32 $0x1, s28;
	s29 =	sshra.s32 s29, $0x2;
	[sflag:s1] =	ssyncadd.s32 @!p0 $0xFFFFCE00  }
0x10b: {  	[tilespmem:s14], [sflag:$0x3] =	stream.indirect.gather [hbm4b:s4+s9], $0x40, s29, s9, $0xb8;
	[tilespmem:$0x12C10] =	vst v63  }
0x10c: {  	s1 =	smul.u32 $0x320, s30;
	_ =	swait.ge [sflag:s15], $0x3200  }
0x10d: {  	[sflag:s15] =	ssyncset.done $0x0  }
0x10e: {  	s31 =	sshra.s32 s1, $0x2;
	[sflag:s15] =	ssyncadd.s32 $0xFFFFCE00  }
0x10f: {  	v16 =	vld [tilespmem:s31+$0x0]  }
0x110: {  	v17 =	vld [tilespmem:s31+$0x10]  }
0x111: {  	v18 =	vld [tilespmem:s31+$0x20]  }
0x112: {  	v19 =	vld [tilespmem:s31+$0x30]  }
0x113: {  	v20 =	vld [tilespmem:s31+$0x40]  }
0x114: {  	v21 =	vld [tilespmem:s31+$0x50]  }
0x115: {  	vm0 =	veq.s32 v16, $0x0;
	vm1 =	veq.s32 v17, $0x0;
	v16 =	vld [tilespmem:s31+$0x60]  }
0x116: {  	vm5 =	veq.s32 v18, $0x0;
	v17 =	vld [tilespmem:s31+$0x70];
	vm0 =	vmor vm0, vm1  }
0x117: {  	v61 =	vld [tilespmem:s31+$0x80];
	vm6 =	veq.s32 v19, $0x0;
	vm0 =	vmor vm0, vm5  }
0x118: {  	v62 =	vld [tilespmem:s31+$0x90];
	vm7 =	veq.s32 v20, $0x0;
	vm0 =	vmor vm0, vm6  }
0x119: {  	v63 =	vld [tilespmem:s31+$0xA0];
	vm8 =	veq.s32 v21, $0x0;
	vm0 =	vmor vm0, vm7  }
0x11a: {  	vm0 =	vmor vm0, vm8;
	vm9 =	veq.s32 v16, $0x0;
	v16 =	vld [tilespmem:s31+$0xB0]  }
0x11b: {  	vm10 =	veq.s32 v17, $0x0;
	v17 =	vld [tilespmem:s31+$0xB8];
	vm0 =	vmor vm0, vm9  }
0x11c: {  	vm11 =	veq.s32 v61, $0x0;
	vm0 =	vmor vm0, vm10  }
0x11d: {  	vm12 =	veq.s32 v62, $0x0;
	vm0 =	vmor vm0, vm11  }
0x11e: {  	vm13 =	veq.s32 v63, $0x0;
	vm0 =	vmor vm0, vm12  }
0x11f: {  	vm0 =	vmor vm0, vm13;
	vm14 =	veq.s32 v16, $0x0  }
0x120: {  	vm15 =	veq.s32 v17, $0x0;
	vm0 =	vmor vm0, vm14  }
0x121: {  	vm0 =	vmor vm0, vm15;
	_ =	sdelay $0x4  }
0x122: {  	[tilespmem:$0x12C00] =	vst v1  }
0x123: {  	[tilespmem:v1+s13+$0x0] =	vst.idx.msk vm0, v2  }
0x124: {  	v16 =	vld [tilespmem:$0x12C00];
	_ =	sdelay $0x4  }
0x125: {  	(v2sf) =	vpush v16, $0x0;
	_ =	sdelay $0xe  }
0x126: {  	s1 =	spop (v2sf)  }
0x127: {  	p1 =	seq.s32 s1, $0x0  }
.Ltmp16:
0x128: {  	_ = 	snop;
	(pc) =	sbr.rel @p1 .LBB2_58-.Ltmp16, $1  }
0x129: {  	_ =	sdelay $0x3  }
0x12a: {  	v16 =	vld [tilespmem:s31+$0x0]  }
0x12b: {  	s1 =	simm.s32 $0x0  }
0x12c: {  	v17 =	vmov s1  }
0x12d: {  	v17 =	vand.u32 $0x3F, v17  }
0x12e: {  	v17 =	vbroadcast v17, $0x0  }
0x12f: {  	vm0 =	veq.s32 v16, $0x0  }
0x130: {  	s1 =	simm.s32 $0x1;
	v16 =	vor.u32 v0, v17  }
.LBB2_32:
0x131: {  	p1 =	sne.s32 s1, $0x3F  }
.Ltmp17:
0x132: {  	v17 =	vmov s1;
	s1 =	sadd.s32 $0x1, s1;
	(pc) =	sbr.rel @p1 .LBB2_32-.Ltmp17, $4  }
0x133: {  	v17 =	vand.u32 $0x3F, v17  }
0x134: {  	v17 =	vbroadcast v17, $0x0  }
0x135: {  	[tilespmem:v16+s11+$0x0] =	vst.idx.msk vm0, v3  }
0x136: {  	v16 =	vor.u32 v0, v17  }
0x137: {  	_ =	sdelay $0x4  }
0x138: {  	[tilespmem:v16+s11+$0x0] =	vst.idx.msk vm0, v3  }
0x139: {  	v16 =	vld [tilespmem:s31+$0x10]  }
0x13a: {  	s1 =	simm.s32 $0x0  }
0x13b: {  	v17 =	vmov s1  }
0x13c: {  	v17 =	vand.u32 $0x3F, v17  }
0x13d: {  	v17 =	vbroadcast v17, $0x0  }
0x13e: {  	vm0 =	veq.s32 v16, $0x0  }
0x13f: {  	s1 =	simm.s32 $0x1;
	v16 =	vor.u32 v4, v17  }
.LBB2_34:
0x140: {  	p1 =	sne.s32 s1, $0x3F  }
.Ltmp18:
0x141: {  	v17 =	vmov s1;
	s1 =	sadd.s32 $0x1, s1;
	(pc) =	sbr.rel @p1 .LBB2_34-.Ltmp18, $4  }
0x142: {  	v17 =	vand.u32 $0x3F, v17  }
0x143: {  	v17 =	vbroadcast v17, $0x0  }
0x144: {  	[tilespmem:v16+s11+$0x0] =	vst.idx.msk vm0, v3  }
0x145: {  	v16 =	vor.u32 v4, v17  }
0x146: {  	_ =	sdelay $0x4  }
0x147: {  	[tilespmem:v16+s11+$0x0] =	vst.idx.msk vm0, v3  }
0x148: {  	v16 =	vld [tilespmem:s31+$0x20]  }
0x149: {  	s1 =	simm.s32 $0x0  }
0x14a: {  	v17 =	vmov s1  }
0x14b: {  	v17 =	vand.u32 $0x3F, v17  }
0x14c: {  	v17 =	vbroadcast v17, $0x0  }
0x14d: {  	vm0 =	veq.s32 v16, $0x0  }
0x14e: {  	s1 =	simm.s32 $0x1;
	v16 =	vor.u32 v5, v17  }
.LBB2_36:
0x14f: {  	p1 =	sne.s32 s1, $0x3F  }
.Ltmp19:
0x150: {  	v17 =	vmov s1;
	s1 =	sadd.s32 $0x1, s1;
	(pc) =	sbr.rel @p1 .LBB2_36-.Ltmp19, $4  }
0x151: {  	v17 =	vand.u32 $0x3F, v17  }
0x152: {  	v17 =	vbroadcast v17, $0x0  }
0x153: {  	[tilespmem:v16+s11+$0x0] =	vst.idx.msk vm0, v3  }
0x154: {  	v16 =	vor.u32 v5, v17  }
0x155: {  	_ =	sdelay $0x4  }
0x156: {  	[tilespmem:v16+s11+$0x0] =	vst.idx.msk vm0, v3  }
0x157: {  	v16 =	vld [tilespmem:s31+$0x30]  }
0x158: {  	s1 =	simm.s32 $0x0  }
0x159: {  	v17 =	vmov s1  }
0x15a: {  	v17 =	vand.u32 $0x3F, v17  }
0x15b: {  	v17 =	vbroadcast v17, $0x0  }
0x15c: {  	vm0 =	veq.s32 v16, $0x0  }
0x15d: {  	s1 =	simm.s32 $0x1;
	v16 =	vor.u32 v6, v17  }
.LBB2_38:
0x15e: {  	p1 =	sne.s32 s1, $0x3F  }
.Ltmp20:
0x15f: {  	v17 =	vmov s1;
	s1 =	sadd.s32 $0x1, s1;
	(pc) =	sbr.rel @p1 .LBB2_38-.Ltmp20, $4  }
0x160: {  	v17 =	vand.u32 $0x3F, v17  }
0x161: {  	v17 =	vbroadcast v17, $0x0  }
0x162: {  	[tilespmem:v16+s11+$0x0] =	vst.idx.msk vm0, v3  }
0x163: {  	v16 =	vor.u32 v6, v17  }
0x164: {  	_ =	sdelay $0x4  }
0x165: {  	[tilespmem:v16+s11+$0x0] =	vst.idx.msk vm0, v3  }
0x166: {  	v16 =	vld [tilespmem:s31+$0x40]  }
0x167: {  	s1 =	simm.s32 $0x0  }
0x168: {  	v17 =	vmov s1  }
0x169: {  	v17 =	vand.u32 $0x3F, v17  }
0x16a: {  	v17 =	vbroadcast v17, $0x0  }
0x16b: {  	vm0 =	veq.s32 v16, $0x0  }
0x16c: {  	s1 =	simm.s32 $0x1;
	v16 =	vor.u32 v7, v17  }
.LBB2_40:
0x16d: {  	p1 =	sne.s32 s1, $0x3F  }
.Ltmp21:
0x16e: {  	v17 =	vmov s1;
	s1 =	sadd.s32 $0x1, s1;
	(pc) =	sbr.rel @p1 .LBB2_40-.Ltmp21, $4  }
0x16f: {  	v17 =	vand.u32 $0x3F, v17  }
0x170: {  	v17 =	vbroadcast v17, $0x0  }
0x171: {  	[tilespmem:v16+s11+$0x0] =	vst.idx.msk vm0, v3  }
0x172: {  	v16 =	vor.u32 v7, v17  }
0x173: {  	_ =	sdelay $0x4  }
0x174: {  	[tilespmem:v16+s11+$0x0] =	vst.idx.msk vm0, v3  }
0x175: {  	v16 =	vld [tilespmem:s31+$0x50]  }
0x176: {  	s1 =	simm.s32 $0x0  }
0x177: {  	v17 =	vmov s1  }
0x178: {  	v17 =	vand.u32 $0x3F, v17  }
0x179: {  	v17 =	vbroadcast v17, $0x0  }
0x17a: {  	vm0 =	veq.s32 v16, $0x0  }
0x17b: {  	s1 =	simm.s32 $0x1;
	v16 =	vor.u32 v8, v17  }
.LBB2_42:
0x17c: {  	p1 =	sne.s32 s1, $0x3F  }
.Ltmp22:
0x17d: {  	v17 =	vmov s1;
	s1 =	sadd.s32 $0x1, s1;
	(pc) =	sbr.rel @p1 .LBB2_42-.Ltmp22, $4  }
0x17e: {  	v17 =	vand.u32 $0x3F, v17  }
0x17f: {  	v17 =	vbroadcast v17, $0x0  }
0x180: {  	[tilespmem:v16+s11+$0x0] =	vst.idx.msk vm0, v3  }
0x181: {  	v16 =	vor.u32 v8, v17  }
0x182: {  	_ =	sdelay $0x4  }
0x183: {  	[tilespmem:v16+s11+$0x0] =	vst.idx.msk vm0, v3  }
0x184: {  	v16 =	vld [tilespmem:s31+$0x60]  }
0x185: {  	s1 =	simm.s32 $0x0  }
0x186: {  	v17 =	vmov s1  }
0x187: {  	v17 =	vand.u32 $0x3F, v17  }
0x188: {  	v17 =	vbroadcast v17, $0x0  }
0x189: {  	vm0 =	veq.s32 v16, $0x0  }
0x18a: {  	s1 =	simm.s32 $0x1;
	v16 =	vor.u32 v9, v17  }
.LBB2_44:
0x18b: {  	p1 =	sne.s32 s1, $0x3F  }
.Ltmp23:
0x18c: {  	v17 =	vmov s1;
	s1 =	sadd.s32 $0x1, s1;
	(pc) =	sbr.rel @p1 .LBB2_44-.Ltmp23, $4  }
0x18d: {  	v17 =	vand.u32 $0x3F, v17  }
0x18e: {  	v17 =	vbroadcast v17, $0x0  }
0x18f: {  	[tilespmem:v16+s11+$0x0] =	vst.idx.msk vm0, v3  }
0x190: {  	v16 =	vor.u32 v9, v17  }
0x191: {  	_ =	sdelay $0x4  }
0x192: {  	[tilespmem:v16+s11+$0x0] =	vst.idx.msk vm0, v3  }
0x193: {  	v16 =	vld [tilespmem:s31+$0x70]  }
0x194: {  	s1 =	simm.s32 $0x0  }
0x195: {  	v17 =	vmov s1  }
0x196: {  	v17 =	vand.u32 $0x3F, v17  }
0x197: {  	v17 =	vbroadcast v17, $0x0  }
0x198: {  	vm0 =	veq.s32 v16, $0x0  }
0x199: {  	s1 =	simm.s32 $0x1;
	v16 =	vor.u32 v10, v17  }
.LBB2_46:
0x19a: {  	p1 =	sne.s32 s1, $0x3F  }
.Ltmp24:
0x19b: {  	v17 =	vmov s1;
	s1 =	sadd.s32 $0x1, s1;
	(pc) =	sbr.rel @p1 .LBB2_46-.Ltmp24, $4  }
0x19c: {  	v17 =	vand.u32 $0x3F, v17  }
0x19d: {  	v17 =	vbroadcast v17, $0x0  }
0x19e: {  	[tilespmem:v16+s11+$0x0] =	vst.idx.msk vm0, v3  }
0x19f: {  	v16 =	vor.u32 v10, v17  }
0x1a0: {  	_ =	sdelay $0x4  }
0x1a1: {  	[tilespmem:v16+s11+$0x0] =	vst.idx.msk vm0, v3  }
0x1a2: {  	v16 =	vld [tilespmem:s31+$0x80]  }
0x1a3: {  	s1 =	simm.s32 $0x0  }
0x1a4: {  	v17 =	vmov s1  }
0x1a5: {  	v17 =	vand.u32 $0x3F, v17  }
0x1a6: {  	v17 =	vbroadcast v17, $0x0  }
0x1a7: {  	vm0 =	veq.s32 v16, $0x0  }
0x1a8: {  	s1 =	simm.s32 $0x1;
	v16 =	vor.u32 v11, v17  }
.LBB2_48:
0x1a9: {  	p1 =	sne.s32 s1, $0x3F  }
.Ltmp25:
0x1aa: {  	v17 =	vmov s1;
	s1 =	sadd.s32 $0x1, s1;
	(pc) =	sbr.rel @p1 .LBB2_48-.Ltmp25, $4  }
0x1ab: {  	v17 =	vand.u32 $0x3F, v17  }
0x1ac: {  	v17 =	vbroadcast v17, $0x0  }
0x1ad: {  	[tilespmem:v16+s11+$0x0] =	vst.idx.msk vm0, v3  }
0x1ae: {  	v16 =	vor.u32 v11, v17  }
0x1af: {  	_ =	sdelay $0x4  }
0x1b0: {  	[tilespmem:v16+s11+$0x0] =	vst.idx.msk vm0, v3  }
0x1b1: {  	v16 =	vld [tilespmem:s31+$0x90]  }
0x1b2: {  	s1 =	simm.s32 $0x0  }
0x1b3: {  	v17 =	vmov s1  }
0x1b4: {  	v17 =	vand.u32 $0x3F, v17  }
0x1b5: {  	v17 =	vbroadcast v17, $0x0  }
0x1b6: {  	vm0 =	veq.s32 v16, $0x0  }
0x1b7: {  	s1 =	simm.s32 $0x1;
	v16 =	vor.u32 v12, v17  }
.LBB2_50:
0x1b8: {  	p1 =	sne.s32 s1, $0x3F  }
.Ltmp26:
0x1b9: {  	v17 =	vmov s1;
	s1 =	sadd.s32 $0x1, s1;
	(pc) =	sbr.rel @p1 .LBB2_50-.Ltmp26, $4  }
0x1ba: {  	v17 =	vand.u32 $0x3F, v17  }
0x1bb: {  	v17 =	vbroadcast v17, $0x0  }
0x1bc: {  	[tilespmem:v16+s11+$0x0] =	vst.idx.msk vm0, v3  }
0x1bd: {  	v16 =	vor.u32 v12, v17  }
0x1be: {  	_ =	sdelay $0x4  }
0x1bf: {  	[tilespmem:v16+s11+$0x0] =	vst.idx.msk vm0, v3  }
0x1c0: {  	v16 =	vld [tilespmem:s31+$0xA0]  }
0x1c1: {  	s1 =	simm.s32 $0x0  }
0x1c2: {  	v17 =	vmov s1  }
0x1c3: {  	v17 =	vand.u32 $0x3F, v17  }
0x1c4: {  	v17 =	vbroadcast v17, $0x0  }
0x1c5: {  	vm0 =	veq.s32 v16, $0x0  }
0x1c6: {  	s1 =	simm.s32 $0x1;
	v16 =	vor.u32 v13, v17  }
.LBB2_52:
0x1c7: {  	p1 =	sne.s32 s1, $0x3F  }
.Ltmp27:
0x1c8: {  	v17 =	vmov s1;
	s1 =	sadd.s32 $0x1, s1;
	(pc) =	sbr.rel @p1 .LBB2_52-.Ltmp27, $4  }
0x1c9: {  	v17 =	vand.u32 $0x3F, v17  }
0x1ca: {  	v17 =	vbroadcast v17, $0x0  }
0x1cb: {  	[tilespmem:v16+s11+$0x0] =	vst.idx.msk vm0, v3  }
0x1cc: {  	v16 =	vor.u32 v13, v17  }
0x1cd: {  	_ =	sdelay $0x4  }
0x1ce: {  	[tilespmem:v16+s11+$0x0] =	vst.idx.msk vm0, v3  }
0x1cf: {  	v16 =	vld [tilespmem:s31+$0xB0]  }
0x1d0: {  	s1 =	simm.s32 $0x0  }
0x1d1: {  	v17 =	vmov s1  }
0x1d2: {  	v17 =	vand.u32 $0x3F, v17  }
0x1d3: {  	v17 =	vbroadcast v17, $0x0  }
0x1d4: {  	vm0 =	veq.s32 v16, $0x0  }
0x1d5: {  	s1 =	simm.s32 $0x1;
	v16 =	vor.u32 v14, v17  }
.LBB2_54:
0x1d6: {  	p1 =	sne.s32 s1, $0x3F  }
.Ltmp28:
0x1d7: {  	v17 =	vmov s1;
	s1 =	sadd.s32 $0x1, s1;
	(pc) =	sbr.rel @p1 .LBB2_54-.Ltmp28, $4  }
0x1d8: {  	v17 =	vand.u32 $0x3F, v17  }
0x1d9: {  	v17 =	vbroadcast v17, $0x0  }
0x1da: {  	[tilespmem:v16+s11+$0x0] =	vst.idx.msk vm0, v3  }
0x1db: {  	v16 =	vor.u32 v14, v17  }
0x1dc: {  	_ =	sdelay $0x4  }
0x1dd: {  	[tilespmem:v16+s11+$0x0] =	vst.idx.msk vm0, v3  }
0x1de: {  	v16 =	vld [tilespmem:s31+$0xB8]  }
0x1df: {  	s1 =	simm.s32 $0x0  }
0x1e0: {  	v17 =	vmov s1  }
0x1e1: {  	v17 =	vand.u32 $0x3F, v17  }
0x1e2: {  	v17 =	vbroadcast v17, $0x0  }
0x1e3: {  	vm0 =	veq.s32 v16, $0x0  }
0x1e4: {  	s1 =	simm.s32 $0x1;
	v16 =	vor.u32 v15, v17  }
.LBB2_56:
0x1e5: {  	p1 =	sne.s32 s1, $0x3F  }
.Ltmp29:
0x1e6: {  	v17 =	vmov s1;
	s1 =	sadd.s32 $0x1, s1;
	(pc) =	sbr.rel @p1 .LBB2_56-.Ltmp29, $4  }
0x1e7: {  	v17 =	vand.u32 $0x3F, v17  }
0x1e8: {  	v17 =	vbroadcast v17, $0x0  }
0x1e9: {  	[tilespmem:v16+s11+$0x0] =	vst.idx.msk vm0, v3  }
0x1ea: {  	v16 =	vor.u32 v15, v17  }
0x1eb: {  	_ =	sdelay $0x4  }
0x1ec: {  	[tilespmem:v16+s11+$0x0] =	vst.idx.msk vm0, v3  }
.LBB2_58:
0x1ed: {  	s1 =	sadd.s32 s6, s30  }
0x1ee: {  	s1 =	smul.u32 $0x640, s1;
	_ =	sdelay $0x1  }
0x1ef: {  	s1 =	sadd.s32 s2, s1  }
0x1f0: {  	[hbm4b:s1+s3] =	stream.linear.scatter [tilespmem:s11], [sflag:$0x6], $0x3200, $0x38;
	[tilespmem:$0x12C10] =	vst v63  }
0x1f1: {  	s28 =	sor.u32 $0x3, s28;
	s1 =	simm.s32 @!p0 $0x8  }
0x1f2: {  	s30 =	smul.u32 $0x320, s28;
	_ =	swait.ge @!p0 [sflag:s1], $0x3200  }
0x1f3: {  	[sflag:s1] =	ssyncset.done @!p0 $0x0  }
0x1f4: {  	s30 =	sshra.s32 s30, $0x2;
	[sflag:s1] =	ssyncadd.s32 @!p0 $0xFFFFCE00  }
0x1f5: {  	[tilespmem:s16], [sflag:$0x4] =	stream.indirect.gather [hbm4b:s4+s9], $0x40, s30, s9, $0xb8;
	[tilespmem:$0x12C10] =	vst v63  }
0x1f6: {  	_ =	swait.ge [sflag:s17], $0x3200  }
0x1f7: {  	[sflag:s17] =	ssyncset.done $0x0  }
0x1f8: {  	[sflag:s17] =	ssyncadd.s32 $0xFFFFCE00  }
0x1f9: {  	v16 =	vld [tilespmem:s29+$0x0]  }
0x1fa: {  	v17 =	vld [tilespmem:s29+$0x10]  }
0x1fb: {  	v18 =	vld [tilespmem:s29+$0x20]  }
0x1fc: {  	v19 =	vld [tilespmem:s29+$0x30]  }
0x1fd: {  	v20 =	vld [tilespmem:s29+$0x40]  }
0x1fe: {  	v21 =	vld [tilespmem:s29+$0x50]  }
0x1ff: {  	vm0 =	veq.s32 v16, $0x0;
	vm1 =	veq.s32 v17, $0x0;
	v16 =	vld [tilespmem:s29+$0x60]  }
0x200: {  	vm5 =	veq.s32 v18, $0x0;
	v17 =	vld [tilespmem:s29+$0x70];
	vm0 =	vmor vm0, vm1  }
0x201: {  	v61 =	vld [tilespmem:s29+$0x80];
	vm6 =	veq.s32 v19, $0x0;
	vm0 =	vmor vm0, vm5  }
0x202: {  	v62 =	vld [tilespmem:s29+$0x90];
	vm7 =	veq.s32 v20, $0x0;
	vm0 =	vmor vm0, vm6  }
0x203: {  	v63 =	vld [tilespmem:s29+$0xA0];
	vm8 =	veq.s32 v21, $0x0;
	vm0 =	vmor vm0, vm7  }
0x204: {  	vm0 =	vmor vm0, vm8;
	vm9 =	veq.s32 v16, $0x0;
	v16 =	vld [tilespmem:s29+$0xB0]  }
0x205: {  	vm10 =	veq.s32 v17, $0x0;
	v17 =	vld [tilespmem:s29+$0xB8];
	vm0 =	vmor vm0, vm9  }
0x206: {  	vm11 =	veq.s32 v61, $0x0;
	vm0 =	vmor vm0, vm10  }
0x207: {  	vm12 =	veq.s32 v62, $0x0;
	vm0 =	vmor vm0, vm11  }
0x208: {  	vm13 =	veq.s32 v63, $0x0;
	vm0 =	vmor vm0, vm12  }
0x209: {  	vm0 =	vmor vm0, vm13;
	vm14 =	veq.s32 v16, $0x0  }
0x20a: {  	vm15 =	veq.s32 v17, $0x0;
	vm0 =	vmor vm0, vm14  }
0x20b: {  	vm0 =	vmor vm0, vm15;
	_ =	sdelay $0x4  }
0x20c: {  	[tilespmem:$0x12C00] =	vst v1  }
0x20d: {  	[tilespmem:v1+s13+$0x0] =	vst.idx.msk vm0, v2  }
0x20e: {  	v16 =	vld [tilespmem:$0x12C00];
	_ =	sdelay $0x4  }
0x20f: {  	(v2sf) =	vpush v16, $0x0;
	_ =	sdelay $0xe  }
0x210: {  	s31 =	spop (v2sf)  }
0x211: {  	p0 =	seq.s32 s31, $0x0  }
.Ltmp30:
0x212: {  	_ = 	snop;
	(pc) =	sbr.rel @p0 .LBB2_86-.Ltmp30, $1  }
0x213: {  	_ =	sdelay $0x3  }
0x214: {  	v16 =	vld [tilespmem:s29+$0x0]  }
0x215: {  	s1 =	simm.s32 $0x0  }
0x216: {  	v17 =	vmov s1  }
0x217: {  	v17 =	vand.u32 $0x3F, v17  }
0x218: {  	v17 =	vbroadcast v17, $0x0  }
0x219: {  	vm0 =	veq.s32 v16, $0x0  }
0x21a: {  	s1 =	simm.s32 $0x1;
	v16 =	vor.u32 v0, v17  }
.LBB2_60:
0x21b: {  	p0 =	sne.s32 s1, $0x3F  }
.Ltmp31:
0x21c: {  	v17 =	vmov s1;
	s1 =	sadd.s32 $0x1, s1;
	(pc) =	sbr.rel @p0 .LBB2_60-.Ltmp31, $4  }
0x21d: {  	v17 =	vand.u32 $0x3F, v17  }
0x21e: {  	v17 =	vbroadcast v17, $0x0  }
0x21f: {  	[tilespmem:v16+s14+$0x0] =	vst.idx.msk vm0, v3  }
0x220: {  	v16 =	vor.u32 v0, v17  }
0x221: {  	_ =	sdelay $0x4  }
0x222: {  	[tilespmem:v16+s14+$0x0] =	vst.idx.msk vm0, v3  }
0x223: {  	v16 =	vld [tilespmem:s29+$0x10]  }
0x224: {  	s1 =	simm.s32 $0x0  }
0x225: {  	v17 =	vmov s1  }
0x226: {  	v17 =	vand.u32 $0x3F, v17  }
0x227: {  	v17 =	vbroadcast v17, $0x0  }
0x228: {  	vm0 =	veq.s32 v16, $0x0  }
0x229: {  	s1 =	simm.s32 $0x1;
	v16 =	vor.u32 v4, v17  }
.LBB2_62:
0x22a: {  	p0 =	sne.s32 s1, $0x3F  }
.Ltmp32:
0x22b: {  	v17 =	vmov s1;
	s1 =	sadd.s32 $0x1, s1;
	(pc) =	sbr.rel @p0 .LBB2_62-.Ltmp32, $4  }
0x22c: {  	v17 =	vand.u32 $0x3F, v17  }
0x22d: {  	v17 =	vbroadcast v17, $0x0  }
0x22e: {  	[tilespmem:v16+s14+$0x0] =	vst.idx.msk vm0, v3  }
0x22f: {  	v16 =	vor.u32 v4, v17  }
0x230: {  	_ =	sdelay $0x4  }
0x231: {  	[tilespmem:v16+s14+$0x0] =	vst.idx.msk vm0, v3  }
0x232: {  	v16 =	vld [tilespmem:s29+$0x20]  }
0x233: {  	s1 =	simm.s32 $0x0  }
0x234: {  	v17 =	vmov s1  }
0x235: {  	v17 =	vand.u32 $0x3F, v17  }
0x236: {  	v17 =	vbroadcast v17, $0x0  }
0x237: {  	vm0 =	veq.s32 v16, $0x0  }
0x238: {  	s1 =	simm.s32 $0x1;
	v16 =	vor.u32 v5, v17  }
.LBB2_64:
0x239: {  	p0 =	sne.s32 s1, $0x3F  }
.Ltmp33:
0x23a: {  	v17 =	vmov s1;
	s1 =	sadd.s32 $0x1, s1;
	(pc) =	sbr.rel @p0 .LBB2_64-.Ltmp33, $4  }
0x23b: {  	v17 =	vand.u32 $0x3F, v17  }
0x23c: {  	v17 =	vbroadcast v17, $0x0  }
0x23d: {  	[tilespmem:v16+s14+$0x0] =	vst.idx.msk vm0, v3  }
0x23e: {  	v16 =	vor.u32 v5, v17  }
0x23f: {  	_ =	sdelay $0x4  }
0x240: {  	[tilespmem:v16+s14+$0x0] =	vst.idx.msk vm0, v3  }
0x241: {  	v16 =	vld [tilespmem:s29+$0x30]  }
0x242: {  	s1 =	simm.s32 $0x0  }
0x243: {  	v17 =	vmov s1  }
0x244: {  	v17 =	vand.u32 $0x3F, v17  }
0x245: {  	v17 =	vbroadcast v17, $0x0  }
0x246: {  	vm0 =	veq.s32 v16, $0x0  }
0x247: {  	s1 =	simm.s32 $0x1;
	v16 =	vor.u32 v6, v17  }
.LBB2_66:
0x248: {  	p0 =	sne.s32 s1, $0x3F  }
.Ltmp34:
0x249: {  	v17 =	vmov s1;
	s1 =	sadd.s32 $0x1, s1;
	(pc) =	sbr.rel @p0 .LBB2_66-.Ltmp34, $4  }
0x24a: {  	v17 =	vand.u32 $0x3F, v17  }
0x24b: {  	v17 =	vbroadcast v17, $0x0  }
0x24c: {  	[tilespmem:v16+s14+$0x0] =	vst.idx.msk vm0, v3  }
0x24d: {  	v16 =	vor.u32 v6, v17  }
0x24e: {  	_ =	sdelay $0x4  }
0x24f: {  	[tilespmem:v16+s14+$0x0] =	vst.idx.msk vm0, v3  }
0x250: {  	v16 =	vld [tilespmem:s29+$0x40]  }
0x251: {  	s1 =	simm.s32 $0x0  }
0x252: {  	v17 =	vmov s1  }
0x253: {  	v17 =	vand.u32 $0x3F, v17  }
0x254: {  	v17 =	vbroadcast v17, $0x0  }
0x255: {  	vm0 =	veq.s32 v16, $0x0  }
0x256: {  	s1 =	simm.s32 $0x1;
	v16 =	vor.u32 v7, v17  }
.LBB2_68:
0x257: {  	p0 =	sne.s32 s1, $0x3F  }
.Ltmp35:
0x258: {  	v17 =	vmov s1;
	s1 =	sadd.s32 $0x1, s1;
	(pc) =	sbr.rel @p0 .LBB2_68-.Ltmp35, $4  }
0x259: {  	v17 =	vand.u32 $0x3F, v17  }
0x25a: {  	v17 =	vbroadcast v17, $0x0  }
0x25b: {  	[tilespmem:v16+s14+$0x0] =	vst.idx.msk vm0, v3  }
0x25c: {  	v16 =	vor.u32 v7, v17  }
0x25d: {  	_ =	sdelay $0x4  }
0x25e: {  	[tilespmem:v16+s14+$0x0] =	vst.idx.msk vm0, v3  }
0x25f: {  	v16 =	vld [tilespmem:s29+$0x50]  }
0x260: {  	s1 =	simm.s32 $0x0  }
0x261: {  	v17 =	vmov s1  }
0x262: {  	v17 =	vand.u32 $0x3F, v17  }
0x263: {  	v17 =	vbroadcast v17, $0x0  }
0x264: {  	vm0 =	veq.s32 v16, $0x0  }
0x265: {  	s1 =	simm.s32 $0x1;
	v16 =	vor.u32 v8, v17  }
.LBB2_70:
0x266: {  	p0 =	sne.s32 s1, $0x3F  }
.Ltmp36:
0x267: {  	v17 =	vmov s1;
	s1 =	sadd.s32 $0x1, s1;
	(pc) =	sbr.rel @p0 .LBB2_70-.Ltmp36, $4  }
0x268: {  	v17 =	vand.u32 $0x3F, v17  }
0x269: {  	v17 =	vbroadcast v17, $0x0  }
0x26a: {  	[tilespmem:v16+s14+$0x0] =	vst.idx.msk vm0, v3  }
0x26b: {  	v16 =	vor.u32 v8, v17  }
0x26c: {  	_ =	sdelay $0x4  }
0x26d: {  	[tilespmem:v16+s14+$0x0] =	vst.idx.msk vm0, v3  }
0x26e: {  	v16 =	vld [tilespmem:s29+$0x60]  }
0x26f: {  	s1 =	simm.s32 $0x0  }
0x270: {  	v17 =	vmov s1  }
0x271: {  	v17 =	vand.u32 $0x3F, v17  }
0x272: {  	v17 =	vbroadcast v17, $0x0  }
0x273: {  	vm0 =	veq.s32 v16, $0x0  }
0x274: {  	s1 =	simm.s32 $0x1;
	v16 =	vor.u32 v9, v17  }
.LBB2_72:
0x275: {  	p0 =	sne.s32 s1, $0x3F  }
.Ltmp37:
0x276: {  	v17 =	vmov s1;
	s1 =	sadd.s32 $0x1, s1;
	(pc) =	sbr.rel @p0 .LBB2_72-.Ltmp37, $4  }
0x277: {  	v17 =	vand.u32 $0x3F, v17  }
0x278: {  	v17 =	vbroadcast v17, $0x0  }
0x279: {  	[tilespmem:v16+s14+$0x0] =	vst.idx.msk vm0, v3  }
0x27a: {  	v16 =	vor.u32 v9, v17  }
0x27b: {  	_ =	sdelay $0x4  }
0x27c: {  	[tilespmem:v16+s14+$0x0] =	vst.idx.msk vm0, v3  }
0x27d: {  	v16 =	vld [tilespmem:s29+$0x70]  }
0x27e: {  	s1 =	simm.s32 $0x0  }
0x27f: {  	v17 =	vmov s1  }
0x280: {  	v17 =	vand.u32 $0x3F, v17  }
0x281: {  	v17 =	vbroadcast v17, $0x0  }
0x282: {  	vm0 =	veq.s32 v16, $0x0  }
0x283: {  	s1 =	simm.s32 $0x1;
	v16 =	vor.u32 v10, v17  }
.LBB2_74:
0x284: {  	p0 =	sne.s32 s1, $0x3F  }
.Ltmp38:
0x285: {  	v17 =	vmov s1;
	s1 =	sadd.s32 $0x1, s1;
	(pc) =	sbr.rel @p0 .LBB2_74-.Ltmp38, $4  }
0x286: {  	v17 =	vand.u32 $0x3F, v17  }
0x287: {  	v17 =	vbroadcast v17, $0x0  }
0x288: {  	[tilespmem:v16+s14+$0x0] =	vst.idx.msk vm0, v3  }
0x289: {  	v16 =	vor.u32 v10, v17  }
0x28a: {  	_ =	sdelay $0x4  }
0x28b: {  	[tilespmem:v16+s14+$0x0] =	vst.idx.msk vm0, v3  }
0x28c: {  	v16 =	vld [tilespmem:s29+$0x80]  }
0x28d: {  	s1 =	simm.s32 $0x0  }
0x28e: {  	v17 =	vmov s1  }
0x28f: {  	v17 =	vand.u32 $0x3F, v17  }
0x290: {  	v17 =	vbroadcast v17, $0x0  }
0x291: {  	vm0 =	veq.s32 v16, $0x0  }
0x292: {  	s1 =	simm.s32 $0x1;
	v16 =	vor.u32 v11, v17  }
.LBB2_76:
0x293: {  	p0 =	sne.s32 s1, $0x3F  }
.Ltmp39:
0x294: {  	v17 =	vmov s1;
	s1 =	sadd.s32 $0x1, s1;
	(pc) =	sbr.rel @p0 .LBB2_76-.Ltmp39, $4  }
0x295: {  	v17 =	vand.u32 $0x3F, v17  }
0x296: {  	v17 =	vbroadcast v17, $0x0  }
0x297: {  	[tilespmem:v16+s14+$0x0] =	vst.idx.msk vm0, v3  }
0x298: {  	v16 =	vor.u32 v11, v17  }
0x299: {  	_ =	sdelay $0x4  }
0x29a: {  	[tilespmem:v16+s14+$0x0] =	vst.idx.msk vm0, v3  }
0x29b: {  	v16 =	vld [tilespmem:s29+$0x90]  }
0x29c: {  	s1 =	simm.s32 $0x0  }
0x29d: {  	v17 =	vmov s1  }
0x29e: {  	v17 =	vand.u32 $0x3F, v17  }
0x29f: {  	v17 =	vbroadcast v17, $0x0  }
0x2a0: {  	vm0 =	veq.s32 v16, $0x0  }
0x2a1: {  	s1 =	simm.s32 $0x1;
	v16 =	vor.u32 v12, v17  }
.LBB2_78:
0x2a2: {  	p0 =	sne.s32 s1, $0x3F  }
.Ltmp40:
0x2a3: {  	v17 =	vmov s1;
	s1 =	sadd.s32 $0x1, s1;
	(pc) =	sbr.rel @p0 .LBB2_78-.Ltmp40, $4  }
0x2a4: {  	v17 =	vand.u32 $0x3F, v17  }
0x2a5: {  	v17 =	vbroadcast v17, $0x0  }
0x2a6: {  	[tilespmem:v16+s14+$0x0] =	vst.idx.msk vm0, v3  }
0x2a7: {  	v16 =	vor.u32 v12, v17  }
0x2a8: {  	_ =	sdelay $0x4  }
0x2a9: {  	[tilespmem:v16+s14+$0x0] =	vst.idx.msk vm0, v3  }
0x2aa: {  	v16 =	vld [tilespmem:s29+$0xA0]  }
0x2ab: {  	s1 =	simm.s32 $0x0  }
0x2ac: {  	v17 =	vmov s1  }
0x2ad: {  	v17 =	vand.u32 $0x3F, v17  }
0x2ae: {  	v17 =	vbroadcast v17, $0x0  }
0x2af: {  	vm0 =	veq.s32 v16, $0x0  }
0x2b0: {  	s1 =	simm.s32 $0x1;
	v16 =	vor.u32 v13, v17  }
.LBB2_80:
0x2b1: {  	p0 =	sne.s32 s1, $0x3F  }
.Ltmp41:
0x2b2: {  	v17 =	vmov s1;
	s1 =	sadd.s32 $0x1, s1;
	(pc) =	sbr.rel @p0 .LBB2_80-.Ltmp41, $4  }
0x2b3: {  	v17 =	vand.u32 $0x3F, v17  }
0x2b4: {  	v17 =	vbroadcast v17, $0x0  }
0x2b5: {  	[tilespmem:v16+s14+$0x0] =	vst.idx.msk vm0, v3  }
0x2b6: {  	v16 =	vor.u32 v13, v17  }
0x2b7: {  	_ =	sdelay $0x4  }
0x2b8: {  	[tilespmem:v16+s14+$0x0] =	vst.idx.msk vm0, v3  }
0x2b9: {  	v16 =	vld [tilespmem:s29+$0xB0]  }
0x2ba: {  	s1 =	simm.s32 $0x0  }
0x2bb: {  	v17 =	vmov s1  }
0x2bc: {  	v17 =	vand.u32 $0x3F, v17  }
0x2bd: {  	v17 =	vbroadcast v17, $0x0  }
0x2be: {  	vm0 =	veq.s32 v16, $0x0  }
0x2bf: {  	s1 =	simm.s32 $0x1;
	v16 =	vor.u32 v14, v17  }
.LBB2_82:
0x2c0: {  	p0 =	sne.s32 s1, $0x3F  }
.Ltmp42:
0x2c1: {  	v17 =	vmov s1;
	s1 =	sadd.s32 $0x1, s1;
	(pc) =	sbr.rel @p0 .LBB2_82-.Ltmp42, $4  }
0x2c2: {  	v17 =	vand.u32 $0x3F, v17  }
0x2c3: {  	v17 =	vbroadcast v17, $0x0  }
0x2c4: {  	[tilespmem:v16+s14+$0x0] =	vst.idx.msk vm0, v3  }
0x2c5: {  	v16 =	vor.u32 v14, v17  }
0x2c6: {  	_ =	sdelay $0x4  }
0x2c7: {  	[tilespmem:v16+s14+$0x0] =	vst.idx.msk vm0, v3  }
0x2c8: {  	v16 =	vld [tilespmem:s29+$0xB8]  }
0x2c9: {  	s1 =	simm.s32 $0x0  }
0x2ca: {  	v17 =	vmov s1  }
0x2cb: {  	v17 =	vand.u32 $0x3F, v17  }
0x2cc: {  	v17 =	vbroadcast v17, $0x0  }
0x2cd: {  	vm0 =	veq.s32 v16, $0x0  }
0x2ce: {  	s1 =	simm.s32 $0x1;
	v16 =	vor.u32 v15, v17  }
.LBB2_84:
0x2cf: {  	p0 =	sne.s32 s1, $0x3F  }
.Ltmp43:
0x2d0: {  	v17 =	vmov s1;
	s1 =	sadd.s32 $0x1, s1;
	(pc) =	sbr.rel @p0 .LBB2_84-.Ltmp43, $4  }
0x2d1: {  	v17 =	vand.u32 $0x3F, v17  }
0x2d2: {  	v17 =	vbroadcast v17, $0x0  }
0x2d3: {  	[tilespmem:v16+s14+$0x0] =	vst.idx.msk vm0, v3  }
0x2d4: {  	v16 =	vor.u32 v15, v17  }
0x2d5: {  	_ =	sdelay $0x4  }
0x2d6: {  	[tilespmem:v16+s14+$0x0] =	vst.idx.msk vm0, v3  }
.LBB2_86:
0x2d7: {  	s1 =	sadd.s32 s6, s26  }
0x2d8: {  	s1 =	smul.u32 $0x640, s1;
	_ =	sdelay $0x1  }
0x2d9: {  	p0 =	seq.s32 s24, $0x1F;
	s1 =	sadd.s32 s2, s1  }
0x2da: {  	[hbm4b:s1+s3] =	stream.linear.scatter [tilespmem:s14], [sflag:$0x7], $0x3200, $0x38;
	[tilespmem:$0x12C10] =	vst v63  }
0x2db: {  	s1 =	simm.s32 @!p0 $0x5  }
0x2dc: {  	_ =	swait.ge @!p0 [sflag:s1], $0x3200  }
0x2dd: {  	s26 =	simm.s32 @!p0 $0xC8;
	[sflag:s1] =	ssyncset.done @!p0 $0x0  }
0x2de: {  	s29 =	simm.s32 @!p0 $0x6400;
	[sflag:s1] =	ssyncadd.s32 @!p0 $0xFFFFCE00;
	s1 =	sadd.s32 @!p0 $0x320, s25  }
0x2df: {  	[tilespmem:s29], [sflag:$0x1] =	stream.indirect.gather @!p0 [hbm4b:s4+s26], $0x40, s1, s26, $0xb8;
	[tilespmem:$0x12C10] =	vst v63  }
0x2e0: {  	_ =	swait.ge [sflag:s18], $0x3200  }
0x2e1: {  	[sflag:s18] =	ssyncset.done $0x0  }
0x2e2: {  	[sflag:s18] =	ssyncadd.s32 $0xFFFFCE00  }
0x2e3: {  	v16 =	vld [tilespmem:s30+$0x0]  }
0x2e4: {  	v17 =	vld [tilespmem:s30+$0x10]  }
0x2e5: {  	v18 =	vld [tilespmem:s30+$0x20]  }
0x2e6: {  	v19 =	vld [tilespmem:s30+$0x30]  }
0x2e7: {  	v20 =	vld [tilespmem:s30+$0x40]  }
0x2e8: {  	v21 =	vld [tilespmem:s30+$0x50]  }
0x2e9: {  	vm0 =	veq.s32 v16, $0x0;
	vm1 =	veq.s32 v17, $0x0;
	v16 =	vld [tilespmem:s30+$0x60]  }
0x2ea: {  	vm5 =	veq.s32 v18, $0x0;
	v17 =	vld [tilespmem:s30+$0x70];
	vm0 =	vmor vm0, vm1  }
0x2eb: {  	v61 =	vld [tilespmem:s30+$0x80];
	vm6 =	veq.s32 v19, $0x0;
	vm0 =	vmor vm0, vm5  }
0x2ec: {  	v62 =	vld [tilespmem:s30+$0x90];
	vm7 =	veq.s32 v20, $0x0;
	vm0 =	vmor vm0, vm6  }
0x2ed: {  	v63 =	vld [tilespmem:s30+$0xA0];
	vm8 =	veq.s32 v21, $0x0;
	vm0 =	vmor vm0, vm7  }
0x2ee: {  	vm0 =	vmor vm0, vm8;
	vm9 =	veq.s32 v16, $0x0;
	v16 =	vld [tilespmem:s30+$0xB0]  }
0x2ef: {  	vm10 =	veq.s32 v17, $0x0;
	v17 =	vld [tilespmem:s30+$0xB8];
	vm0 =	vmor vm0, vm9  }
0x2f0: {  	vm11 =	veq.s32 v61, $0x0;
	vm0 =	vmor vm0, vm10  }
0x2f1: {  	vm12 =	veq.s32 v62, $0x0;
	vm0 =	vmor vm0, vm11  }
0x2f2: {  	vm13 =	veq.s32 v63, $0x0;
	vm0 =	vmor vm0, vm12  }
0x2f3: {  	vm0 =	vmor vm0, vm13;
	vm14 =	veq.s32 v16, $0x0  }
0x2f4: {  	vm15 =	veq.s32 v17, $0x0;
	vm0 =	vmor vm0, vm14  }
0x2f5: {  	vm0 =	vmor vm0, vm15;
	_ =	sdelay $0x4  }
0x2f6: {  	[tilespmem:$0x12C00] =	vst v1  }
0x2f7: {  	[tilespmem:v1+s13+$0x0] =	vst.idx.msk vm0, v2  }
0x2f8: {  	v16 =	vld [tilespmem:$0x12C00];
	_ =	sdelay $0x4  }
0x2f9: {  	(v2sf) =	vpush v16, $0x0;
	_ =	sdelay $0xe  }
0x2fa: {  	s31 =	spop (v2sf)  }
0x2fb: {  	p1 =	seq.s32 s31, $0x0  }
.Ltmp44:
0x2fc: {  	_ = 	snop;
	(pc) =	sbr.rel @p1 .LBB2_114-.Ltmp44, $1  }
0x2fd: {  	_ =	sdelay $0x3  }
0x2fe: {  	v16 =	vld [tilespmem:s30+$0x0]  }
0x2ff: {  	s1 =	simm.s32 $0x0  }
0x300: {  	v17 =	vmov s1  }
0x301: {  	v17 =	vand.u32 $0x3F, v17  }
0x302: {  	v17 =	vbroadcast v17, $0x0  }
0x303: {  	vm0 =	veq.s32 v16, $0x0  }
0x304: {  	s1 =	simm.s32 $0x1;
	v16 =	vor.u32 v0, v17  }
.LBB2_88:
0x305: {  	p1 =	sne.s32 s1, $0x3F  }
.Ltmp45:
0x306: {  	v17 =	vmov s1;
	s1 =	sadd.s32 $0x1, s1;
	(pc) =	sbr.rel @p1 .LBB2_88-.Ltmp45, $4  }
0x307: {  	v17 =	vand.u32 $0x3F, v17  }
0x308: {  	v17 =	vbroadcast v17, $0x0  }
0x309: {  	[tilespmem:v16+s16+$0x0] =	vst.idx.msk vm0, v3  }
0x30a: {  	v16 =	vor.u32 v0, v17  }
0x30b: {  	_ =	sdelay $0x4  }
0x30c: {  	[tilespmem:v16+s16+$0x0] =	vst.idx.msk vm0, v3  }
0x30d: {  	v16 =	vld [tilespmem:s30+$0x10]  }
0x30e: {  	s1 =	simm.s32 $0x0  }
0x30f: {  	v17 =	vmov s1  }
0x310: {  	v17 =	vand.u32 $0x3F, v17  }
0x311: {  	v17 =	vbroadcast v17, $0x0  }
0x312: {  	vm0 =	veq.s32 v16, $0x0  }
0x313: {  	s1 =	simm.s32 $0x1;
	v16 =	vor.u32 v4, v17  }
.LBB2_90:
0x314: {  	p1 =	sne.s32 s1, $0x3F  }
.Ltmp46:
0x315: {  	v17 =	vmov s1;
	s1 =	sadd.s32 $0x1, s1;
	(pc) =	sbr.rel @p1 .LBB2_90-.Ltmp46, $4  }
0x316: {  	v17 =	vand.u32 $0x3F, v17  }
0x317: {  	v17 =	vbroadcast v17, $0x0  }
0x318: {  	[tilespmem:v16+s16+$0x0] =	vst.idx.msk vm0, v3  }
0x319: {  	v16 =	vor.u32 v4, v17  }
0x31a: {  	_ =	sdelay $0x4  }
0x31b: {  	[tilespmem:v16+s16+$0x0] =	vst.idx.msk vm0, v3  }
0x31c: {  	v16 =	vld [tilespmem:s30+$0x20]  }
0x31d: {  	s1 =	simm.s32 $0x0  }
0x31e: {  	v17 =	vmov s1  }
0x31f: {  	v17 =	vand.u32 $0x3F, v17  }
0x320: {  	v17 =	vbroadcast v17, $0x0  }
0x321: {  	vm0 =	veq.s32 v16, $0x0  }
0x322: {  	s1 =	simm.s32 $0x1;
	v16 =	vor.u32 v5, v17  }
.LBB2_92:
0x323: {  	p1 =	sne.s32 s1, $0x3F  }
.Ltmp47:
0x324: {  	v17 =	vmov s1;
	s1 =	sadd.s32 $0x1, s1;
	(pc) =	sbr.rel @p1 .LBB2_92-.Ltmp47, $4  }
0x325: {  	v17 =	vand.u32 $0x3F, v17  }
0x326: {  	v17 =	vbroadcast v17, $0x0  }
0x327: {  	[tilespmem:v16+s16+$0x0] =	vst.idx.msk vm0, v3  }
0x328: {  	v16 =	vor.u32 v5, v17  }
0x329: {  	_ =	sdelay $0x4  }
0x32a: {  	[tilespmem:v16+s16+$0x0] =	vst.idx.msk vm0, v3  }
0x32b: {  	v16 =	vld [tilespmem:s30+$0x30]  }
0x32c: {  	s1 =	simm.s32 $0x0  }
0x32d: {  	v17 =	vmov s1  }
0x32e: {  	v17 =	vand.u32 $0x3F, v17  }
0x32f: {  	v17 =	vbroadcast v17, $0x0  }
0x330: {  	vm0 =	veq.s32 v16, $0x0  }
0x331: {  	s1 =	simm.s32 $0x1;
	v16 =	vor.u32 v6, v17  }
.LBB2_94:
0x332: {  	p1 =	sne.s32 s1, $0x3F  }
.Ltmp48:
0x333: {  	v17 =	vmov s1;
	s1 =	sadd.s32 $0x1, s1;
	(pc) =	sbr.rel @p1 .LBB2_94-.Ltmp48, $4  }
0x334: {  	v17 =	vand.u32 $0x3F, v17  }
0x335: {  	v17 =	vbroadcast v17, $0x0  }
0x336: {  	[tilespmem:v16+s16+$0x0] =	vst.idx.msk vm0, v3  }
0x337: {  	v16 =	vor.u32 v6, v17  }
0x338: {  	_ =	sdelay $0x4  }
0x339: {  	[tilespmem:v16+s16+$0x0] =	vst.idx.msk vm0, v3  }
0x33a: {  	v16 =	vld [tilespmem:s30+$0x40]  }
0x33b: {  	s1 =	simm.s32 $0x0  }
0x33c: {  	v17 =	vmov s1  }
0x33d: {  	v17 =	vand.u32 $0x3F, v17  }
0x33e: {  	v17 =	vbroadcast v17, $0x0  }
0x33f: {  	vm0 =	veq.s32 v16, $0x0  }
0x340: {  	s1 =	simm.s32 $0x1;
	v16 =	vor.u32 v7, v17  }
.LBB2_96:
0x341: {  	p1 =	sne.s32 s1, $0x3F  }
.Ltmp49:
0x342: {  	v17 =	vmov s1;
	s1 =	sadd.s32 $0x1, s1;
	(pc) =	sbr.rel @p1 .LBB2_96-.Ltmp49, $4  }
0x343: {  	v17 =	vand.u32 $0x3F, v17  }
0x344: {  	v17 =	vbroadcast v17, $0x0  }
0x345: {  	[tilespmem:v16+s16+$0x0] =	vst.idx.msk vm0, v3  }
0x346: {  	v16 =	vor.u32 v7, v17  }
0x347: {  	_ =	sdelay $0x4  }
0x348: {  	[tilespmem:v16+s16+$0x0] =	vst.idx.msk vm0, v3  }
0x349: {  	v16 =	vld [tilespmem:s30+$0x50]  }
0x34a: {  	s1 =	simm.s32 $0x0  }
0x34b: {  	v17 =	vmov s1  }
0x34c: {  	v17 =	vand.u32 $0x3F, v17  }
0x34d: {  	v17 =	vbroadcast v17, $0x0  }
0x34e: {  	vm0 =	veq.s32 v16, $0x0  }
0x34f: {  	s1 =	simm.s32 $0x1;
	v16 =	vor.u32 v8, v17  }
.LBB2_98:
0x350: {  	p1 =	sne.s32 s1, $0x3F  }
.Ltmp50:
0x351: {  	v17 =	vmov s1;
	s1 =	sadd.s32 $0x1, s1;
	(pc) =	sbr.rel @p1 .LBB2_98-.Ltmp50, $4  }
0x352: {  	v17 =	vand.u32 $0x3F, v17  }
0x353: {  	v17 =	vbroadcast v17, $0x0  }
0x354: {  	[tilespmem:v16+s16+$0x0] =	vst.idx.msk vm0, v3  }
0x355: {  	v16 =	vor.u32 v8, v17  }
0x356: {  	_ =	sdelay $0x4  }
0x357: {  	[tilespmem:v16+s16+$0x0] =	vst.idx.msk vm0, v3  }
0x358: {  	v16 =	vld [tilespmem:s30+$0x60]  }
0x359: {  	s1 =	simm.s32 $0x0  }
0x35a: {  	v17 =	vmov s1  }
0x35b: {  	v17 =	vand.u32 $0x3F, v17  }
0x35c: {  	v17 =	vbroadcast v17, $0x0  }
0x35d: {  	vm0 =	veq.s32 v16, $0x0  }
0x35e: {  	s1 =	simm.s32 $0x1;
	v16 =	vor.u32 v9, v17  }
.LBB2_100:
0x35f: {  	p1 =	sne.s32 s1, $0x3F  }
.Ltmp51:
0x360: {  	v17 =	vmov s1;
	s1 =	sadd.s32 $0x1, s1;
	(pc) =	sbr.rel @p1 .LBB2_100-.Ltmp51, $4  }
0x361: {  	v17 =	vand.u32 $0x3F, v17  }
0x362: {  	v17 =	vbroadcast v17, $0x0  }
0x363: {  	[tilespmem:v16+s16+$0x0] =	vst.idx.msk vm0, v3  }
0x364: {  	v16 =	vor.u32 v9, v17  }
0x365: {  	_ =	sdelay $0x4  }
0x366: {  	[tilespmem:v16+s16+$0x0] =	vst.idx.msk vm0, v3  }
0x367: {  	v16 =	vld [tilespmem:s30+$0x70]  }
0x368: {  	s1 =	simm.s32 $0x0  }
0x369: {  	v17 =	vmov s1  }
0x36a: {  	v17 =	vand.u32 $0x3F, v17  }
0x36b: {  	v17 =	vbroadcast v17, $0x0  }
0x36c: {  	vm0 =	veq.s32 v16, $0x0  }
0x36d: {  	s1 =	simm.s32 $0x1;
	v16 =	vor.u32 v10, v17  }
.LBB2_102:
0x36e: {  	p1 =	sne.s32 s1, $0x3F  }
.Ltmp52:
0x36f: {  	v17 =	vmov s1;
	s1 =	sadd.s32 $0x1, s1;
	(pc) =	sbr.rel @p1 .LBB2_102-.Ltmp52, $4  }
0x370: {  	v17 =	vand.u32 $0x3F, v17  }
0x371: {  	v17 =	vbroadcast v17, $0x0  }
0x372: {  	[tilespmem:v16+s16+$0x0] =	vst.idx.msk vm0, v3  }
0x373: {  	v16 =	vor.u32 v10, v17  }
0x374: {  	_ =	sdelay $0x4  }
0x375: {  	[tilespmem:v16+s16+$0x0] =	vst.idx.msk vm0, v3  }
0x376: {  	v16 =	vld [tilespmem:s30+$0x80]  }
0x377: {  	s1 =	simm.s32 $0x0  }
0x378: {  	v17 =	vmov s1  }
0x379: {  	v17 =	vand.u32 $0x3F, v17  }
0x37a: {  	v17 =	vbroadcast v17, $0x0  }
0x37b: {  	vm0 =	veq.s32 v16, $0x0  }
0x37c: {  	s1 =	simm.s32 $0x1;
	v16 =	vor.u32 v11, v17  }
.LBB2_104:
0x37d: {  	p1 =	sne.s32 s1, $0x3F  }
.Ltmp53:
0x37e: {  	v17 =	vmov s1;
	s1 =	sadd.s32 $0x1, s1;
	(pc) =	sbr.rel @p1 .LBB2_104-.Ltmp53, $4  }
0x37f: {  	v17 =	vand.u32 $0x3F, v17  }
0x380: {  	v17 =	vbroadcast v17, $0x0  }
0x381: {  	[tilespmem:v16+s16+$0x0] =	vst.idx.msk vm0, v3  }
0x382: {  	v16 =	vor.u32 v11, v17  }
0x383: {  	_ =	sdelay $0x4  }
0x384: {  	[tilespmem:v16+s16+$0x0] =	vst.idx.msk vm0, v3  }
0x385: {  	v16 =	vld [tilespmem:s30+$0x90]  }
0x386: {  	s1 =	simm.s32 $0x0  }
0x387: {  	v17 =	vmov s1  }
0x388: {  	v17 =	vand.u32 $0x3F, v17  }
0x389: {  	v17 =	vbroadcast v17, $0x0  }
0x38a: {  	vm0 =	veq.s32 v16, $0x0  }
0x38b: {  	s1 =	simm.s32 $0x1;
	v16 =	vor.u32 v12, v17  }
.LBB2_106:
0x38c: {  	p1 =	sne.s32 s1, $0x3F  }
.Ltmp54:
0x38d: {  	v17 =	vmov s1;
	s1 =	sadd.s32 $0x1, s1;
	(pc) =	sbr.rel @p1 .LBB2_106-.Ltmp54, $4  }
0x38e: {  	v17 =	vand.u32 $0x3F, v17  }
0x38f: {  	v17 =	vbroadcast v17, $0x0  }
0x390: {  	[tilespmem:v16+s16+$0x0] =	vst.idx.msk vm0, v3  }
0x391: {  	v16 =	vor.u32 v12, v17  }
0x392: {  	_ =	sdelay $0x4  }
0x393: {  	[tilespmem:v16+s16+$0x0] =	vst.idx.msk vm0, v3  }
0x394: {  	v16 =	vld [tilespmem:s30+$0xA0]  }
0x395: {  	s1 =	simm.s32 $0x0  }
0x396: {  	v17 =	vmov s1  }
0x397: {  	v17 =	vand.u32 $0x3F, v17  }
0x398: {  	v17 =	vbroadcast v17, $0x0  }
0x399: {  	vm0 =	veq.s32 v16, $0x0  }
0x39a: {  	s1 =	simm.s32 $0x1;
	v16 =	vor.u32 v13, v17  }
.LBB2_108:
0x39b: {  	p1 =	sne.s32 s1, $0x3F  }
.Ltmp55:
0x39c: {  	v17 =	vmov s1;
	s1 =	sadd.s32 $0x1, s1;
	(pc) =	sbr.rel @p1 .LBB2_108-.Ltmp55, $4  }
0x39d: {  	v17 =	vand.u32 $0x3F, v17  }
0x39e: {  	v17 =	vbroadcast v17, $0x0  }
0x39f: {  	[tilespmem:v16+s16+$0x0] =	vst.idx.msk vm0, v3  }
0x3a0: {  	v16 =	vor.u32 v13, v17  }
0x3a1: {  	_ =	sdelay $0x4  }
0x3a2: {  	[tilespmem:v16+s16+$0x0] =	vst.idx.msk vm0, v3  }
0x3a3: {  	v16 =	vld [tilespmem:s30+$0xB0]  }
0x3a4: {  	s1 =	simm.s32 $0x0  }
0x3a5: {  	v17 =	vmov s1  }
0x3a6: {  	v17 =	vand.u32 $0x3F, v17  }
0x3a7: {  	v17 =	vbroadcast v17, $0x0  }
0x3a8: {  	vm0 =	veq.s32 v16, $0x0  }
0x3a9: {  	s1 =	simm.s32 $0x1;
	v16 =	vor.u32 v14, v17  }
.LBB2_110:
0x3aa: {  	p1 =	sne.s32 s1, $0x3F  }
.Ltmp56:
0x3ab: {  	v17 =	vmov s1;
	s1 =	sadd.s32 $0x1, s1;
	(pc) =	sbr.rel @p1 .LBB2_110-.Ltmp56, $4  }
0x3ac: {  	v17 =	vand.u32 $0x3F, v17  }
0x3ad: {  	v17 =	vbroadcast v17, $0x0  }
0x3ae: {  	[tilespmem:v16+s16+$0x0] =	vst.idx.msk vm0, v3  }
0x3af: {  	v16 =	vor.u32 v14, v17  }
0x3b0: {  	_ =	sdelay $0x4  }
0x3b1: {  	[tilespmem:v16+s16+$0x0] =	vst.idx.msk vm0, v3  }
0x3b2: {  	v16 =	vld [tilespmem:s30+$0xB8]  }
0x3b3: {  	s1 =	simm.s32 $0x0  }
0x3b4: {  	v17 =	vmov s1  }
0x3b5: {  	v17 =	vand.u32 $0x3F, v17  }
0x3b6: {  	v17 =	vbroadcast v17, $0x0  }
0x3b7: {  	vm0 =	veq.s32 v16, $0x0  }
0x3b8: {  	s1 =	simm.s32 $0x1;
	v16 =	vor.u32 v15, v17  }
.LBB2_112:
0x3b9: {  	p1 =	sne.s32 s1, $0x3F  }
.Ltmp57:
0x3ba: {  	v17 =	vmov s1;
	s1 =	sadd.s32 $0x1, s1;
	(pc) =	sbr.rel @p1 .LBB2_112-.Ltmp57, $4  }
0x3bb: {  	v17 =	vand.u32 $0x3F, v17  }
0x3bc: {  	v17 =	vbroadcast v17, $0x0  }
0x3bd: {  	[tilespmem:v16+s16+$0x0] =	vst.idx.msk vm0, v3  }
0x3be: {  	v16 =	vor.u32 v15, v17  }
0x3bf: {  	_ =	sdelay $0x4  }
0x3c0: {  	[tilespmem:v16+s16+$0x0] =	vst.idx.msk vm0, v3  }
.LBB2_114:
.Ltmp58:
0x3c1: {  	s1 =	sadd.s32 s6, s28;
	(pc) =	sbr.rel @p0 .LBB2_116-.Ltmp58, $3  }
0x3c2: {  	s1 =	smul.u32 $0x640, s1;
	_ =	sdelay $0x1  }
0x3c3: {  	s1 =	sadd.s32 s2, s1  }
0x3c4: {  	[hbm4b:s1+s3] =	stream.linear.scatter [tilespmem:s16], [sflag:$0x8], $0x3200, $0x38;
	[tilespmem:$0x12C10] =	vst v63  }
.Ltmp59:
0x3c5: {  	(pc) =	sbr.rel .LBB2_2-.Ltmp59, $4  }
0x3c6: {  	_ =	swait.ge [sflag:s20], $0x3200  }
0x3c7: {  	[sflag:s20] =	ssyncset.done $0x0  }
0x3c8: {  	s1 =	sadd.s32 $0x3E8, s25;
	s24 =	sadd.s32 $0x1, s24;
	[sflag:s20] =	ssyncadd.s32 $0xFFFFCE00  }
0x3c9: {  	[tilespmem:s11], [sflag:$0x2] =	stream.indirect.gather [hbm4b:s4+s9], $0x40, s1, s9, $0xb8;
	[tilespmem:$0x12C10] =	vst v63  }
.LBB2_117:
0x3ca: {  	_ =	sfence.sel $0x180000  }
0x3cb: {  	[bflag:$0x0] =	sbarrier.arrive $0xFFFF  }
0x3cc: {  	_ =	strace $0x90000047  }
0x3cd: {  	[bflag:$0x2] =	sbarrier.arrive $0xFFFF  }
0x3ce: {  	p0 =	sne.s32 s0, $0x0;
	s0 =	rddreg [dreg:$0x2]  }
0x3cf: {  	s0 =	sadd.s32 @!p0 $0x100000, s0  }
0x3d0: {  	[sflag:s0] =	ssyncadd.tile.s32 @!p0 $0x1;
	_ =	shalt  }
.Lfunc_end2:
_tile_overlayer_lowered:
.L_overlay_start_2:
0x3d1: {  	(tag) =	ssettag $0x2  }
0x3d2: {  	s0 =	rddreg [dreg:$0x0];
	s2 =	stileid.u32  }
0x3d3: {  	s1 =	rddreg [dreg:$0x1];
	p0 =	sne.s32 s2, $0x0  }
0x3d4: {  	s3 =	rddreg [dreg:$0x2];
	[bflag:$0x3] =	sbarrier.arrive $0xFFFF;
	s2 =	simm.s32 @!p0 $0x1C09  }
0x3d5: {  	[timem:s3], [sflag:s2] =	dma.local @!p0 [hbm:s0], s1  }
0x3d6: {  	s0 =	simm.s32 @!p0 $0x9  }
0x3d7: {  	_ =	swait.ge @!p0 [sflag:s0], s1  }
0x3d8: {  	s1 =	ssub.s32 @!p0 $0x0, s1;
	[sflag:s0] =	ssyncset.done @!p0 $0x0  }
0x3d9: {  	[sflag:s0] =	ssyncadd.s32 @!p0 s1  }
0x3da: {  	[bflag:$0x3] =	sbarrier.arrive $0xFFFF  }
0x3db: {  	_ =	shalt  }

// kernel: sparse-core-data-format-call.cloned.1.call-start
scs
called_computation_lowered:
.L_overlay_start_0:
0x0: {  	s2 =	sld [smem:$0x3FD9]  }
0x1: {  	s3 =	sld [smem:$0x3FFE];
	_ =	sdelay $0x1  }
0x2: {  	s1 =	srdreg.scid  }
0x3: {  	s0 =	sand.u32 $0x1, s1  }
0x4: {  	s18 =	sshll.u32 s0, $0xA;
	s2 =	sadd.s32 s3, s2  }
0x5: {  	s2 =	sadd.s32 s2, s18  }
0x6: {  	[smem:$0x3FC6] =	sst s2  }
0x7: {  	_ = 	snop  }
0x8: {  	s2 =	sld [smem:$0x3FD0];
	(tm) =	ssettm $0x1  }
0x9: {  	s19 =	sld [smem:$0x3FFB];
	_ =	sdelay $0x3  }
0xa: {  	_ =	strace s19  }
0xb: {  	s3 =	sld [smem:$0x3FFC];
	_ =	sdelay $0x3  }
0xc: {  	_ =	strace s3  }
0xd: {  	s3 =	sld [smem:$0x3FFD];
	_ =	sdelay $0x3  }
0xe: {  	_ =	strace s3  }
0xf: {  	_ =	strace $0x8FFFFFFF  }
0x10: {  	s20 =	sld [smem:$0x3FDB];
	_ =	sdelay $0x1  }
0x11: {  	s4 =	simm.s32 $_scs_section_size  }
0x12: {  	s5 =	simm.s32 $_size__tile_overlayer_lowered;
	s6 =	simm.s32 $_tile_overlayer_lowered  }
0x13: {  	s23 =	simm.s32 $0x1BFF;
	s22 =	sshll.u32 s6, $0x1;
	s3 =	sadd.s32 s4, s20  }
0x14: {  	s7 =	simm.s32 $0x0;
	s21 =	sshll.u32 s5, $0x1;
	s5 =	sadd.s32 s22, s3  }
0x15: {  	[timem:s7], [sflag:s23] =	dma.local [hbm:s5], s21  }
0x16: {  	_ =	swait.ge [sflag:s23], s21  }
0x17: {  	s4 =	ssub.s32 $0x0, s21;
	[sflag:s23] =	ssyncset.done $0x0  }
0x18: {  	[sflag:s23] =	ssyncadd.s32 s4;
	_ =	sdelay $0x1  }
0x19: {  	s24 =	simm.s32 $0x1B8B  }
0x1a: {  	_ =	swait.ge [sflag:s24], $0x1  }
0x1b: {  	[sflag:s24] =	ssyncset.done $0x0  }
0x1c: {  	s26 =	simm.s32 $0x1B8E;
	s25 =	sld [smem:$0x3FFE];
	[sflag:s24] =	ssyncadd.s32 $0xFFFFFFFF  }
0x1d: {  	s27 =	simm.s32 $execute0_lowered;
	[smem:$0x3FD2] =	sst s26  }
0x1e: {  	s5 =	sshll.u32 s27, $0x1;
	_ =	strace $0x80000049;
	[dreg:$0x1] =	wrdreg $0xFFFFFFFF  }
0x1f: {  	s28 =	simm.s32 $_size_execute0_lowered;
	s3 =	sadd.s32 s3, s5;
	[dreg:$0x0] =	wrdreg $0x0  }
0x20: {  	s5 =	sshll.u32 s28, $0x1;
	[dreg:$0x2] =	wrdreg s3  }
0x21: {  	[dreg:$0x3] =	wrdreg s5  }
0x22: {  	[dreg:$0x4] =	wrdreg $0xC0  }
0x23: {  	_ =	task [dreg:s7], $0x5FFFF  }
0x24: {  	[dreg:$0x1] =	wrdreg $0xFFFFFFFF  }
0x25: {  	[dreg:$0x0] =	wrdreg $0x60  }
0x26: {  	[dreg:$0x2] =	wrdreg s25  }
0x27: {  	[dreg:$0x3] =	wrdreg s2  }
0x28: {  	[dreg:$0x4] =	wrdreg $0x9  }
0x29: {  	_ =	task.clear_ibuf [dreg:s7], $0x5FFFF;
	_ =	strace $0x90000049  }
0x2a: {  	s29 =	simm.s32 $0x9;
	_ =	strace $0x8000004B  }
0x2b: {  	_ =	swait.ge [sflag:s29], $0x1  }
0x2c: {  	[sflag:s29] =	ssyncadd.s32 $0xFFFFFFFF  }
0x2d: {  	_ =	strace $0x9000004B  }
0x2e: {  	_ =	sfence  }
0x2f: {  	s30 =	sld [smem:$0x0];
	_ =	sdelay $0x2  }
0x30: {  	s31 =	sshll.u32 s1, $0xD;
	s1 =	sshrl.u32 s1, $0x2  }
0x31: {  	s3 =	sand.u32 $0x4000, s31;
	s1 =	sadd.s32 s1, s30  }
0x32: {  	s0 =	sor.u32 s3, s0;
	s1 =	sshll.u32 s1, $0x11  }
0x33: {  	s0 =	sor.u32 s1, s0  }
0x34: {  	s0 =	sadd.s32 $0x8F2B, s0  }
0x35: {  	[sflag:s0] =	ssyncadd.remote.s32 $0x1  }
0x36: {  	_ =	sfence.sel $0xFFFF  }
0x37: {  	[dreg:$0x0] =	wrdreg $0xFFFFFFFF;
	(pc) =	sbr.abs _section_cstart, $3  }
0x38: {  	[dreg:$0x1] =	wrdreg $0xFFFFFFFF  }
0x39: {  	_ =	task.clear_ibuf [dreg:s7], $0x2FFFF;
	_ =	strace $0x9FFFFFFF  }
0x3a: {  	(tm) =	ssettm $0x7FFFFFFF  }
0x3b: {  	_ =	shalt  }
tec
execute0_lowered:
.L_overlay_start_1:
0x0: {  	(tag) =	ssettag $0x1  }
0x1: {  	s0 =	srdreg.scid  }
0x2: {  	s1 =	sshll.u32 s0, $0x4  }
0x3: {  	s0 =	stileid.u32;
	s1 =	sand.u32 $0x10, s1  }
0x4: {  	s1 =	sor.u32 s0, s1  }
0x5: {  	s6 =	rddreg [dreg:$0x0];
	s4 =	simm.s32 $0x1;
	s2 =	sshll.u32 s1, $0x7  }
0x6: {  	s7 =	simm.s32 $0x2;
	s12 =	simm.s32 $0x0;
	s1 =	ssub.s32 $0x1000, s2  }
0x7: {  	s8 =	simm.s32 $0x8000;
	s13 =	simm.s32 $0x0;
	s3 =	sand.u32 $0xF80, s1  }
0x8: {  	s9 =	simm.s32 $0x0;
	s5 =	sshrl.u32 s1, $0xC;
	p0 =	sne.s32 s3, $0x0  }
.Ltmp0:
0x9: {  	s1 =	rddreg [dreg:$0x2];
	s4 =	simm.s32 @!p0 $0x0;
	(pc) =	sbr.rel .LBB1_1-.Ltmp0, $4  }
0xa: {  	s11 =	simm.s32 $0x0;
	s3 =	rddreg [dreg:$0x1];
	s5 =	sadd.s32 s4, s5  }
0xb: {  	_ =	strace $0x8000004A;
	s4 =	simm.s32 $0x1;
	s5 =	smul.u32 $0xC8, s5  }
0xc: {  	s6 =	sadd.s32 $0xA00, s6;
	s10 =	smov.u32 s2;
	[sflag:s4] =	ssyncpa.u1 $0x0  }
0xd: {  	p0 =	por $0x0, $0x0;
	[sflag:s7] =	ssyncpa.u1 $0x0;
	s7 =	sor.u32 $0x1, s5  }
.LBB1_4:
0xe: {  	s16 =	sshll.u32 s13, $0x3;
	s17 =	sand.u32 $0x78, s13  }
0xf: {  	s30 =	sand.u32 $0x7E00, s13;
	s12 =	sshll.u32 s12, $0xF;
	s16 =	sand.u32 $0xC00, s16  }
0x10: {  	[tilespmem:s15+$0x810 ss:$0x81] =	vst.msk $0xffff, v2;
	s31 =	sand.u32 $0x7, s13;
	s16 =	sor.u32 s17, s16;
	s17 =	sadd.s32 s3, s30  }
0x11: {  	[tilespmem:s15+$0x1020 ss:$0x81] =	vst.msk $0xffff, v0;
	s13 =	sshll.u32 s31, $0x12;
	s12 =	sadd.s32 s12, s17;
	s16 =	sshrl.u32 s16, $0x3  }
0x12: {  	[tilespmem:s15+$0x0 ss:$0x81] =	vst.msk $0xffff, v1;
	s13 =	sor.u32 $0x400, s13;
	s12 =	sadd.s32 s16, s12  }
0x13: {  	[hbm4b:s12+s13] =	stream.strided.scatter [tilespmem:s14], [sflag:$0x2], $0x2000, s8, s13, $0x20;
	[tilespmem:$0x8080] =	vst v63  }
.LBB1_5:
0x14: {  	s14 =	sadd.s32 $0x1, s9  }
0x15: {  	s12 =	sadd.s32 $0x1000, s10;
	s16 =	smov.u32 s10;
	p2 =	sgt.s32 s14, $0xC7  }
0x16: {  	s16 =	smov.u32 @p2 s12  }
0x17: {  	s14 =	simm.s32 @p2 $0x0;
	p2 =	sgt.s32 s16, $0xFFF  }
0x18: {  	s16 =	smov.u32 @p2 s2;
	p2 =	sne.s32 s11, s7  }
.Ltmp1:
0x19: {  	p1 =	slt.u32 s11, $0x2;
	(pc) =	sbr.rel @!p2 .LBB1_6-.Ltmp1, $4  }
0x1a: {  	s15 =	simm.s32 @!p1 $0x2  }
0x1b: {  	s13 =	smov.u32 s10;
	p0 =	por !p0, !p0;
	_ =	swait.ge @!p1 [sflag:s15], $0x2000  }
0x1c: {  	s12 =	smov.u32 s9;
	[sflag:s15] =	ssyncset.done @!p1 $0x0;
	s9 =	smov.u32 s14  }
0x1d: {  	s11 =	sadd.s32 $0x1, s11;
	[sflag:s15] =	ssyncadd.s32 @!p1 $0xFFFFE000;
	s10 =	smov.u32 s16  }
.LBB1_1:
0x1e: {  	p1 =	sge.u32 s11, s5  }
0x1f: {  	s14 =	sand.u32 @!p1 $0x1FFFFFF, s9  }
0x20: {  	s15 =	smulhi.u32 @!p1 $0x147AE15, s14;
	_ =	sdelay $0x1  }
0x21: {  	s15 =	smul.u32 @!p1 $0xC8, s15  }
0x22: {  	s16 =	sxor.u32 @!p1 $0xFFFFFFFF, s11;
	s17 =	smul.u32 @!p1 $0xC80, s10  }
0x23: {  	s31 =	sadd.s32 $0xFFFFFFFF, s11;
	s16 =	sshll.u32 @!p1 s16, $0xD;
	s14 =	ssub.s32 @!p1 s14, s15  }
0x24: {  	s15 =	sand.u32 @!p1 $0x2000, s16;
	s16 =	sadd.s32 @!p1 s6, s17;
	s14 =	sshll.u32 @!p1 s14, $0x4  }
0x25: {  	s17 =	simm.s32 @!p1 $0x6400;
	s14 =	sadd.s32 @!p1 s14, s16;
	s16 =	simm.s32 @!p1 $0x40  }
0x26: {  	[tilespmem:s15], [sflag:$0x1] =	stream.strided.gather @!p1 [hbm4b:s14+s16], $0x2000, s17, s16, $0x38;
	[tilespmem:$0x8080] =	vst v63  }
0x27: {  	p1 =	sge.u32 s31, s5  }
.Ltmp2:
0x28: {  	_ = 	snop;
	(pc) =	sbr.rel @p1 .LBB1_5-.Ltmp2, $1  }
0x29: {  	_ =	sdelay $0x3  }
0x2a: {  	s14 =	simm.s32 $0x1  }
0x2b: {  	_ =	swait.ge [sflag:s4], $0x2000;
	s14 =	simm.s32 @!p0 $0x0  }
0x2c: {  	[sflag:s4] =	ssyncset.done $0x0;
	s15 =	sshll.u32 s14, $0xD  }
0x2d: {  	[sflag:s4] =	ssyncadd.s32 $0xFFFFE000;
	s18 =	sor.u32 $0x20, s15  }
0x2e: {  	s14 =	smul.u32 $0x8100, s14;
	v3 =	vld [tilespmem:s18+$0x10]  }
0x2f: {  	s30 =	sand.u32 $0x1, s11;
	v2 =	vld [tilespmem:s18+$0xFFFFFFF0]  }
0x30: {  	s15 =	smul.u32 $0x8100, s30;
	s14 =	sshrl.u32 s14, $0x2;
	v0 =	vld [tilespmem:s18+$0x0]  }
0x31: {  	v1 =	vld [tilespmem:s18+$0xFFFFFFE0];
	s16 =	sor.u32 $0x4000, s14  }
0x32: {  	s31 =	sshrl.u32 s15, $0x2;
	s15 =	sadd.s32 $0x0, s16  }
0x33: {  	s17 =	simm.s32 $0x4;
	s18 =	sadd.s32 $0x40, s18;
	s14 =	sor.u32 $0x4000, s31;
	[tilespmem:s15+$0x1830 ss:$0x81] =	vst.msk $0xffff, v3  }
.LBB1_3:
0x34: {  	v3 =	vld [tilespmem:s18+$0x10];
	p1 =	sne.s32 s17, $0x1FC;
	[tilespmem:s15+$0x810 ss:$0x81] =	vst.msk $0xffff, v2;
	s19 =	smov.u32 s17;
	s17 =	sadd.s32 $0x4, s17  }
.Ltmp3:
0x35: {  	v2 =	vld [tilespmem:s18+$0xFFFFFFF0];
	[tilespmem:s15+$0x1020 ss:$0x81] =	vst.msk $0xffff, v0;
	(pc) =	sbr.rel @p1 .LBB1_3-.Ltmp3, $4  }
0x36: {  	v0 =	vld [tilespmem:s18+$0x0];
	[tilespmem:s15+$0x0 ss:$0x81] =	vst.msk $0xffff, v1  }
0x37: {  	s15 =	sshra.s32 s19, $0x2;
	v1 =	vld [tilespmem:s18+$0xFFFFFFE0]  }
0x38: {  	s15 =	sadd.s32 s15, s16  }
0x39: {  	s18 =	sadd.s32 $0x40, s18;
	[tilespmem:s15+$0x1830 ss:$0x81] =	vst.msk $0xffff, v3  }
.Ltmp4:
0x3a: {  	_ = 	snop;
	(pc) =	sbr.rel .LBB1_4-.Ltmp4, $1  }
0x3b: {  	_ =	sdelay $0x3  }
.LBB1_6:
0x3c: {  	_ =	sfence.sel $0x180000  }
0x3d: {  	s2 =	simm.s32 $0x1;
	[bflag:$0x0] =	sbarrier.arrive $0xFFFF  }
0x3e: {  	s31 =	simm.s32 $0x2;
	[sflag:s2] =	ssyncpa.u1 $0x1  }
0x3f: {  	[sflag:s31] =	ssyncpa.u1 $0x1  }
0x40: {  	p0 =	sne.s32 s0, $0x0;
	_ =	strace $0x9000004A  }
0x41: {  	s0 =	sadd.s32 @!p0 $0x100000, s1;
	[bflag:$0x2] =	sbarrier.arrive $0xFFFF  }
0x42: {  	[sflag:s0] =	ssyncadd.tile.s32 @!p0 $0x1;
	_ =	shalt  }
.Lfunc_end1:
_tile_overlayer_lowered:
.L_overlay_start_2:
0x43: {  	(tag) =	ssettag $0x2  }
0x44: {  	s0 =	rddreg [dreg:$0x0];
	s2 =	stileid.u32  }
0x45: {  	s1 =	rddreg [dreg:$0x1];
	p0 =	sne.s32 s2, $0x0  }
0x46: {  	s3 =	rddreg [dreg:$0x2];
	[bflag:$0x3] =	sbarrier.arrive $0xFFFF;
	s2 =	simm.s32 @!p0 $0x1C01  }
0x47: {  	[timem:s3], [sflag:s2] =	dma.local @!p0 [hbm:s0], s1  }
0x48: {  	s0 =	simm.s32 @!p0 $0x1  }
0x49: {  	_ =	swait.ge @!p0 [sflag:s0], s1  }
0x4a: {  	s1 =	ssub.s32 @!p0 $0x0, s1;
	[sflag:s0] =	ssyncset.done @!p0 $0x0  }
0x4b: {  	[sflag:s0] =	ssyncadd.s32 @!p0 s1  }
0x4c: {  	[bflag:$0x3] =	sbarrier.arrive $0xFFFF  }
0x4d: {  	_ =	shalt  }

</sc_bundles>
